<compile_context>
chip_gen: v7x
topology: tpu7x:2x2x1
jax: 0.10.2.dev20260603
libtpu: 0.0.44.dev20260713+nightly
codegen_flags: <defaults>
</compile_context>

<pallas_src>
import functools

import jax
import jax.numpy as jnp
from jax import lax
from jax.experimental import pallas as pl
from jax.experimental.pallas import tpu as pltpu
from jax.experimental.pallas import tpu_sc as plsc

_VOCAB = 1000000
_EMBED = 32
_BATCH = 16384
_HIST = 200

_NC = 2
_NS = 16
_NW = _NC * _NS

_ROWS_PER_W = _BATCH // _NW
_K = 4
_STEPS = _ROWS_PER_W // _K
_NB = 4
_ROUNDS = _STEPS // _NB
_T = _HIST * _EMBED
_TOKENS = _BATCH * _HIST


@functools.partial(
    pl.kernel,
    out_type=jax.ShapeDtypeStruct((_TOKENS, _EMBED), jnp.float32),
    mesh=plsc.VectorSubcoreMesh(core_axis_name="c", subcore_axis_name="s"),
    scratch_types=[
        pltpu.VMEM((_NB, _K, _HIST), jnp.int32),
        pltpu.VMEM((_NB, _K * _HIST, _EMBED), jnp.float32),
        [pltpu.SemaphoreType.DMA] * _NB,
        [pltpu.SemaphoreType.DMA] * _NB,
    ],
    compiler_params=pltpu.CompilerParams(use_tc_tiling_on_sc=False),
)
def _gather_kernel(idx_hbm, table_hbm, out_hbm, idx_v, rows_v, gsem, wsem):
    wid = lax.axis_index("s") * _NC + lax.axis_index("c")
    base0 = wid * _ROWS_PER_W

    def fire_gathers(s, b):
        base = base0 + s * _K
        pltpu.sync_copy(idx_hbm.at[pl.ds(base, _K)], idx_v.at[b])
        for j in range(_K):
            pltpu.async_copy(
                table_hbm.at[idx_v.at[b, j]],
                rows_v.at[b, pl.ds(j * _HIST, _HIST)],
                gsem[b],
            )

    def drain_gathers(b):
        for j in range(_K):
            pltpu.make_async_copy(
                table_hbm.at[idx_v.at[b, j]],
                rows_v.at[b, pl.ds(j * _HIST, _HIST)],
                gsem[b],
            ).wait()

    def fire_write(s, b):
        base = base0 + s * _K
        pltpu.async_copy(
            rows_v.at[b], out_hbm.at[pl.ds(base * _HIST, _K * _HIST)], wsem[b]
        )

    def drain_write(b):
        pltpu.make_async_copy(
            rows_v.at[b], out_hbm.at[pl.ds(base0 * _HIST, _K * _HIST)], wsem[b]
        ).wait()

    def do_step(s, b, prefetch, prefetch_drains):
        if prefetch:
            b2 = (b + 2) % _NB
            if prefetch_drains:
                drain_write(b2)
            fire_gathers(s + 2, b2)
        drain_gathers(b)
        fire_write(s, b)

    fire_gathers(0, 0)
    fire_gathers(1, 1)

    for b in range(_NB):
        do_step(b, b, prefetch=True, prefetch_drains=(b >= 2))

    def round_body(t, carry):
        s0 = t * _NB
        for b in range(_NB):
            do_step(s0 + b, b, prefetch=True, prefetch_drains=True)
        return carry

    lax.fori_loop(1, _ROUNDS - 1, round_body, 0)

    s0 = (_ROUNDS - 1) * _NB
    for b in range(_NB):
        do_step(s0 + b, b, prefetch=(b < 2), prefetch_drains=True)

    for b in range(_NB):
        drain_write(b)


_BB = 128
_IN_ROWS = _BB * _T // 128


def _transpose_body(x_ref, o_ref):
    o_ref[...] = x_ref[...].reshape(_BB, _T).T


_transpose_tc = pl.pallas_call(
    _transpose_body,
    grid=(_BATCH // _BB,),
    in_specs=[pl.BlockSpec((_IN_ROWS, 128), lambda i: (i, 0))],
    out_specs=pl.BlockSpec((_T, _BB), lambda i: (0, i)),
    out_shape=jax.ShapeDtypeStruct((_T, _BATCH), jnp.float32),
)


def kernel(input, table):
    table_wide = lax.optimization_barrier(table.reshape(_VOCAB * _EMBED // 128, 128))
    flat = _gather_kernel(
        input.astype(jnp.int32), table_wide.reshape(_VOCAB, _EMBED)
    )
    wide = flat.reshape(_BATCH * _T // 128, 128)
    out_t = _transpose_tc(wide)
    out_t = out_t.reshape(_HIST, _EMBED, _BATCH)
    return out_t.transpose(2, 0, 1)

# --- scband reference (transcript-rebuilt; emitter-appended) ---
"""Pipeline reference for scband-gru-encoder-13993003450770 (READ-ONLY COPY).

The authoritative reference and input builder live on the scoring server;
editing this copy changes nothing except your own understanding.
"""

import jax, jax.numpy as jnp
import numpy as np

VOCAB = 1000000
EMBED = 32
BATCH = 16384
HIST = 200


def setup_inputs(seed: int = 0) -> dict:
    key = jax.random.key(seed)
    k1, k2 = jax.random.split(key)
    # index tensor: int64 per spec; jax defaults to int32 unless x64 enabled,
    # values are identical and in-range either way.
    input = jax.random.randint(k1, (BATCH, HIST), 0, VOCAB)
    # learned embedding table, matches nn.Embedding(vocab_size, embedding_size)
    table = jax.random.normal(k2, (VOCAB, EMBED), dtype=jnp.float32)
    return {"input": input, "table": table}


def reference(input, table):
    # nn.Embedding forward: row-gather from the table
    return jnp.take(table, input, axis=0)

if __name__ == "__main__":
    import jax
    _d = setup_inputs()
    print(jax.jit(kernel)(*tuple(_d.values())))

</pallas_src>

<mosaic_0001>
#map = affine_map<(d0, d1) -> (0, 0)>
module attributes {stable_mosaic.version = 14 : i64} {
  func.func @_gather_kernel(%arg0: i32, %arg1: i32, %arg2: memref<16384x200xi32, #tpu.memory_space<hbm>>, %arg3: memref<1000000x32xf32, #tpu.memory_space<hbm>>, %arg4: memref<3276800x32xf32, #tpu.memory_space<hbm>>, %arg5: memref<4x4x200xi32, #tpu.memory_space<vmem>>, %arg6: memref<4x800x32xf32, #tpu.memory_space<vmem>>, %arg7: memref<!tpu.dma_semaphore, #tpu.memory_space<semaphore_mem>>, %arg8: memref<!tpu.dma_semaphore, #tpu.memory_space<semaphore_mem>>, %arg9: memref<!tpu.dma_semaphore, #tpu.memory_space<semaphore_mem>>, %arg10: memref<!tpu.dma_semaphore, #tpu.memory_space<semaphore_mem>>, %arg11: memref<!tpu.dma_semaphore, #tpu.memory_space<semaphore_mem>>, %arg12: memref<!tpu.dma_semaphore, #tpu.memory_space<semaphore_mem>>, %arg13: memref<!tpu.dma_semaphore, #tpu.memory_space<semaphore_mem>>, %arg14: memref<!tpu.dma_semaphore, #tpu.memory_space<semaphore_mem>>) attributes {dimension_semantics = [#tpu.dimension_semantics<core_parallel>, #tpu.dimension_semantics<subcore_parallel>], iteration_bounds = array<i64: 2, 16>, scalar_prefetch = 0 : i64, scratch_operands = 10 : i64, tpu.core_type = #tpu.core_type<sc_vector_subcore>, window_params = [{transform_indices = #map}, {transform_indices = #map}, {transform_indices = #map}]} {
    %mul3A = arith.constant 2 : i32
    %mul3A_0 = arith.muli %arg1, %mul3A : i32
    %add3A = arith.addi %mul3A_0, %arg0 : i32
    %mul3A_1 = arith.constant 512 : i32
    %mul3A_2 = arith.muli %add3A, %mul3A_1 : i32
    %add3A_3 = arith.constant 0 : i32
    %add3A_4 = arith.addi %mul3A_2, %add3A_3 : i32
    %run_scoped3A = arith.constant 0 : i32
    "tpu.region"() ({
      %run_scoped3A_1117 = tpu.sem_alloc : memref<!tpu.dma_semaphore, #tpu.memory_space<semaphore_mem>>
      %dma_start3A_1118 = arith.constant 0 : i32
      %dma_start3A_1119 = arith.constant 0 : i32
      %dma_start3A_1120 = tpu.memref_slice %arg5[%run_scoped3A, %dma_start3A_1118, %dma_start3A_1119] : memref<4x4x200xi32, #tpu.memory_space<vmem>> -> memref<1x4x200xi32, #tpu.memory_space<vmem>>
      %dma_start3A_1121 = tpu.memref_squeeze %dma_start3A_1120 : memref<1x4x200xi32, #tpu.memory_space<vmem>> -> memref<4x200xi32, #tpu.memory_space<vmem>>
      %dma_start3A_1122 = arith.constant 0 : i32
      %dma_start3A_1123 = tpu.memref_slice %arg2[%add3A_4, %dma_start3A_1122] : memref<16384x200xi32, #tpu.memory_space<hbm>> -> memref<4x200xi32, #tpu.memory_space<hbm>>
      %dma_start3A_1124 = arith.constant 0 : i32
      %dma_start3A_1125 = arith.constant 0 : i32
      %dma_start3A_1126 = tpu.memref_slice %arg5[%run_scoped3A, %dma_start3A_1124, %dma_start3A_1125] : memref<4x4x200xi32, #tpu.memory_space<vmem>> -> memref<1x4x200xi32, #tpu.memory_space<vmem>>
      %dma_start3A_1127 = tpu.memref_squeeze %dma_start3A_1126 : memref<1x4x200xi32, #tpu.memory_space<vmem>> -> memref<4x200xi32, #tpu.memory_space<vmem>>
      %dma_start3A_1128 = arith.constant 0 : i32
      %dma_start3A_1129 = tpu.memref_slice %arg2[%add3A_4, %dma_start3A_1128] : memref<16384x200xi32, #tpu.memory_space<hbm>> -> memref<4x200xi32, #tpu.memory_space<hbm>>
      tpu.enqueue_dma source(%dma_start3A_1129 : memref<4x200xi32, #tpu.memory_space<hbm>>) target(%dma_start3A_1127 : memref<4x200xi32, #tpu.memory_space<vmem>>) target_semaphore(%run_scoped3A_1117 : memref<!tpu.dma_semaphore, #tpu.memory_space<semaphore_mem>>)
      %dma_wait3A_1130 = arith.constant 0 : i32
      %dma_wait3A_1131 = arith.constant 0 : i32
      %dma_wait3A_1132 = tpu.memref_slice %arg5[%run_scoped3A, %dma_wait3A_1130, %dma_wait3A_1131] : memref<4x4x200xi32, #tpu.memory_space<vmem>> -> memref<1x4x200xi32, #tpu.memory_space<vmem>>
      %dma_wait3A_1133 = tpu.memref_squeeze %dma_wait3A_1132 : memref<1x4x200xi32, #tpu.memory_space<vmem>> -> memref<4x200xi32, #tpu.memory_space<vmem>>
      %dma_wait3A_1134 = arith.constant 0 : i32
      %dma_wait3A_1135 = tpu.memref_slice %arg2[%add3A_4, %dma_wait3A_1134] : memref<16384x200xi32, #tpu.memory_space<hbm>> -> memref<4x200xi32, #tpu.memory_space<hbm>>
      %dma_wait3A_1136 = arith.constant 0 : i32
      %dma_wait3A_1137 = arith.constant 0 : i32
      %dma_wait3A_1138 = tpu.memref_slice %arg5[%run_scoped3A, %dma_wait3A_1136, %dma_wait3A_1137] : memref<4x4x200xi32, #tpu.memory_space<vmem>> -> memref<1x4x200xi32, #tpu.memory_space<vmem>>
      %dma_wait3A_1139 = tpu.memref_squeeze %dma_wait3A_1138 : memref<1x4x200xi32, #tpu.memory_space<vmem>> -> memref<4x200xi32, #tpu.memory_space<vmem>>
      %dma_wait3A_1140 = arith.constant 0 : i32
      %dma_wait3A_1141 = tpu.memref_slice %arg2[%add3A_4, %dma_wait3A_1140] : memref<16384x200xi32, #tpu.memory_space<hbm>> -> memref<4x200xi32, #tpu.memory_space<hbm>>
      tpu.wait_dma2 semaphore(%run_scoped3A_1117 : memref<!tpu.dma_semaphore, #tpu.memory_space<semaphore_mem>>) src(%dma_wait3A_1141 : memref<4x200xi32, #tpu.memory_space<hbm>>) dst(%dma_wait3A_1139 : memref<4x200xi32, #tpu.memory_space<vmem>>)
      tpu.yield
    }) : () -> ()
    %dma_start3A = arith.constant 0 : i32
    %dma_start3A_5 = arith.constant 0 : i32
    %dma_start3A_6 = arith.constant 0 : i32
    %dma_start3A_7 = arith.constant 0 : i32
    %dma_start3A_8 = arith.constant 0 : i32
    %dma_start3A_9 = tpu.memref_slice %arg6[%dma_start3A_6, %dma_start3A_7, %dma_start3A_8] : memref<4x800x32xf32, #tpu.memory_space<vmem>> -> memref<1x200x32xf32, #tpu.memory_space<vmem>>
    %dma_start3A_10 = tpu.memref_squeeze %dma_start3A_9 : memref<1x200x32xf32, #tpu.memory_space<vmem>> -> memref<200x32xf32, #tpu.memory_space<vmem>>
    %dma_start3A_11 = arith.constant 0 : i32
    %dma_start3A_12 = tpu.memref_slice %arg5[%dma_start3A, %dma_start3A_5, %dma_start3A_11] : memref<4x4x200xi32, #tpu.memory_space<vmem>> -> memref<1x1x200xi32, #tpu.memory_space<vmem>>
    %dma_start3A_13 = tpu.memref_squeeze %dma_start3A_12 : memref<1x1x200xi32, #tpu.memory_space<vmem>> -> memref<200xi32, #tpu.memory_space<vmem>>
    %dma_start3A_14 = arith.constant 0 : i32
    %dma_start3A_15 = arith.constant 0 : i32
    %dma_start3A_16 = tpu.memref_slice %arg3[%dma_start3A_14, %dma_start3A_15] : memref<1000000x32xf32, #tpu.memory_space<hbm>> -> memref<1000000x32xf32, #tpu.memory_space<hbm>>
    tpu.enqueue_indirect_dma source(%dma_start3A_16 : memref<1000000x32xf32, #tpu.memory_space<hbm>>) target(%dma_start3A_10 : memref<200x32xf32, #tpu.memory_space<vmem>>) offsets(%dma_start3A_13 : memref<200xi32, #tpu.memory_space<vmem>>) semaphore(%arg7 : memref<!tpu.dma_semaphore, #tpu.memory_space<semaphore_mem>>)
    %dma_start3A_17 = arith.constant 0 : i32
    %dma_start3A_18 = arith.constant 1 : i32
    %dma_start3A_19 = arith.constant 0 : i32
    %dma_start3A_20 = arith.constant 200 : i32
    %dma_start3A_21 = arith.constant 0 : i32
    %dma_start3A_22 = tpu.memref_slice %arg6[%dma_start3A_19, %dma_start3A_20, %dma_start3A_21] : memref<4x800x32xf32, #tpu.memory_space<vmem>> -> memref<1x200x32xf32, #tpu.memory_space<vmem>>
    %dma_start3A_23 = tpu.memref_squeeze %dma_start3A_22 : memref<1x200x32xf32, #tpu.memory_space<vmem>> -> memref<200x32xf32, #tpu.memory_space<vmem>>
    %dma_start3A_24 = arith.constant 0 : i32
    %dma_start3A_25 = tpu.memref_slice %arg5[%dma_start3A_17, %dma_start3A_18, %dma_start3A_24] : memref<4x4x200xi32, #tpu.memory_space<vmem>> -> memref<1x1x200xi32, #tpu.memory_space<vmem>>
    %dma_start3A_26 = tpu.memref_squeeze %dma_start3A_25 : memref<1x1x200xi32, #tpu.memory_space<vmem>> -> memref<200xi32, #tpu.memory_space<vmem>>
    %dma_start3A_27 = arith.constant 0 : i32
    %dma_start3A_28 = arith.constant 0 : i32
    %dma_start3A_29 = tpu.memref_slice %arg3[%dma_start3A_27, %dma_start3A_28] : memref<1000000x32xf32, #tpu.memory_space<hbm>> -> memref<1000000x32xf32, #tpu.memory_space<hbm>>
    tpu.enqueue_indirect_dma source(%dma_start3A_29 : memref<1000000x32xf32, #tpu.memory_space<hbm>>) target(%dma_start3A_23 : memref<200x32xf32, #tpu.memory_space<vmem>>) offsets(%dma_start3A_26 : memref<200xi32, #tpu.memory_space<vmem>>) semaphore(%arg7 : memref<!tpu.dma_semaphore, #tpu.memory_space<semaphore_mem>>)
    %dma_start3A_30 = arith.constant 0 : i32
    %dma_start3A_31 = arith.constant 2 : i32
    %dma_start3A_32 = arith.constant 0 : i32
    %dma_start3A_33 = arith.constant 400 : i32
    %dma_start3A_34 = arith.constant 0 : i32
    %dma_start3A_35 = tpu.memref_slice %arg6[%dma_start3A_32, %dma_start3A_33, %dma_start3A_34] : memref<4x800x32xf32, #tpu.memory_space<vmem>> -> memref<1x200x32xf32, #tpu.memory_space<vmem>>
    %dma_start3A_36 = tpu.memref_squeeze %dma_start3A_35 : memref<1x200x32xf32, #tpu.memory_space<vmem>> -> memref<200x32xf32, #tpu.memory_space<vmem>>
    %dma_start3A_37 = arith.constant 0 : i32
    %dma_start3A_38 = tpu.memref_slice %arg5[%dma_start3A_30, %dma_start3A_31, %dma_start3A_37] : memref<4x4x200xi32, #tpu.memory_space<vmem>> -> memref<1x1x200xi32, #tpu.memory_space<vmem>>
    %dma_start3A_39 = tpu.memref_squeeze %dma_start3A_38 : memref<1x1x200xi32, #tpu.memory_space<vmem>> -> memref<200xi32, #tpu.memory_space<vmem>>
    %dma_start3A_40 = arith.constant 0 : i32
    %dma_start3A_41 = arith.constant 0 : i32
    %dma_start3A_42 = tpu.memref_slice %arg3[%dma_start3A_40, %dma_start3A_41] : memref<1000000x32xf32, #tpu.memory_space<hbm>> -> memref<1000000x32xf32, #tpu.memory_space<hbm>>
    tpu.enqueue_indirect_dma source(%dma_start3A_42 : memref<1000000x32xf32, #tpu.memory_space<hbm>>) target(%dma_start3A_36 : memref<200x32xf32, #tpu.memory_space<vmem>>) offsets(%dma_start3A_39 : memref<200xi32, #tpu.memory_space<vmem>>) semaphore(%arg7 : memref<!tpu.dma_semaphore, #tpu.memory_space<semaphore_mem>>)
    %dma_start3A_43 = arith.constant 0 : i32
    %dma_start3A_44 = arith.constant 3 : i32
    %dma_start3A_45 = arith.constant 0 : i32
    %dma_start3A_46 = arith.constant 600 : i32
    %dma_start3A_47 = arith.constant 0 : i32
    %dma_start3A_48 = tpu.memref_slice %arg6[%dma_start3A_45, %dma_start3A_46, %dma_start3A_47] : memref<4x800x32xf32, #tpu.memory_space<vmem>> -> memref<1x200x32xf32, #tpu.memory_space<vmem>>
    %dma_start3A_49 = tpu.memref_squeeze %dma_start3A_48 : memref<1x200x32xf32, #tpu.memory_space<vmem>> -> memref<200x32xf32, #tpu.memory_space<vmem>>
    %dma_start3A_50 = arith.constant 0 : i32
    %dma_start3A_51 = tpu.memref_slice %arg5[%dma_start3A_43, %dma_start3A_44, %dma_start3A_50] : memref<4x4x200xi32, #tpu.memory_space<vmem>> -> memref<1x1x200xi32, #tpu.memory_space<vmem>>
    %dma_start3A_52 = tpu.memref_squeeze %dma_start3A_51 : memref<1x1x200xi32, #tpu.memory_space<vmem>> -> memref<200xi32, #tpu.memory_space<vmem>>
    %dma_start3A_53 = arith.constant 0 : i32
    %dma_start3A_54 = arith.constant 0 : i32
    %dma_start3A_55 = tpu.memref_slice %arg3[%dma_start3A_53, %dma_start3A_54] : memref<1000000x32xf32, #tpu.memory_space<hbm>> -> memref<1000000x32xf32, #tpu.memory_space<hbm>>
    tpu.enqueue_indirect_dma source(%dma_start3A_55 : memref<1000000x32xf32, #tpu.memory_space<hbm>>) target(%dma_start3A_49 : memref<200x32xf32, #tpu.memory_space<vmem>>) offsets(%dma_start3A_52 : memref<200xi32, #tpu.memory_space<vmem>>) semaphore(%arg7 : memref<!tpu.dma_semaphore, #tpu.memory_space<semaphore_mem>>)
    %add3A_56 = arith.constant 4 : i32
    %add3A_57 = arith.addi %mul3A_2, %add3A_56 : i32
    %run_scoped3A_58 = arith.constant 1 : i32
    "tpu.region"() ({
      %run_scoped3A_1117 = tpu.sem_alloc : memref<!tpu.dma_semaphore, #tpu.memory_space<semaphore_mem>>
      %dma_start3A_1118 = arith.constant 0 : i32
      %dma_start3A_1119 = arith.constant 0 : i32
      %dma_start3A_1120 = tpu.memref_slice %arg5[%run_scoped3A_58, %dma_start3A_1118, %dma_start3A_1119] : memref<4x4x200xi32, #tpu.memory_space<vmem>> -> memref<1x4x200xi32, #tpu.memory_space<vmem>>
      %dma_start3A_1121 = tpu.memref_squeeze %dma_start3A_1120 : memref<1x4x200xi32, #tpu.memory_space<vmem>> -> memref<4x200xi32, #tpu.memory_space<vmem>>
      %dma_start3A_1122 = arith.constant 0 : i32
      %dma_start3A_1123 = tpu.memref_slice %arg2[%add3A_57, %dma_start3A_1122] : memref<16384x200xi32, #tpu.memory_space<hbm>> -> memref<4x200xi32, #tpu.memory_space<hbm>>
      %dma_start3A_1124 = arith.constant 0 : i32
      %dma_start3A_1125 = arith.constant 0 : i32
      %dma_start3A_1126 = tpu.memref_slice %arg5[%run_scoped3A_58, %dma_start3A_1124, %dma_start3A_1125] : memref<4x4x200xi32, #tpu.memory_space<vmem>> -> memref<1x4x200xi32, #tpu.memory_space<vmem>>
      %dma_start3A_1127 = tpu.memref_squeeze %dma_start3A_1126 : memref<1x4x200xi32, #tpu.memory_space<vmem>> -> memref<4x200xi32, #tpu.memory_space<vmem>>
      %dma_start3A_1128 = arith.constant 0 : i32
      %dma_start3A_1129 = tpu.memref_slice %arg2[%add3A_57, %dma_start3A_1128] : memref<16384x200xi32, #tpu.memory_space<hbm>> -> memref<4x200xi32, #tpu.memory_space<hbm>>
      tpu.enqueue_dma source(%dma_start3A_1129 : memref<4x200xi32, #tpu.memory_space<hbm>>) target(%dma_start3A_1127 : memref<4x200xi32, #tpu.memory_space<vmem>>) target_semaphore(%run_scoped3A_1117 : memref<!tpu.dma_semaphore, #tpu.memory_space<semaphore_mem>>)
      %dma_wait3A_1130 = arith.constant 0 : i32
      %dma_wait3A_1131 = arith.constant 0 : i32
      %dma_wait3A_1132 = tpu.memref_slice %arg5[%run_scoped3A_58, %dma_wait3A_1130, %dma_wait3A_1131] : memref<4x4x200xi32, #tpu.memory_space<vmem>> -> memref<1x4x200xi32, #tpu.memory_space<vmem>>
      %dma_wait3A_1133 = tpu.memref_squeeze %dma_wait3A_1132 : memref<1x4x200xi32, #tpu.memory_space<vmem>> -> memref<4x200xi32, #tpu.memory_space<vmem>>
      %dma_wait3A_1134 = arith.constant 0 : i32
      %dma_wait3A_1135 = tpu.memref_slice %arg2[%add3A_57, %dma_wait3A_1134] : memref<16384x200xi32, #tpu.memory_space<hbm>> -> memref<4x200xi32, #tpu.memory_space<hbm>>
      %dma_wait3A_1136 = arith.constant 0 : i32
      %dma_wait3A_1137 = arith.constant 0 : i32
      %dma_wait3A_1138 = tpu.memref_slice %arg5[%run_scoped3A_58, %dma_wait3A_1136, %dma_wait3A_1137] : memref<4x4x200xi32, #tpu.memory_space<vmem>> -> memref<1x4x200xi32, #tpu.memory_space<vmem>>
      %dma_wait3A_1139 = tpu.memref_squeeze %dma_wait3A_1138 : memref<1x4x200xi32, #tpu.memory_space<vmem>> -> memref<4x200xi32, #tpu.memory_space<vmem>>
      %dma_wait3A_1140 = arith.constant 0 : i32
      %dma_wait3A_1141 = tpu.memref_slice %arg2[%add3A_57, %dma_wait3A_1140] : memref<16384x200xi32, #tpu.memory_space<hbm>> -> memref<4x200xi32, #tpu.memory_space<hbm>>
      tpu.wait_dma2 semaphore(%run_scoped3A_1117 : memref<!tpu.dma_semaphore, #tpu.memory_space<semaphore_mem>>) src(%dma_wait3A_1141 : memref<4x200xi32, #tpu.memory_space<hbm>>) dst(%dma_wait3A_1139 : memref<4x200xi32, #tpu.memory_space<vmem>>)
      tpu.yield
    }) : () -> ()
    %dma_start3A_59 = arith.constant 1 : i32
    %dma_start3A_60 = arith.constant 0 : i32
    %dma_start3A_61 = arith.constant 1 : i32
    %dma_start3A_62 = arith.constant 0 : i32
    %dma_start3A_63 = arith.constant 0 : i32
    %dma_start3A_64 = tpu.memref_slice %arg6[%dma_start3A_61, %dma_start3A_62, %dma_start3A_63] : memref<4x800x32xf32, #tpu.memory_space<vmem>> -> memref<1x200x32xf32, #tpu.memory_space<vmem>>
    %dma_start3A_65 = tpu.memref_squeeze %dma_start3A_64 : memref<1x200x32xf32, #tpu.memory_space<vmem>> -> memref<200x32xf32, #tpu.memory_space<vmem>>
    %dma_start3A_66 = arith.constant 0 : i32
    %dma_start3A_67 = tpu.memref_slice %arg5[%dma_start3A_59, %dma_start3A_60, %dma_start3A_66] : memref<4x4x200xi32, #tpu.memory_space<vmem>> -> memref<1x1x200xi32, #tpu.memory_space<vmem>>
    %dma_start3A_68 = tpu.memref_squeeze %dma_start3A_67 : memref<1x1x200xi32, #tpu.memory_space<vmem>> -> memref<200xi32, #tpu.memory_space<vmem>>
    %dma_start3A_69 = arith.constant 0 : i32
    %dma_start3A_70 = arith.constant 0 : i32
    %dma_start3A_71 = tpu.memref_slice %arg3[%dma_start3A_69, %dma_start3A_70] : memref<1000000x32xf32, #tpu.memory_space<hbm>> -> memref<1000000x32xf32, #tpu.memory_space<hbm>>
    tpu.enqueue_indirect_dma source(%dma_start3A_71 : memref<1000000x32xf32, #tpu.memory_space<hbm>>) target(%dma_start3A_65 : memref<200x32xf32, #tpu.memory_space<vmem>>) offsets(%dma_start3A_68 : memref<200xi32, #tpu.memory_space<vmem>>) semaphore(%arg8 : memref<!tpu.dma_semaphore, #tpu.memory_space<semaphore_mem>>)
    %dma_start3A_72 = arith.constant 1 : i32
    %dma_start3A_73 = arith.constant 1 : i32
    %dma_start3A_74 = arith.constant 1 : i32
    %dma_start3A_75 = arith.constant 200 : i32
    %dma_start3A_76 = arith.constant 0 : i32
    %dma_start3A_77 = tpu.memref_slice %arg6[%dma_start3A_74, %dma_start3A_75, %dma_start3A_76] : memref<4x800x32xf32, #tpu.memory_space<vmem>> -> memref<1x200x32xf32, #tpu.memory_space<vmem>>
    %dma_start3A_78 = tpu.memref_squeeze %dma_start3A_77 : memref<1x200x32xf32, #tpu.memory_space<vmem>> -> memref<200x32xf32, #tpu.memory_space<vmem>>
    %dma_start3A_79 = arith.constant 0 : i32
    %dma_start3A_80 = tpu.memref_slice %arg5[%dma_start3A_72, %dma_start3A_73, %dma_start3A_79] : memref<4x4x200xi32, #tpu.memory_space<vmem>> -> memref<1x1x200xi32, #tpu.memory_space<vmem>>
    %dma_start3A_81 = tpu.memref_squeeze %dma_start3A_80 : memref<1x1x200xi32, #tpu.memory_space<vmem>> -> memref<200xi32, #tpu.memory_space<vmem>>
    %dma_start3A_82 = arith.constant 0 : i32
    %dma_start3A_83 = arith.constant 0 : i32
    %dma_start3A_84 = tpu.memref_slice %arg3[%dma_start3A_82, %dma_start3A_83] : memref<1000000x32xf32, #tpu.memory_space<hbm>> -> memref<1000000x32xf32, #tpu.memory_space<hbm>>
    tpu.enqueue_indirect_dma source(%dma_start3A_84 : memref<1000000x32xf32, #tpu.memory_space<hbm>>) target(%dma_start3A_78 : memref<200x32xf32, #tpu.memory_space<vmem>>) offsets(%dma_start3A_81 : memref<200xi32, #tpu.memory_space<vmem>>) semaphore(%arg8 : memref<!tpu.dma_semaphore, #tpu.memory_space<semaphore_mem>>)
    %dma_start3A_85 = arith.constant 1 : i32
    %dma_start3A_86 = arith.constant 2 : i32
    %dma_start3A_87 = arith.constant 1 : i32
    %dma_start3A_88 = arith.constant 400 : i32
    %dma_start3A_89 = arith.constant 0 : i32
    %dma_start3A_90 = tpu.memref_slice %arg6[%dma_start3A_87, %dma_start3A_88, %dma_start3A_89] : memref<4x800x32xf32, #tpu.memory_space<vmem>> -> memref<1x200x32xf32, #tpu.memory_space<vmem>>
    %dma_start3A_91 = tpu.memref_squeeze %dma_start3A_90 : memref<1x200x32xf32, #tpu.memory_space<vmem>> -> memref<200x32xf32, #tpu.memory_space<vmem>>
    %dma_start3A_92 = arith.constant 0 : i32
    %dma_start3A_93 = tpu.memref_slice %arg5[%dma_start3A_85, %dma_start3A_86, %dma_start3A_92] : memref<4x4x200xi32, #tpu.memory_space<vmem>> -> memref<1x1x200xi32, #tpu.memory_space<vmem>>
    %dma_start3A_94 = tpu.memref_squeeze %dma_start3A_93 : memref<1x1x200xi32, #tpu.memory_space<vmem>> -> memref<200xi32, #tpu.memory_space<vmem>>
    %dma_start3A_95 = arith.constant 0 : i32
    %dma_start3A_96 = arith.constant 0 : i32
    %dma_start3A_97 = tpu.memref_slice %arg3[%dma_start3A_95, %dma_start3A_96] : memref<1000000x32xf32, #tpu.memory_space<hbm>> -> memref<1000000x32xf32, #tpu.memory_space<hbm>>
    tpu.enqueue_indirect_dma source(%dma_start3A_97 : memref<1000000x32xf32, #tpu.memory_space<hbm>>) target(%dma_start3A_91 : memref<200x32xf32, #tpu.memory_space<vmem>>) offsets(%dma_start3A_94 : memref<200xi32, #tpu.memory_space<vmem>>) semaphore(%arg8 : memref<!tpu.dma_semaphore, #tpu.memory_space<semaphore_mem>>)
    %dma_start3A_98 = arith.constant 1 : i32
    %dma_start3A_99 = arith.constant 3 : i32
    %dma_start3A_100 = arith.constant 1 : i32
    %dma_start3A_101 = arith.constant 600 : i32
    %dma_start3A_102 = arith.constant 0 : i32
    %dma_start3A_103 = tpu.memref_slice %arg6[%dma_start3A_100, %dma_start3A_101, %dma_start3A_102] : memref<4x800x32xf32, #tpu.memory_space<vmem>> -> memref<1x200x32xf32, #tpu.memory_space<vmem>>
    %dma_start3A_104 = tpu.memref_squeeze %dma_start3A_103 : memref<1x200x32xf32, #tpu.memory_space<vmem>> -> memref<200x32xf32, #tpu.memory_space<vmem>>
    %dma_start3A_105 = arith.constant 0 : i32
    %dma_start3A_106 = tpu.memref_slice %arg5[%dma_start3A_98, %dma_start3A_99, %dma_start3A_105] : memref<4x4x200xi32, #tpu.memory_space<vmem>> -> memref<1x1x200xi32, #tpu.memory_space<vmem>>
    %dma_start3A_107 = tpu.memref_squeeze %dma_start3A_106 : memref<1x1x200xi32, #tpu.memory_space<vmem>> -> memref<200xi32, #tpu.memory_space<vmem>>
    %dma_start3A_108 = arith.constant 0 : i32
    %dma_start3A_109 = arith.constant 0 : i32
    %dma_start3A_110 = tpu.memref_slice %arg3[%dma_start3A_108, %dma_start3A_109] : memref<1000000x32xf32, #tpu.memory_space<hbm>> -> memref<1000000x32xf32, #tpu.memory_space<hbm>>
    tpu.enqueue_indirect_dma source(%dma_start3A_110 : memref<1000000x32xf32, #tpu.memory_space<hbm>>) target(%dma_start3A_104 : memref<200x32xf32, #tpu.memory_space<vmem>>) offsets(%dma_start3A_107 : memref<200xi32, #tpu.memory_space<vmem>>) semaphore(%arg8 : memref<!tpu.dma_semaphore, #tpu.memory_space<semaphore_mem>>)
    %add3A_111 = arith.constant 8 : i32
    %add3A_112 = arith.addi %mul3A_2, %add3A_111 : i32
    %run_scoped3A_113 = arith.constant 2 : i32
    "tpu.region"() ({
      %run_scoped3A_1117 = tpu.sem_alloc : memref<!tpu.dma_semaphore, #tpu.memory_space<semaphore_mem>>
      %dma_start3A_1118 = arith.constant 0 : i32
      %dma_start3A_1119 = arith.constant 0 : i32
      %dma_start3A_1120 = tpu.memref_slice %arg5[%run_scoped3A_113, %dma_start3A_1118, %dma_start3A_1119] : memref<4x4x200xi32, #tpu.memory_space<vmem>> -> memref<1x4x200xi32, #tpu.memory_space<vmem>>
      %dma_start3A_1121 = tpu.memref_squeeze %dma_start3A_1120 : memref<1x4x200xi32, #tpu.memory_space<vmem>> -> memref<4x200xi32, #tpu.memory_space<vmem>>
      %dma_start3A_1122 = arith.constant 0 : i32
      %dma_start3A_1123 = tpu.memref_slice %arg2[%add3A_112, %dma_start3A_1122] : memref<16384x200xi32, #tpu.memory_space<hbm>> -> memref<4x200xi32, #tpu.memory_space<hbm>>
      %dma_start3A_1124 = arith.constant 0 : i32
      %dma_start3A_1125 = arith.constant 0 : i32
      %dma_start3A_1126 = tpu.memref_slice %arg5[%run_scoped3A_113, %dma_start3A_1124, %dma_start3A_1125] : memref<4x4x200xi32, #tpu.memory_space<vmem>> -> memref<1x4x200xi32, #tpu.memory_space<vmem>>
      %dma_start3A_1127 = tpu.memref_squeeze %dma_start3A_1126 : memref<1x4x200xi32, #tpu.memory_space<vmem>> -> memref<4x200xi32, #tpu.memory_space<vmem>>
      %dma_start3A_1128 = arith.constant 0 : i32
      %dma_start3A_1129 = tpu.memref_slice %arg2[%add3A_112, %dma_start3A_1128] : memref<16384x200xi32, #tpu.memory_space<hbm>> -> memref<4x200xi32, #tpu.memory_space<hbm>>
      tpu.enqueue_dma source(%dma_start3A_1129 : memref<4x200xi32, #tpu.memory_space<hbm>>) target(%dma_start3A_1127 : memref<4x200xi32, #tpu.memory_space<vmem>>) target_semaphore(%run_scoped3A_1117 : memref<!tpu.dma_semaphore, #tpu.memory_space<semaphore_mem>>)
      %dma_wait3A_1130 = arith.constant 0 : i32
      %dma_wait3A_1131 = arith.constant 0 : i32
      %dma_wait3A_1132 = tpu.memref_slice %arg5[%run_scoped3A_113, %dma_wait3A_1130, %dma_wait3A_1131] : memref<4x4x200xi32, #tpu.memory_space<vmem>> -> memref<1x4x200xi32, #tpu.memory_space<vmem>>
      %dma_wait3A_1133 = tpu.memref_squeeze %dma_wait3A_1132 : memref<1x4x200xi32, #tpu.memory_space<vmem>> -> memref<4x200xi32, #tpu.memory_space<vmem>>
      %dma_wait3A_1134 = arith.constant 0 : i32
      %dma_wait3A_1135 = tpu.memref_slice %arg2[%add3A_112, %dma_wait3A_1134] : memref<16384x200xi32, #tpu.memory_space<hbm>> -> memref<4x200xi32, #tpu.memory_space<hbm>>
      %dma_wait3A_1136 = arith.constant 0 : i32
      %dma_wait3A_1137 = arith.constant 0 : i32
      %dma_wait3A_1138 = tpu.memref_slice %arg5[%run_scoped3A_113, %dma_wait3A_1136, %dma_wait3A_1137] : memref<4x4x200xi32, #tpu.memory_space<vmem>> -> memref<1x4x200xi32, #tpu.memory_space<vmem>>
      %dma_wait3A_1139 = tpu.memref_squeeze %dma_wait3A_1138 : memref<1x4x200xi32, #tpu.memory_space<vmem>> -> memref<4x200xi32, #tpu.memory_space<vmem>>
      %dma_wait3A_1140 = arith.constant 0 : i32
      %dma_wait3A_1141 = tpu.memref_slice %arg2[%add3A_112, %dma_wait3A_1140] : memref<16384x200xi32, #tpu.memory_space<hbm>> -> memref<4x200xi32, #tpu.memory_space<hbm>>
      tpu.wait_dma2 semaphore(%run_scoped3A_1117 : memref<!tpu.dma_semaphore, #tpu.memory_space<semaphore_mem>>) src(%dma_wait3A_1141 : memref<4x200xi32, #tpu.memory_space<hbm>>) dst(%dma_wait3A_1139 : memref<4x200xi32, #tpu.memory_space<vmem>>)
      tpu.yield
    }) : () -> ()
    %dma_start3A_114 = arith.constant 2 : i32
    %dma_start3A_115 = arith.constant 0 : i32
    %dma_start3A_116 = arith.constant 2 : i32
    %dma_start3A_117 = arith.constant 0 : i32
    %dma_start3A_118 = arith.constant 0 : i32
    %dma_start3A_119 = tpu.memref_slice %arg6[%dma_start3A_116, %dma_start3A_117, %dma_start3A_118] : memref<4x800x32xf32, #tpu.memory_space<vmem>> -> memref<1x200x32xf32, #tpu.memory_space<vmem>>
    %dma_start3A_120 = tpu.memref_squeeze %dma_start3A_119 : memref<1x200x32xf32, #tpu.memory_space<vmem>> -> memref<200x32xf32, #tpu.memory_space<vmem>>
    %dma_start3A_121 = arith.constant 0 : i32
    %dma_start3A_122 = tpu.memref_slice %arg5[%dma_start3A_114, %dma_start3A_115, %dma_start3A_121] : memref<4x4x200xi32, #tpu.memory_space<vmem>> -> memref<1x1x200xi32, #tpu.memory_space<vmem>>
    %dma_start3A_123 = tpu.memref_squeeze %dma_start3A_122 : memref<1x1x200xi32, #tpu.memory_space<vmem>> -> memref<200xi32, #tpu.memory_space<vmem>>
    %dma_start3A_124 = arith.constant 0 : i32
    %dma_start3A_125 = arith.constant 0 : i32
    %dma_start3A_126 = tpu.memref_slice %arg3[%dma_start3A_124, %dma_start3A_125] : memref<1000000x32xf32, #tpu.memory_space<hbm>> -> memref<1000000x32xf32, #tpu.memory_space<hbm>>
    tpu.enqueue_indirect_dma source(%dma_start3A_126 : memref<1000000x32xf32, #tpu.memory_space<hbm>>) target(%dma_start3A_120 : memref<200x32xf32, #tpu.memory_space<vmem>>) offsets(%dma_start3A_123 : memref<200xi32, #tpu.memory_space<vmem>>) semaphore(%arg9 : memref<!tpu.dma_semaphore, #tpu.memory_space<semaphore_mem>>)
    %dma_start3A_127 = arith.constant 2 : i32
    %dma_start3A_128 = arith.constant 1 : i32
    %dma_start3A_129 = arith.constant 2 : i32
    %dma_start3A_130 = arith.constant 200 : i32
    %dma_start3A_131 = arith.constant 0 : i32
    %dma_start3A_132 = tpu.memref_slice %arg6[%dma_start3A_129, %dma_start3A_130, %dma_start3A_131] : memref<4x800x32xf32, #tpu.memory_space<vmem>> -> memref<1x200x32xf32, #tpu.memory_space<vmem>>
    %dma_start3A_133 = tpu.memref_squeeze %dma_start3A_132 : memref<1x200x32xf32, #tpu.memory_space<vmem>> -> memref<200x32xf32, #tpu.memory_space<vmem>>
    %dma_start3A_134 = arith.constant 0 : i32
    %dma_start3A_135 = tpu.memref_slice %arg5[%dma_start3A_127, %dma_start3A_128, %dma_start3A_134] : memref<4x4x200xi32, #tpu.memory_space<vmem>> -> memref<1x1x200xi32, #tpu.memory_space<vmem>>
    %dma_start3A_136 = tpu.memref_squeeze %dma_start3A_135 : memref<1x1x200xi32, #tpu.memory_space<vmem>> -> memref<200xi32, #tpu.memory_space<vmem>>
    %dma_start3A_137 = arith.constant 0 : i32
    %dma_start3A_138 = arith.constant 0 : i32
    %dma_start3A_139 = tpu.memref_slice %arg3[%dma_start3A_137, %dma_start3A_138] : memref<1000000x32xf32, #tpu.memory_space<hbm>> -> memref<1000000x32xf32, #tpu.memory_space<hbm>>
    tpu.enqueue_indirect_dma source(%dma_start3A_139 : memref<1000000x32xf32, #tpu.memory_space<hbm>>) target(%dma_start3A_133 : memref<200x32xf32, #tpu.memory_space<vmem>>) offsets(%dma_start3A_136 : memref<200xi32, #tpu.memory_space<vmem>>) semaphore(%arg9 : memref<!tpu.dma_semaphore, #tpu.memory_space<semaphore_mem>>)
    %dma_start3A_140 = arith.constant 2 : i32
    %dma_start3A_141 = arith.constant 2 : i32
    %dma_start3A_142 = arith.constant 2 : i32
    %dma_start3A_143 = arith.constant 400 : i32
    %dma_start3A_144 = arith.constant 0 : i32
    %dma_start3A_145 = tpu.memref_slice %arg6[%dma_start3A_142, %dma_start3A_143, %dma_start3A_144] : memref<4x800x32xf32, #tpu.memory_space<vmem>> -> memref<1x200x32xf32, #tpu.memory_space<vmem>>
    %dma_start3A_146 = tpu.memref_squeeze %dma_start3A_145 : memref<1x200x32xf32, #tpu.memory_space<vmem>> -> memref<200x32xf32, #tpu.memory_space<vmem>>
    %dma_start3A_147 = arith.constant 0 : i32
    %dma_start3A_148 = tpu.memref_slice %arg5[%dma_start3A_140, %dma_start3A_141, %dma_start3A_147] : memref<4x4x200xi32, #tpu.memory_space<vmem>> -> memref<1x1x200xi32, #tpu.memory_space<vmem>>
    %dma_start3A_149 = tpu.memref_squeeze %dma_start3A_148 : memref<1x1x200xi32, #tpu.memory_space<vmem>> -> memref<200xi32, #tpu.memory_space<vmem>>
    %dma_start3A_150 = arith.constant 0 : i32
    %dma_start3A_151 = arith.constant 0 : i32
    %dma_start3A_152 = tpu.memref_slice %arg3[%dma_start3A_150, %dma_start3A_151] : memref<1000000x32xf32, #tpu.memory_space<hbm>> -> memref<1000000x32xf32, #tpu.memory_space<hbm>>
    tpu.enqueue_indirect_dma source(%dma_start3A_152 : memref<1000000x32xf32, #tpu.memory_space<hbm>>) target(%dma_start3A_146 : memref<200x32xf32, #tpu.memory_space<vmem>>) offsets(%dma_start3A_149 : memref<200xi32, #tpu.memory_space<vmem>>) semaphore(%arg9 : memref<!tpu.dma_semaphore, #tpu.memory_space<semaphore_mem>>)
    %dma_start3A_153 = arith.constant 2 : i32
    %dma_start3A_154 = arith.constant 3 : i32
    %dma_start3A_155 = arith.constant 2 : i32
    %dma_start3A_156 = arith.constant 600 : i32
    %dma_start3A_157 = arith.constant 0 : i32
    %dma_start3A_158 = tpu.memref_slice %arg6[%dma_start3A_155, %dma_start3A_156, %dma_start3A_157] : memref<4x800x32xf32, #tpu.memory_space<vmem>> -> memref<1x200x32xf32, #tpu.memory_space<vmem>>
    %dma_start3A_159 = tpu.memref_squeeze %dma_start3A_158 : memref<1x200x32xf32, #tpu.memory_space<vmem>> -> memref<200x32xf32, #tpu.memory_space<vmem>>
    %dma_start3A_160 = arith.constant 0 : i32
    %dma_start3A_161 = tpu.memref_slice %arg5[%dma_start3A_153, %dma_start3A_154, %dma_start3A_160] : memref<4x4x200xi32, #tpu.memory_space<vmem>> -> memref<1x1x200xi32, #tpu.memory_space<vmem>>
    %dma_start3A_162 = tpu.memref_squeeze %dma_start3A_161 : memref<1x1x200xi32, #tpu.memory_space<vmem>> -> memref<200xi32, #tpu.memory_space<vmem>>
    %dma_start3A_163 = arith.constant 0 : i32
    %dma_start3A_164 = arith.constant 0 : i32
    %dma_start3A_165 = tpu.memref_slice %arg3[%dma_start3A_163, %dma_start3A_164] : memref<1000000x32xf32, #tpu.memory_space<hbm>> -> memref<1000000x32xf32, #tpu.memory_space<hbm>>
    tpu.enqueue_indirect_dma source(%dma_start3A_165 : memref<1000000x32xf32, #tpu.memory_space<hbm>>) target(%dma_start3A_159 : memref<200x32xf32, #tpu.memory_space<vmem>>) offsets(%dma_start3A_162 : memref<200xi32, #tpu.memory_space<vmem>>) semaphore(%arg9 : memref<!tpu.dma_semaphore, #tpu.memory_space<semaphore_mem>>)
    %dma_wait3A = arith.constant 0 : i32
    %dma_wait3A_166 = arith.constant 0 : i32
    %dma_wait3A_167 = arith.constant 0 : i32
    %dma_wait3A_168 = arith.constant 0 : i32
    %dma_wait3A_169 = arith.constant 0 : i32
    %dma_wait3A_170 = tpu.memref_slice %arg6[%dma_wait3A_167, %dma_wait3A_168, %dma_wait3A_169] : memref<4x800x32xf32, #tpu.memory_space<vmem>> -> memref<1x200x32xf32, #tpu.memory_space<vmem>>
    %dma_wait3A_171 = tpu.memref_squeeze %dma_wait3A_170 : memref<1x200x32xf32, #tpu.memory_space<vmem>> -> memref<200x32xf32, #tpu.memory_space<vmem>>
    %dma_wait3A_172 = arith.constant 0 : i32
    %dma_wait3A_173 = tpu.memref_slice %arg5[%dma_wait3A, %dma_wait3A_166, %dma_wait3A_172] : memref<4x4x200xi32, #tpu.memory_space<vmem>> -> memref<1x1x200xi32, #tpu.memory_space<vmem>>
    %dma_wait3A_174 = tpu.memref_squeeze %dma_wait3A_173 : memref<1x1x200xi32, #tpu.memory_space<vmem>> -> memref<200xi32, #tpu.memory_space<vmem>>
    %dma_wait3A_175 = arith.constant 0 : i32
    %dma_wait3A_176 = arith.constant 0 : i32
    %dma_wait3A_177 = tpu.memref_slice %arg3[%dma_wait3A_175, %dma_wait3A_176] : memref<1000000x32xf32, #tpu.memory_space<hbm>> -> memref<1000000x32xf32, #tpu.memory_space<hbm>>
    tpu.wait_indirect_dma semaphore(%arg7 : memref<!tpu.dma_semaphore, #tpu.memory_space<semaphore_mem>>) src(%dma_wait3A_177 : memref<1000000x32xf32, #tpu.memory_space<hbm>>) dst(%dma_wait3A_171 : memref<200x32xf32, #tpu.memory_space<vmem>>)
    %dma_wait3A_178 = arith.constant 0 : i32
    %dma_wait3A_179 = arith.constant 1 : i32
    %dma_wait3A_180 = arith.constant 0 : i32
    %dma_wait3A_181 = arith.constant 200 : i32
    %dma_wait3A_182 = arith.constant 0 : i32
    %dma_wait3A_183 = tpu.memref_slice %arg6[%dma_wait3A_180, %dma_wait3A_181, %dma_wait3A_182] : memref<4x800x32xf32, #tpu.memory_space<vmem>> -> memref<1x200x32xf32, #tpu.memory_space<vmem>>
    %dma_wait3A_184 = tpu.memref_squeeze %dma_wait3A_183 : memref<1x200x32xf32, #tpu.memory_space<vmem>> -> memref<200x32xf32, #tpu.memory_space<vmem>>
    %dma_wait3A_185 = arith.constant 0 : i32
    %dma_wait3A_186 = tpu.memref_slice %arg5[%dma_wait3A_178, %dma_wait3A_179, %dma_wait3A_185] : memref<4x4x200xi32, #tpu.memory_space<vmem>> -> memref<1x1x200xi32, #tpu.memory_space<vmem>>
    %dma_wait3A_187 = tpu.memref_squeeze %dma_wait3A_186 : memref<1x1x200xi32, #tpu.memory_space<vmem>> -> memref<200xi32, #tpu.memory_space<vmem>>
    %dma_wait3A_188 = arith.constant 0 : i32
    %dma_wait3A_189 = arith.constant 0 : i32
    %dma_wait3A_190 = tpu.memref_slice %arg3[%dma_wait3A_188, %dma_wait3A_189] : memref<1000000x32xf32, #tpu.memory_space<hbm>> -> memref<1000000x32xf32, #tpu.memory_space<hbm>>
    tpu.wait_indirect_dma semaphore(%arg7 : memref<!tpu.dma_semaphore, #tpu.memory_space<semaphore_mem>>) src(%dma_wait3A_190 : memref<1000000x32xf32, #tpu.memory_space<hbm>>) dst(%dma_wait3A_184 : memref<200x32xf32, #tpu.memory_space<vmem>>)
    %dma_wait3A_191 = arith.constant 0 : i32
    %dma_wait3A_192 = arith.constant 2 : i32
    %dma_wait3A_193 = arith.constant 0 : i32
    %dma_wait3A_194 = arith.constant 400 : i32
    %dma_wait3A_195 = arith.constant 0 : i32
    %dma_wait3A_196 = tpu.memref_slice %arg6[%dma_wait3A_193, %dma_wait3A_194, %dma_wait3A_195] : memref<4x800x32xf32, #tpu.memory_space<vmem>> -> memref<1x200x32xf32, #tpu.memory_space<vmem>>
    %dma_wait3A_197 = tpu.memref_squeeze %dma_wait3A_196 : memref<1x200x32xf32, #tpu.memory_space<vmem>> -> memref<200x32xf32, #tpu.memory_space<vmem>>
    %dma_wait3A_198 = arith.constant 0 : i32
    %dma_wait3A_199 = tpu.memref_slice %arg5[%dma_wait3A_191, %dma_wait3A_192, %dma_wait3A_198] : memref<4x4x200xi32, #tpu.memory_space<vmem>> -> memref<1x1x200xi32, #tpu.memory_space<vmem>>
    %dma_wait3A_200 = tpu.memref_squeeze %dma_wait3A_199 : memref<1x1x200xi32, #tpu.memory_space<vmem>> -> memref<200xi32, #tpu.memory_space<vmem>>
    %dma_wait3A_201 = arith.constant 0 : i32
    %dma_wait3A_202 = arith.constant 0 : i32
    %dma_wait3A_203 = tpu.memref_slice %arg3[%dma_wait3A_201, %dma_wait3A_202] : memref<1000000x32xf32, #tpu.memory_space<hbm>> -> memref<1000000x32xf32, #tpu.memory_space<hbm>>
    tpu.wait_indirect_dma semaphore(%arg7 : memref<!tpu.dma_semaphore, #tpu.memory_space<semaphore_mem>>) src(%dma_wait3A_203 : memref<1000000x32xf32, #tpu.memory_space<hbm>>) dst(%dma_wait3A_197 : memref<200x32xf32, #tpu.memory_space<vmem>>)
    %dma_wait3A_204 = arith.constant 0 : i32
    %dma_wait3A_205 = arith.constant 3 : i32
    %dma_wait3A_206 = arith.constant 0 : i32
    %dma_wait3A_207 = arith.constant 600 : i32
    %dma_wait3A_208 = arith.constant 0 : i32
    %dma_wait3A_209 = tpu.memref_slice %arg6[%dma_wait3A_206, %dma_wait3A_207, %dma_wait3A_208] : memref<4x800x32xf32, #tpu.memory_space<vmem>> -> memref<1x200x32xf32, #tpu.memory_space<vmem>>
    %dma_wait3A_210 = tpu.memref_squeeze %dma_wait3A_209 : memref<1x200x32xf32, #tpu.memory_space<vmem>> -> memref<200x32xf32, #tpu.memory_space<vmem>>
    %dma_wait3A_211 = arith.constant 0 : i32
    %dma_wait3A_212 = tpu.memref_slice %arg5[%dma_wait3A_204, %dma_wait3A_205, %dma_wait3A_211] : memref<4x4x200xi32, #tpu.memory_space<vmem>> -> memref<1x1x200xi32, #tpu.memory_space<vmem>>
    %dma_wait3A_213 = tpu.memref_squeeze %dma_wait3A_212 : memref<1x1x200xi32, #tpu.memory_space<vmem>> -> memref<200xi32, #tpu.memory_space<vmem>>
    %dma_wait3A_214 = arith.constant 0 : i32
    %dma_wait3A_215 = arith.constant 0 : i32
    %dma_wait3A_216 = tpu.memref_slice %arg3[%dma_wait3A_214, %dma_wait3A_215] : memref<1000000x32xf32, #tpu.memory_space<hbm>> -> memref<1000000x32xf32, #tpu.memory_space<hbm>>
    tpu.wait_indirect_dma semaphore(%arg7 : memref<!tpu.dma_semaphore, #tpu.memory_space<semaphore_mem>>) src(%dma_wait3A_216 : memref<1000000x32xf32, #tpu.memory_space<hbm>>) dst(%dma_wait3A_210 : memref<200x32xf32, #tpu.memory_space<vmem>>)
    %add3A_217 = arith.constant 0 : i32
    %add3A_218 = arith.addi %mul3A_2, %add3A_217 : i32
    %mul3A_219 = arith.constant 200 : i32
    %mul3A_220 = arith.muli %add3A_218, %mul3A_219 : i32
    %dma_start3A_221 = arith.constant 0 : i32
    %dma_start3A_222 = arith.constant 0 : i32
    %dma_start3A_223 = arith.constant 0 : i32
    %dma_start3A_224 = tpu.memref_slice %arg6[%dma_start3A_221, %dma_start3A_222, %dma_start3A_223] : memref<4x800x32xf32, #tpu.memory_space<vmem>> -> memref<1x800x32xf32, #tpu.memory_space<vmem>>
    %dma_start3A_225 = tpu.memref_squeeze %dma_start3A_224 : memref<1x800x32xf32, #tpu.memory_space<vmem>> -> memref<800x32xf32, #tpu.memory_space<vmem>>
    %dma_start3A_226 = arith.constant 0 : i32
    %dma_start3A_227 = tpu.memref_slice %arg4[%mul3A_220, %dma_start3A_226] : memref<3276800x32xf32, #tpu.memory_space<hbm>> -> memref<800x32xf32, #tpu.memory_space<hbm>>
    %dma_start3A_228 = arith.constant 0 : i32
    %dma_start3A_229 = tpu.memref_slice %arg4[%mul3A_220, %dma_start3A_228] : memref<3276800x32xf32, #tpu.memory_space<hbm>> -> memref<800x32xf32, #tpu.memory_space<hbm>>
    %dma_start3A_230 = arith.constant 0 : i32
    %dma_start3A_231 = arith.constant 0 : i32
    %dma_start3A_232 = tpu.memref_slice %arg6[%dma_start3A_221, %dma_start3A_230, %dma_start3A_231] : memref<4x800x32xf32, #tpu.memory_space<vmem>> -> memref<1x800x32xf32, #tpu.memory_space<vmem>>
    %dma_start3A_233 = tpu.memref_squeeze %dma_start3A_232 : memref<1x800x32xf32, #tpu.memory_space<vmem>> -> memref<800x32xf32, #tpu.memory_space<vmem>>
    tpu.enqueue_dma source(%dma_start3A_233 : memref<800x32xf32, #tpu.memory_space<vmem>>) target(%dma_start3A_229 : memref<800x32xf32, #tpu.memory_space<hbm>>) target_semaphore(%arg11 : memref<!tpu.dma_semaphore, #tpu.memory_space<semaphore_mem>>)
    %add3A_234 = arith.constant 12 : i32
    %add3A_235 = arith.addi %mul3A_2, %add3A_234 : i32
    %run_scoped3A_236 = arith.constant 3 : i32
    "tpu.region"() ({
      %run_scoped3A_1117 = tpu.sem_alloc : memref<!tpu.dma_semaphore, #tpu.memory_space<semaphore_mem>>
      %dma_start3A_1118 = arith.constant 0 : i32
      %dma_start3A_1119 = arith.constant 0 : i32
      %dma_start3A_1120 = tpu.memref_slice %arg5[%run_scoped3A_236, %dma_start3A_1118, %dma_start3A_1119] : memref<4x4x200xi32, #tpu.memory_space<vmem>> -> memref<1x4x200xi32, #tpu.memory_space<vmem>>
      %dma_start3A_1121 = tpu.memref_squeeze %dma_start3A_1120 : memref<1x4x200xi32, #tpu.memory_space<vmem>> -> memref<4x200xi32, #tpu.memory_space<vmem>>
      %dma_start3A_1122 = arith.constant 0 : i32
      %dma_start3A_1123 = tpu.memref_slice %arg2[%add3A_235, %dma_start3A_1122] : memref<16384x200xi32, #tpu.memory_space<hbm>> -> memref<4x200xi32, #tpu.memory_space<hbm>>
      %dma_start3A_1124 = arith.constant 0 : i32
      %dma_start3A_1125 = arith.constant 0 : i32
      %dma_start3A_1126 = tpu.memref_slice %arg5[%run_scoped3A_236, %dma_start3A_1124, %dma_start3A_1125] : memref<4x4x200xi32, #tpu.memory_space<vmem>> -> memref<1x4x200xi32, #tpu.memory_space<vmem>>
      %dma_start3A_1127 = tpu.memref_squeeze %dma_start3A_1126 : memref<1x4x200xi32, #tpu.memory_space<vmem>> -> memref<4x200xi32, #tpu.memory_space<vmem>>
      %dma_start3A_1128 = arith.constant 0 : i32
      %dma_start3A_1129 = tpu.memref_slice %arg2[%add3A_235, %dma_start3A_1128] : memref<16384x200xi32, #tpu.memory_space<hbm>> -> memref<4x200xi32, #tpu.memory_space<hbm>>
      tpu.enqueue_dma source(%dma_start3A_1129 : memref<4x200xi32, #tpu.memory_space<hbm>>) target(%dma_start3A_1127 : memref<4x200xi32, #tpu.memory_space<vmem>>) target_semaphore(%run_scoped3A_1117 : memref<!tpu.dma_semaphore, #tpu.memory_space<semaphore_mem>>)
      %dma_wait3A_1130 = arith.constant 0 : i32
      %dma_wait3A_1131 = arith.constant 0 : i32
      %dma_wait3A_1132 = tpu.memref_slice %arg5[%run_scoped3A_236, %dma_wait3A_1130, %dma_wait3A_1131] : memref<4x4x200xi32, #tpu.memory_space<vmem>> -> memref<1x4x200xi32, #tpu.memory_space<vmem>>
      %dma_wait3A_1133 = tpu.memref_squeeze %dma_wait3A_1132 : memref<1x4x200xi32, #tpu.memory_space<vmem>> -> memref<4x200xi32, #tpu.memory_space<vmem>>
      %dma_wait3A_1134 = arith.constant 0 : i32
      %dma_wait3A_1135 = tpu.memref_slice %arg2[%add3A_235, %dma_wait3A_1134] : memref<16384x200xi32, #tpu.memory_space<hbm>> -> memref<4x200xi32, #tpu.memory_space<hbm>>
      %dma_wait3A_1136 = arith.constant 0 : i32
      %dma_wait3A_1137 = arith.constant 0 : i32
      %dma_wait3A_1138 = tpu.memref_slice %arg5[%run_scoped3A_236, %dma_wait3A_1136, %dma_wait3A_1137] : memref<4x4x200xi32, #tpu.memory_space<vmem>> -> memref<1x4x200xi32, #tpu.memory_space<vmem>>
      %dma_wait3A_1139 = tpu.memref_squeeze %dma_wait3A_1138 : memref<1x4x200xi32, #tpu.memory_space<vmem>> -> memref<4x200xi32, #tpu.memory_space<vmem>>
      %dma_wait3A_1140 = arith.constant 0 : i32
      %dma_wait3A_1141 = tpu.memref_slice %arg2[%add3A_235, %dma_wait3A_1140] : memref<16384x200xi32, #tpu.memory_space<hbm>> -> memref<4x200xi32, #tpu.memory_space<hbm>>
      tpu.wait_dma2 semaphore(%run_scoped3A_1117 : memref<!tpu.dma_semaphore, #tpu.memory_space<semaphore_mem>>) src(%dma_wait3A_1141 : memref<4x200xi32, #tpu.memory_space<hbm>>) dst(%dma_wait3A_1139 : memref<4x200xi32, #tpu.memory_space<vmem>>)
      tpu.yield
    }) : () -> ()
    %dma_start3A_237 = arith.constant 3 : i32
    %dma_start3A_238 = arith.constant 0 : i32
    %dma_start3A_239 = arith.constant 3 : i32
    %dma_start3A_240 = arith.constant 0 : i32
    %dma_start3A_241 = arith.constant 0 : i32
    %dma_start3A_242 = tpu.memref_slice %arg6[%dma_start3A_239, %dma_start3A_240, %dma_start3A_241] : memref<4x800x32xf32, #tpu.memory_space<vmem>> -> memref<1x200x32xf32, #tpu.memory_space<vmem>>
    %dma_start3A_243 = tpu.memref_squeeze %dma_start3A_242 : memref<1x200x32xf32, #tpu.memory_space<vmem>> -> memref<200x32xf32, #tpu.memory_space<vmem>>
    %dma_start3A_244 = arith.constant 0 : i32
    %dma_start3A_245 = tpu.memref_slice %arg5[%dma_start3A_237, %dma_start3A_238, %dma_start3A_244] : memref<4x4x200xi32, #tpu.memory_space<vmem>> -> memref<1x1x200xi32, #tpu.memory_space<vmem>>
    %dma_start3A_246 = tpu.memref_squeeze %dma_start3A_245 : memref<1x1x200xi32, #tpu.memory_space<vmem>> -> memref<200xi32, #tpu.memory_space<vmem>>
    %dma_start3A_247 = arith.constant 0 : i32
    %dma_start3A_248 = arith.constant 0 : i32
    %dma_start3A_249 = tpu.memref_slice %arg3[%dma_start3A_247, %dma_start3A_248] : memref<1000000x32xf32, #tpu.memory_space<hbm>> -> memref<1000000x32xf32, #tpu.memory_space<hbm>>
    tpu.enqueue_indirect_dma source(%dma_start3A_249 : memref<1000000x32xf32, #tpu.memory_space<hbm>>) target(%dma_start3A_243 : memref<200x32xf32, #tpu.memory_space<vmem>>) offsets(%dma_start3A_246 : memref<200xi32, #tpu.memory_space<vmem>>) semaphore(%arg10 : memref<!tpu.dma_semaphore, #tpu.memory_space<semaphore_mem>>)
    %dma_start3A_250 = arith.constant 3 : i32
    %dma_start3A_251 = arith.constant 1 : i32
    %dma_start3A_252 = arith.constant 3 : i32
    %dma_start3A_253 = arith.constant 200 : i32
    %dma_start3A_254 = arith.constant 0 : i32
    %dma_start3A_255 = tpu.memref_slice %arg6[%dma_start3A_252, %dma_start3A_253, %dma_start3A_254] : memref<4x800x32xf32, #tpu.memory_space<vmem>> -> memref<1x200x32xf32, #tpu.memory_space<vmem>>
    %dma_start3A_256 = tpu.memref_squeeze %dma_start3A_255 : memref<1x200x32xf32, #tpu.memory_space<vmem>> -> memref<200x32xf32, #tpu.memory_space<vmem>>
    %dma_start3A_257 = arith.constant 0 : i32
    %dma_start3A_258 = tpu.memref_slice %arg5[%dma_start3A_250, %dma_start3A_251, %dma_start3A_257] : memref<4x4x200xi32, #tpu.memory_space<vmem>> -> memref<1x1x200xi32, #tpu.memory_space<vmem>>
    %dma_start3A_259 = tpu.memref_squeeze %dma_start3A_258 : memref<1x1x200xi32, #tpu.memory_space<vmem>> -> memref<200xi32, #tpu.memory_space<vmem>>
    %dma_start3A_260 = arith.constant 0 : i32
    %dma_start3A_261 = arith.constant 0 : i32
    %dma_start3A_262 = tpu.memref_slice %arg3[%dma_start3A_260, %dma_start3A_261] : memref<1000000x32xf32, #tpu.memory_space<hbm>> -> memref<1000000x32xf32, #tpu.memory_space<hbm>>
    tpu.enqueue_indirect_dma source(%dma_start3A_262 : memref<1000000x32xf32, #tpu.memory_space<hbm>>) target(%dma_start3A_256 : memref<200x32xf32, #tpu.memory_space<vmem>>) offsets(%dma_start3A_259 : memref<200xi32, #tpu.memory_space<vmem>>) semaphore(%arg10 : memref<!tpu.dma_semaphore, #tpu.memory_space<semaphore_mem>>)
    %dma_start3A_263 = arith.constant 3 : i32
    %dma_start3A_264 = arith.constant 2 : i32
    %dma_start3A_265 = arith.constant 3 : i32
    %dma_start3A_266 = arith.constant 400 : i32
    %dma_start3A_267 = arith.constant 0 : i32
    %dma_start3A_268 = tpu.memref_slice %arg6[%dma_start3A_265, %dma_start3A_266, %dma_start3A_267] : memref<4x800x32xf32, #tpu.memory_space<vmem>> -> memref<1x200x32xf32, #tpu.memory_space<vmem>>
    %dma_start3A_269 = tpu.memref_squeeze %dma_start3A_268 : memref<1x200x32xf32, #tpu.memory_space<vmem>> -> memref<200x32xf32, #tpu.memory_space<vmem>>
    %dma_start3A_270 = arith.constant 0 : i32
    %dma_start3A_271 = tpu.memref_slice %arg5[%dma_start3A_263, %dma_start3A_264, %dma_start3A_270] : memref<4x4x200xi32, #tpu.memory_space<vmem>> -> memref<1x1x200xi32, #tpu.memory_space<vmem>>
    %dma_start3A_272 = tpu.memref_squeeze %dma_start3A_271 : memref<1x1x200xi32, #tpu.memory_space<vmem>> -> memref<200xi32, #tpu.memory_space<vmem>>
    %dma_start3A_273 = arith.constant 0 : i32
    %dma_start3A_274 = arith.constant 0 : i32
    %dma_start3A_275 = tpu.memref_slice %arg3[%dma_start3A_273, %dma_start3A_274] : memref<1000000x32xf32, #tpu.memory_space<hbm>> -> memref<1000000x32xf32, #tpu.memory_space<hbm>>
    tpu.enqueue_indirect_dma source(%dma_start3A_275 : memref<1000000x32xf32, #tpu.memory_space<hbm>>) target(%dma_start3A_269 : memref<200x32xf32, #tpu.memory_space<vmem>>) offsets(%dma_start3A_272 : memref<200xi32, #tpu.memory_space<vmem>>) semaphore(%arg10 : memref<!tpu.dma_semaphore, #tpu.memory_space<semaphore_mem>>)
    %dma_start3A_276 = arith.constant 3 : i32
    %dma_start3A_277 = arith.constant 3 : i32
    %dma_start3A_278 = arith.constant 3 : i32
    %dma_start3A_279 = arith.constant 600 : i32
    %dma_start3A_280 = arith.constant 0 : i32
    %dma_start3A_281 = tpu.memref_slice %arg6[%dma_start3A_278, %dma_start3A_279, %dma_start3A_280] : memref<4x800x32xf32, #tpu.memory_space<vmem>> -> memref<1x200x32xf32, #tpu.memory_space<vmem>>
    %dma_start3A_282 = tpu.memref_squeeze %dma_start3A_281 : memref<1x200x32xf32, #tpu.memory_space<vmem>> -> memref<200x32xf32, #tpu.memory_space<vmem>>
    %dma_start3A_283 = arith.constant 0 : i32
    %dma_start3A_284 = tpu.memref_slice %arg5[%dma_start3A_276, %dma_start3A_277, %dma_start3A_283] : memref<4x4x200xi32, #tpu.memory_space<vmem>> -> memref<1x1x200xi32, #tpu.memory_space<vmem>>
    %dma_start3A_285 = tpu.memref_squeeze %dma_start3A_284 : memref<1x1x200xi32, #tpu.memory_space<vmem>> -> memref<200xi32, #tpu.memory_space<vmem>>
    %dma_start3A_286 = arith.constant 0 : i32
    %dma_start3A_287 = arith.constant 0 : i32
    %dma_start3A_288 = tpu.memref_slice %arg3[%dma_start3A_286, %dma_start3A_287] : memref<1000000x32xf32, #tpu.memory_space<hbm>> -> memref<1000000x32xf32, #tpu.memory_space<hbm>>
    tpu.enqueue_indirect_dma source(%dma_start3A_288 : memref<1000000x32xf32, #tpu.memory_space<hbm>>) target(%dma_start3A_282 : memref<200x32xf32, #tpu.memory_space<vmem>>) offsets(%dma_start3A_285 : memref<200xi32, #tpu.memory_space<vmem>>) semaphore(%arg10 : memref<!tpu.dma_semaphore, #tpu.memory_space<semaphore_mem>>)
    %dma_wait3A_289 = arith.constant 1 : i32
    %dma_wait3A_290 = arith.constant 0 : i32
    %dma_wait3A_291 = arith.constant 1 : i32
    %dma_wait3A_292 = arith.constant 0 : i32
    %dma_wait3A_293 = arith.constant 0 : i32
    %dma_wait3A_294 = tpu.memref_slice %arg6[%dma_wait3A_291, %dma_wait3A_292, %dma_wait3A_293] : memref<4x800x32xf32, #tpu.memory_space<vmem>> -> memref<1x200x32xf32, #tpu.memory_space<vmem>>
    %dma_wait3A_295 = tpu.memref_squeeze %dma_wait3A_294 : memref<1x200x32xf32, #tpu.memory_space<vmem>> -> memref<200x32xf32, #tpu.memory_space<vmem>>
    %dma_wait3A_296 = arith.constant 0 : i32
    %dma_wait3A_297 = tpu.memref_slice %arg5[%dma_wait3A_289, %dma_wait3A_290, %dma_wait3A_296] : memref<4x4x200xi32, #tpu.memory_space<vmem>> -> memref<1x1x200xi32, #tpu.memory_space<vmem>>
    %dma_wait3A_298 = tpu.memref_squeeze %dma_wait3A_297 : memref<1x1x200xi32, #tpu.memory_space<vmem>> -> memref<200xi32, #tpu.memory_space<vmem>>
    %dma_wait3A_299 = arith.constant 0 : i32
    %dma_wait3A_300 = arith.constant 0 : i32
    %dma_wait3A_301 = tpu.memref_slice %arg3[%dma_wait3A_299, %dma_wait3A_300] : memref<1000000x32xf32, #tpu.memory_space<hbm>> -> memref<1000000x32xf32, #tpu.memory_space<hbm>>
    tpu.wait_indirect_dma semaphore(%arg8 : memref<!tpu.dma_semaphore, #tpu.memory_space<semaphore_mem>>) src(%dma_wait3A_301 : memref<1000000x32xf32, #tpu.memory_space<hbm>>) dst(%dma_wait3A_295 : memref<200x32xf32, #tpu.memory_space<vmem>>)
    %dma_wait3A_302 = arith.constant 1 : i32
    %dma_wait3A_303 = arith.constant 1 : i32
    %dma_wait3A_304 = arith.constant 1 : i32
    %dma_wait3A_305 = arith.constant 200 : i32
    %dma_wait3A_306 = arith.constant 0 : i32
    %dma_wait3A_307 = tpu.memref_slice %arg6[%dma_wait3A_304, %dma_wait3A_305, %dma_wait3A_306] : memref<4x800x32xf32, #tpu.memory_space<vmem>> -> memref<1x200x32xf32, #tpu.memory_space<vmem>>
    %dma_wait3A_308 = tpu.memref_squeeze %dma_wait3A_307 : memref<1x200x32xf32, #tpu.memory_space<vmem>> -> memref<200x32xf32, #tpu.memory_space<vmem>>
    %dma_wait3A_309 = arith.constant 0 : i32
    %dma_wait3A_310 = tpu.memref_slice %arg5[%dma_wait3A_302, %dma_wait3A_303, %dma_wait3A_309] : memref<4x4x200xi32, #tpu.memory_space<vmem>> -> memref<1x1x200xi32, #tpu.memory_space<vmem>>
    %dma_wait3A_311 = tpu.memref_squeeze %dma_wait3A_310 : memref<1x1x200xi32, #tpu.memory_space<vmem>> -> memref<200xi32, #tpu.memory_space<vmem>>
    %dma_wait3A_312 = arith.constant 0 : i32
    %dma_wait3A_313 = arith.constant 0 : i32
    %dma_wait3A_314 = tpu.memref_slice %arg3[%dma_wait3A_312, %dma_wait3A_313] : memref<1000000x32xf32, #tpu.memory_space<hbm>> -> memref<1000000x32xf32, #tpu.memory_space<hbm>>
    tpu.wait_indirect_dma semaphore(%arg8 : memref<!tpu.dma_semaphore, #tpu.memory_space<semaphore_mem>>) src(%dma_wait3A_314 : memref<1000000x32xf32, #tpu.memory_space<hbm>>) dst(%dma_wait3A_308 : memref<200x32xf32, #tpu.memory_space<vmem>>)
    %dma_wait3A_315 = arith.constant 1 : i32
    %dma_wait3A_316 = arith.constant 2 : i32
    %dma_wait3A_317 = arith.constant 1 : i32
    %dma_wait3A_318 = arith.constant 400 : i32
    %dma_wait3A_319 = arith.constant 0 : i32
    %dma_wait3A_320 = tpu.memref_slice %arg6[%dma_wait3A_317, %dma_wait3A_318, %dma_wait3A_319] : memref<4x800x32xf32, #tpu.memory_space<vmem>> -> memref<1x200x32xf32, #tpu.memory_space<vmem>>
    %dma_wait3A_321 = tpu.memref_squeeze %dma_wait3A_320 : memref<1x200x32xf32, #tpu.memory_space<vmem>> -> memref<200x32xf32, #tpu.memory_space<vmem>>
    %dma_wait3A_322 = arith.constant 0 : i32
    %dma_wait3A_323 = tpu.memref_slice %arg5[%dma_wait3A_315, %dma_wait3A_316, %dma_wait3A_322] : memref<4x4x200xi32, #tpu.memory_space<vmem>> -> memref<1x1x200xi32, #tpu.memory_space<vmem>>
    %dma_wait3A_324 = tpu.memref_squeeze %dma_wait3A_323 : memref<1x1x200xi32, #tpu.memory_space<vmem>> -> memref<200xi32, #tpu.memory_space<vmem>>
    %dma_wait3A_325 = arith.constant 0 : i32
    %dma_wait3A_326 = arith.constant 0 : i32
    %dma_wait3A_327 = tpu.memref_slice %arg3[%dma_wait3A_325, %dma_wait3A_326] : memref<1000000x32xf32, #tpu.memory_space<hbm>> -> memref<1000000x32xf32, #tpu.memory_space<hbm>>
    tpu.wait_indirect_dma semaphore(%arg8 : memref<!tpu.dma_semaphore, #tpu.memory_space<semaphore_mem>>) src(%dma_wait3A_327 : memref<1000000x32xf32, #tpu.memory_space<hbm>>) dst(%dma_wait3A_321 : memref<200x32xf32, #tpu.memory_space<vmem>>)
    %dma_wait3A_328 = arith.constant 1 : i32
    %dma_wait3A_329 = arith.constant 3 : i32
    %dma_wait3A_330 = arith.constant 1 : i32
    %dma_wait3A_331 = arith.constant 600 : i32
    %dma_wait3A_332 = arith.constant 0 : i32
    %dma_wait3A_333 = tpu.memref_slice %arg6[%dma_wait3A_330, %dma_wait3A_331, %dma_wait3A_332] : memref<4x800x32xf32, #tpu.memory_space<vmem>> -> memref<1x200x32xf32, #tpu.memory_space<vmem>>
    %dma_wait3A_334 = tpu.memref_squeeze %dma_wait3A_333 : memref<1x200x32xf32, #tpu.memory_space<vmem>> -> memref<200x32xf32, #tpu.memory_space<vmem>>
    %dma_wait3A_335 = arith.constant 0 : i32
    %dma_wait3A_336 = tpu.memref_slice %arg5[%dma_wait3A_328, %dma_wait3A_329, %dma_wait3A_335] : memref<4x4x200xi32, #tpu.memory_space<vmem>> -> memref<1x1x200xi32, #tpu.memory_space<vmem>>
    %dma_wait3A_337 = tpu.memref_squeeze %dma_wait3A_336 : memref<1x1x200xi32, #tpu.memory_space<vmem>> -> memref<200xi32, #tpu.memory_space<vmem>>
    %dma_wait3A_338 = arith.constant 0 : i32
    %dma_wait3A_339 = arith.constant 0 : i32
    %dma_wait3A_340 = tpu.memref_slice %arg3[%dma_wait3A_338, %dma_wait3A_339] : memref<1000000x32xf32, #tpu.memory_space<hbm>> -> memref<1000000x32xf32, #tpu.memory_space<hbm>>
    tpu.wait_indirect_dma semaphore(%arg8 : memref<!tpu.dma_semaphore, #tpu.memory_space<semaphore_mem>>) src(%dma_wait3A_340 : memref<1000000x32xf32, #tpu.memory_space<hbm>>) dst(%dma_wait3A_334 : memref<200x32xf32, #tpu.memory_space<vmem>>)
    %add3A_341 = arith.constant 4 : i32
    %add3A_342 = arith.addi %mul3A_2, %add3A_341 : i32
    %mul3A_343 = arith.constant 200 : i32
    %mul3A_344 = arith.muli %add3A_342, %mul3A_343 : i32
    %dma_start3A_345 = arith.constant 1 : i32
    %dma_start3A_346 = arith.constant 0 : i32
    %dma_start3A_347 = arith.constant 0 : i32
    %dma_start3A_348 = tpu.memref_slice %arg6[%dma_start3A_345, %dma_start3A_346, %dma_start3A_347] : memref<4x800x32xf32, #tpu.memory_space<vmem>> -> memref<1x800x32xf32, #tpu.memory_space<vmem>>
    %dma_start3A_349 = tpu.memref_squeeze %dma_start3A_348 : memref<1x800x32xf32, #tpu.memory_space<vmem>> -> memref<800x32xf32, #tpu.memory_space<vmem>>
    %dma_start3A_350 = arith.constant 0 : i32
    %dma_start3A_351 = tpu.memref_slice %arg4[%mul3A_344, %dma_start3A_350] : memref<3276800x32xf32, #tpu.memory_space<hbm>> -> memref<800x32xf32, #tpu.memory_space<hbm>>
    %dma_start3A_352 = arith.constant 0 : i32
    %dma_start3A_353 = tpu.memref_slice %arg4[%mul3A_344, %dma_start3A_352] : memref<3276800x32xf32, #tpu.memory_space<hbm>> -> memref<800x32xf32, #tpu.memory_space<hbm>>
    %dma_start3A_354 = arith.constant 0 : i32
    %dma_start3A_355 = arith.constant 0 : i32
    %dma_start3A_356 = tpu.memref_slice %arg6[%dma_start3A_345, %dma_start3A_354, %dma_start3A_355] : memref<4x800x32xf32, #tpu.memory_space<vmem>> -> memref<1x800x32xf32, #tpu.memory_space<vmem>>
    %dma_start3A_357 = tpu.memref_squeeze %dma_start3A_356 : memref<1x800x32xf32, #tpu.memory_space<vmem>> -> memref<800x32xf32, #tpu.memory_space<vmem>>
    tpu.enqueue_dma source(%dma_start3A_357 : memref<800x32xf32, #tpu.memory_space<vmem>>) target(%dma_start3A_353 : memref<800x32xf32, #tpu.memory_space<hbm>>) target_semaphore(%arg12 : memref<!tpu.dma_semaphore, #tpu.memory_space<semaphore_mem>>)
    %mul3A_358 = arith.constant 200 : i32
    %mul3A_359 = arith.muli %mul3A_2, %mul3A_358 : i32
    %dma_wait3A_360 = arith.constant 0 : i32
    %dma_wait3A_361 = arith.constant 0 : i32
    %dma_wait3A_362 = arith.constant 0 : i32
    %dma_wait3A_363 = tpu.memref_slice %arg6[%dma_wait3A_360, %dma_wait3A_361, %dma_wait3A_362] : memref<4x800x32xf32, #tpu.memory_space<vmem>> -> memref<1x800x32xf32, #tpu.memory_space<vmem>>
    %dma_wait3A_364 = tpu.memref_squeeze %dma_wait3A_363 : memref<1x800x32xf32, #tpu.memory_space<vmem>> -> memref<800x32xf32, #tpu.memory_space<vmem>>
    %dma_wait3A_365 = arith.constant 0 : i32
    %dma_wait3A_366 = tpu.memref_slice %arg4[%mul3A_359, %dma_wait3A_365] : memref<3276800x32xf32, #tpu.memory_space<hbm>> -> memref<800x32xf32, #tpu.memory_space<hbm>>
    %dma_wait3A_367 = arith.constant 0 : i32
    %dma_wait3A_368 = tpu.memref_slice %arg4[%mul3A_359, %dma_wait3A_367] : memref<3276800x32xf32, #tpu.memory_space<hbm>> -> memref<800x32xf32, #tpu.memory_space<hbm>>
    %dma_wait3A_369 = arith.constant 0 : i32
    %dma_wait3A_370 = arith.constant 0 : i32
    %dma_wait3A_371 = tpu.memref_slice %arg6[%dma_wait3A_360, %dma_wait3A_369, %dma_wait3A_370] : memref<4x800x32xf32, #tpu.memory_space<vmem>> -> memref<1x800x32xf32, #tpu.memory_space<vmem>>
    %dma_wait3A_372 = tpu.memref_squeeze %dma_wait3A_371 : memref<1x800x32xf32, #tpu.memory_space<vmem>> -> memref<800x32xf32, #tpu.memory_space<vmem>>
    tpu.wait_dma2 semaphore(%arg11 : memref<!tpu.dma_semaphore, #tpu.memory_space<semaphore_mem>>) src(%dma_wait3A_372 : memref<800x32xf32, #tpu.memory_space<vmem>>) dst(%dma_wait3A_368 : memref<800x32xf32, #tpu.memory_space<hbm>>)
    %add3A_373 = arith.constant 16 : i32
    %add3A_374 = arith.addi %mul3A_2, %add3A_373 : i32
    %run_scoped3A_375 = arith.constant 0 : i32
    "tpu.region"() ({
      %run_scoped3A_1117 = tpu.sem_alloc : memref<!tpu.dma_semaphore, #tpu.memory_space<semaphore_mem>>
      %dma_start3A_1118 = arith.constant 0 : i32
      %dma_start3A_1119 = arith.constant 0 : i32
      %dma_start3A_1120 = tpu.memref_slice %arg5[%run_scoped3A_375, %dma_start3A_1118, %dma_start3A_1119] : memref<4x4x200xi32, #tpu.memory_space<vmem>> -> memref<1x4x200xi32, #tpu.memory_space<vmem>>
      %dma_start3A_1121 = tpu.memref_squeeze %dma_start3A_1120 : memref<1x4x200xi32, #tpu.memory_space<vmem>> -> memref<4x200xi32, #tpu.memory_space<vmem>>
      %dma_start3A_1122 = arith.constant 0 : i32
      %dma_start3A_1123 = tpu.memref_slice %arg2[%add3A_374, %dma_start3A_1122] : memref<16384x200xi32, #tpu.memory_space<hbm>> -> memref<4x200xi32, #tpu.memory_space<hbm>>
      %dma_start3A_1124 = arith.constant 0 : i32
      %dma_start3A_1125 = arith.constant 0 : i32
      %dma_start3A_1126 = tpu.memref_slice %arg5[%run_scoped3A_375, %dma_start3A_1124, %dma_start3A_1125] : memref<4x4x200xi32, #tpu.memory_space<vmem>> -> memref<1x4x200xi32, #tpu.memory_space<vmem>>
      %dma_start3A_1127 = tpu.memref_squeeze %dma_start3A_1126 : memref<1x4x200xi32, #tpu.memory_space<vmem>> -> memref<4x200xi32, #tpu.memory_space<vmem>>
      %dma_start3A_1128 = arith.constant 0 : i32
      %dma_start3A_1129 = tpu.memref_slice %arg2[%add3A_374, %dma_start3A_1128] : memref<16384x200xi32, #tpu.memory_space<hbm>> -> memref<4x200xi32, #tpu.memory_space<hbm>>
      tpu.enqueue_dma source(%dma_start3A_1129 : memref<4x200xi32, #tpu.memory_space<hbm>>) target(%dma_start3A_1127 : memref<4x200xi32, #tpu.memory_space<vmem>>) target_semaphore(%run_scoped3A_1117 : memref<!tpu.dma_semaphore, #tpu.memory_space<semaphore_mem>>)
      %dma_wait3A_1130 = arith.constant 0 : i32
      %dma_wait3A_1131 = arith.constant 0 : i32
      %dma_wait3A_1132 = tpu.memref_slice %arg5[%run_scoped3A_375, %dma_wait3A_1130, %dma_wait3A_1131] : memref<4x4x200xi32, #tpu.memory_space<vmem>> -> memref<1x4x200xi32, #tpu.memory_space<vmem>>
      %dma_wait3A_1133 = tpu.memref_squeeze %dma_wait3A_1132 : memref<1x4x200xi32, #tpu.memory_space<vmem>> -> memref<4x200xi32, #tpu.memory_space<vmem>>
      %dma_wait3A_1134 = arith.constant 0 : i32
      %dma_wait3A_1135 = tpu.memref_slice %arg2[%add3A_374, %dma_wait3A_1134] : memref<16384x200xi32, #tpu.memory_space<hbm>> -> memref<4x200xi32, #tpu.memory_space<hbm>>
      %dma_wait3A_1136 = arith.constant 0 : i32
      %dma_wait3A_1137 = arith.constant 0 : i32
      %dma_wait3A_1138 = tpu.memref_slice %arg5[%run_scoped3A_375, %dma_wait3A_1136, %dma_wait3A_1137] : memref<4x4x200xi32, #tpu.memory_space<vmem>> -> memref<1x4x200xi32, #tpu.memory_space<vmem>>
      %dma_wait3A_1139 = tpu.memref_squeeze %dma_wait3A_1138 : memref<1x4x200xi32, #tpu.memory_space<vmem>> -> memref<4x200xi32, #tpu.memory_space<vmem>>
      %dma_wait3A_1140 = arith.constant 0 : i32
      %dma_wait3A_1141 = tpu.memref_slice %arg2[%add3A_374, %dma_wait3A_1140] : memref<16384x200xi32, #tpu.memory_space<hbm>> -> memref<4x200xi32, #tpu.memory_space<hbm>>
      tpu.wait_dma2 semaphore(%run_scoped3A_1117 : memref<!tpu.dma_semaphore, #tpu.memory_space<semaphore_mem>>) src(%dma_wait3A_1141 : memref<4x200xi32, #tpu.memory_space<hbm>>) dst(%dma_wait3A_1139 : memref<4x200xi32, #tpu.memory_space<vmem>>)
      tpu.yield
    }) : () -> ()
    %dma_start3A_376 = arith.constant 0 : i32
    %dma_start3A_377 = arith.constant 0 : i32
    %dma_start3A_378 = arith.constant 0 : i32
    %dma_start3A_379 = arith.constant 0 : i32
    %dma_start3A_380 = arith.constant 0 : i32
    %dma_start3A_381 = tpu.memref_slice %arg6[%dma_start3A_378, %dma_start3A_379, %dma_start3A_380] : memref<4x800x32xf32, #tpu.memory_space<vmem>> -> memref<1x200x32xf32, #tpu.memory_space<vmem>>
    %dma_start3A_382 = tpu.memref_squeeze %dma_start3A_381 : memref<1x200x32xf32, #tpu.memory_space<vmem>> -> memref<200x32xf32, #tpu.memory_space<vmem>>
    %dma_start3A_383 = arith.constant 0 : i32
    %dma_start3A_384 = tpu.memref_slice %arg5[%dma_start3A_376, %dma_start3A_377, %dma_start3A_383] : memref<4x4x200xi32, #tpu.memory_space<vmem>> -> memref<1x1x200xi32, #tpu.memory_space<vmem>>
    %dma_start3A_385 = tpu.memref_squeeze %dma_start3A_384 : memref<1x1x200xi32, #tpu.memory_space<vmem>> -> memref<200xi32, #tpu.memory_space<vmem>>
    %dma_start3A_386 = arith.constant 0 : i32
    %dma_start3A_387 = arith.constant 0 : i32
    %dma_start3A_388 = tpu.memref_slice %arg3[%dma_start3A_386, %dma_start3A_387] : memref<1000000x32xf32, #tpu.memory_space<hbm>> -> memref<1000000x32xf32, #tpu.memory_space<hbm>>
    tpu.enqueue_indirect_dma source(%dma_start3A_388 : memref<1000000x32xf32, #tpu.memory_space<hbm>>) target(%dma_start3A_382 : memref<200x32xf32, #tpu.memory_space<vmem>>) offsets(%dma_start3A_385 : memref<200xi32, #tpu.memory_space<vmem>>) semaphore(%arg7 : memref<!tpu.dma_semaphore, #tpu.memory_space<semaphore_mem>>)
    %dma_start3A_389 = arith.constant 0 : i32
    %dma_start3A_390 = arith.constant 1 : i32
    %dma_start3A_391 = arith.constant 0 : i32
    %dma_start3A_392 = arith.constant 200 : i32
    %dma_start3A_393 = arith.constant 0 : i32
    %dma_start3A_394 = tpu.memref_slice %arg6[%dma_start3A_391, %dma_start3A_392, %dma_start3A_393] : memref<4x800x32xf32, #tpu.memory_space<vmem>> -> memref<1x200x32xf32, #tpu.memory_space<vmem>>
    %dma_start3A_395 = tpu.memref_squeeze %dma_start3A_394 : memref<1x200x32xf32, #tpu.memory_space<vmem>> -> memref<200x32xf32, #tpu.memory_space<vmem>>
    %dma_start3A_396 = arith.constant 0 : i32
    %dma_start3A_397 = tpu.memref_slice %arg5[%dma_start3A_389, %dma_start3A_390, %dma_start3A_396] : memref<4x4x200xi32, #tpu.memory_space<vmem>> -> memref<1x1x200xi32, #tpu.memory_space<vmem>>
    %dma_start3A_398 = tpu.memref_squeeze %dma_start3A_397 : memref<1x1x200xi32, #tpu.memory_space<vmem>> -> memref<200xi32, #tpu.memory_space<vmem>>
    %dma_start3A_399 = arith.constant 0 : i32
    %dma_start3A_400 = arith.constant 0 : i32
    %dma_start3A_401 = tpu.memref_slice %arg3[%dma_start3A_399, %dma_start3A_400] : memref<1000000x32xf32, #tpu.memory_space<hbm>> -> memref<1000000x32xf32, #tpu.memory_space<hbm>>
    tpu.enqueue_indirect_dma source(%dma_start3A_401 : memref<1000000x32xf32, #tpu.memory_space<hbm>>) target(%dma_start3A_395 : memref<200x32xf32, #tpu.memory_space<vmem>>) offsets(%dma_start3A_398 : memref<200xi32, #tpu.memory_space<vmem>>) semaphore(%arg7 : memref<!tpu.dma_semaphore, #tpu.memory_space<semaphore_mem>>)
    %dma_start3A_402 = arith.constant 0 : i32
    %dma_start3A_403 = arith.constant 2 : i32
    %dma_start3A_404 = arith.constant 0 : i32
    %dma_start3A_405 = arith.constant 400 : i32
    %dma_start3A_406 = arith.constant 0 : i32
    %dma_start3A_407 = tpu.memref_slice %arg6[%dma_start3A_404, %dma_start3A_405, %dma_start3A_406] : memref<4x800x32xf32, #tpu.memory_space<vmem>> -> memref<1x200x32xf32, #tpu.memory_space<vmem>>
    %dma_start3A_408 = tpu.memref_squeeze %dma_start3A_407 : memref<1x200x32xf32, #tpu.memory_space<vmem>> -> memref<200x32xf32, #tpu.memory_space<vmem>>
    %dma_start3A_409 = arith.constant 0 : i32
    %dma_start3A_410 = tpu.memref_slice %arg5[%dma_start3A_402, %dma_start3A_403, %dma_start3A_409] : memref<4x4x200xi32, #tpu.memory_space<vmem>> -> memref<1x1x200xi32, #tpu.memory_space<vmem>>
    %dma_start3A_411 = tpu.memref_squeeze %dma_start3A_410 : memref<1x1x200xi32, #tpu.memory_space<vmem>> -> memref<200xi32, #tpu.memory_space<vmem>>
    %dma_start3A_412 = arith.constant 0 : i32
    %dma_start3A_413 = arith.constant 0 : i32
    %dma_start3A_414 = tpu.memref_slice %arg3[%dma_start3A_412, %dma_start3A_413] : memref<1000000x32xf32, #tpu.memory_space<hbm>> -> memref<1000000x32xf32, #tpu.memory_space<hbm>>
    tpu.enqueue_indirect_dma source(%dma_start3A_414 : memref<1000000x32xf32, #tpu.memory_space<hbm>>) target(%dma_start3A_408 : memref<200x32xf32, #tpu.memory_space<vmem>>) offsets(%dma_start3A_411 : memref<200xi32, #tpu.memory_space<vmem>>) semaphore(%arg7 : memref<!tpu.dma_semaphore, #tpu.memory_space<semaphore_mem>>)
    %dma_start3A_415 = arith.constant 0 : i32
    %dma_start3A_416 = arith.constant 3 : i32
    %dma_start3A_417 = arith.constant 0 : i32
    %dma_start3A_418 = arith.constant 600 : i32
    %dma_start3A_419 = arith.constant 0 : i32
    %dma_start3A_420 = tpu.memref_slice %arg6[%dma_start3A_417, %dma_start3A_418, %dma_start3A_419] : memref<4x800x32xf32, #tpu.memory_space<vmem>> -> memref<1x200x32xf32, #tpu.memory_space<vmem>>
    %dma_start3A_421 = tpu.memref_squeeze %dma_start3A_420 : memref<1x200x32xf32, #tpu.memory_space<vmem>> -> memref<200x32xf32, #tpu.memory_space<vmem>>
    %dma_start3A_422 = arith.constant 0 : i32
    %dma_start3A_423 = tpu.memref_slice %arg5[%dma_start3A_415, %dma_start3A_416, %dma_start3A_422] : memref<4x4x200xi32, #tpu.memory_space<vmem>> -> memref<1x1x200xi32, #tpu.memory_space<vmem>>
    %dma_start3A_424 = tpu.memref_squeeze %dma_start3A_423 : memref<1x1x200xi32, #tpu.memory_space<vmem>> -> memref<200xi32, #tpu.memory_space<vmem>>
    %dma_start3A_425 = arith.constant 0 : i32
    %dma_start3A_426 = arith.constant 0 : i32
    %dma_start3A_427 = tpu.memref_slice %arg3[%dma_start3A_425, %dma_start3A_426] : memref<1000000x32xf32, #tpu.memory_space<hbm>> -> memref<1000000x32xf32, #tpu.memory_space<hbm>>
    tpu.enqueue_indirect_dma source(%dma_start3A_427 : memref<1000000x32xf32, #tpu.memory_space<hbm>>) target(%dma_start3A_421 : memref<200x32xf32, #tpu.memory_space<vmem>>) offsets(%dma_start3A_424 : memref<200xi32, #tpu.memory_space<vmem>>) semaphore(%arg7 : memref<!tpu.dma_semaphore, #tpu.memory_space<semaphore_mem>>)
    %dma_wait3A_428 = arith.constant 2 : i32
    %dma_wait3A_429 = arith.constant 0 : i32
    %dma_wait3A_430 = arith.constant 2 : i32
    %dma_wait3A_431 = arith.constant 0 : i32
    %dma_wait3A_432 = arith.constant 0 : i32
    %dma_wait3A_433 = tpu.memref_slice %arg6[%dma_wait3A_430, %dma_wait3A_431, %dma_wait3A_432] : memref<4x800x32xf32, #tpu.memory_space<vmem>> -> memref<1x200x32xf32, #tpu.memory_space<vmem>>
    %dma_wait3A_434 = tpu.memref_squeeze %dma_wait3A_433 : memref<1x200x32xf32, #tpu.memory_space<vmem>> -> memref<200x32xf32, #tpu.memory_space<vmem>>
    %dma_wait3A_435 = arith.constant 0 : i32
    %dma_wait3A_436 = tpu.memref_slice %arg5[%dma_wait3A_428, %dma_wait3A_429, %dma_wait3A_435] : memref<4x4x200xi32, #tpu.memory_space<vmem>> -> memref<1x1x200xi32, #tpu.memory_space<vmem>>
    %dma_wait3A_437 = tpu.memref_squeeze %dma_wait3A_436 : memref<1x1x200xi32, #tpu.memory_space<vmem>> -> memref<200xi32, #tpu.memory_space<vmem>>
    %dma_wait3A_438 = arith.constant 0 : i32
    %dma_wait3A_439 = arith.constant 0 : i32
    %dma_wait3A_440 = tpu.memref_slice %arg3[%dma_wait3A_438, %dma_wait3A_439] : memref<1000000x32xf32, #tpu.memory_space<hbm>> -> memref<1000000x32xf32, #tpu.memory_space<hbm>>
    tpu.wait_indirect_dma semaphore(%arg9 : memref<!tpu.dma_semaphore, #tpu.memory_space<semaphore_mem>>) src(%dma_wait3A_440 : memref<1000000x32xf32, #tpu.memory_space<hbm>>) dst(%dma_wait3A_434 : memref<200x32xf32, #tpu.memory_space<vmem>>)
    %dma_wait3A_441 = arith.constant 2 : i32
    %dma_wait3A_442 = arith.constant 1 : i32
    %dma_wait3A_443 = arith.constant 2 : i32
    %dma_wait3A_444 = arith.constant 200 : i32
    %dma_wait3A_445 = arith.constant 0 : i32
    %dma_wait3A_446 = tpu.memref_slice %arg6[%dma_wait3A_443, %dma_wait3A_444, %dma_wait3A_445] : memref<4x800x32xf32, #tpu.memory_space<vmem>> -> memref<1x200x32xf32, #tpu.memory_space<vmem>>
    %dma_wait3A_447 = tpu.memref_squeeze %dma_wait3A_446 : memref<1x200x32xf32, #tpu.memory_space<vmem>> -> memref<200x32xf32, #tpu.memory_space<vmem>>
    %dma_wait3A_448 = arith.constant 0 : i32
    %dma_wait3A_449 = tpu.memref_slice %arg5[%dma_wait3A_441, %dma_wait3A_442, %dma_wait3A_448] : memref<4x4x200xi32, #tpu.memory_space<vmem>> -> memref<1x1x200xi32, #tpu.memory_space<vmem>>
    %dma_wait3A_450 = tpu.memref_squeeze %dma_wait3A_449 : memref<1x1x200xi32, #tpu.memory_space<vmem>> -> memref<200xi32, #tpu.memory_space<vmem>>
    %dma_wait3A_451 = arith.constant 0 : i32
    %dma_wait3A_452 = arith.constant 0 : i32
    %dma_wait3A_453 = tpu.memref_slice %arg3[%dma_wait3A_451, %dma_wait3A_452] : memref<1000000x32xf32, #tpu.memory_space<hbm>> -> memref<1000000x32xf32, #tpu.memory_space<hbm>>
    tpu.wait_indirect_dma semaphore(%arg9 : memref<!tpu.dma_semaphore, #tpu.memory_space<semaphore_mem>>) src(%dma_wait3A_453 : memref<1000000x32xf32, #tpu.memory_space<hbm>>) dst(%dma_wait3A_447 : memref<200x32xf32, #tpu.memory_space<vmem>>)
    %dma_wait3A_454 = arith.constant 2 : i32
    %dma_wait3A_455 = arith.constant 2 : i32
    %dma_wait3A_456 = arith.constant 2 : i32
    %dma_wait3A_457 = arith.constant 400 : i32
    %dma_wait3A_458 = arith.constant 0 : i32
    %dma_wait3A_459 = tpu.memref_slice %arg6[%dma_wait3A_456, %dma_wait3A_457, %dma_wait3A_458] : memref<4x800x32xf32, #tpu.memory_space<vmem>> -> memref<1x200x32xf32, #tpu.memory_space<vmem>>
    %dma_wait3A_460 = tpu.memref_squeeze %dma_wait3A_459 : memref<1x200x32xf32, #tpu.memory_space<vmem>> -> memref<200x32xf32, #tpu.memory_space<vmem>>
    %dma_wait3A_461 = arith.constant 0 : i32
    %dma_wait3A_462 = tpu.memref_slice %arg5[%dma_wait3A_454, %dma_wait3A_455, %dma_wait3A_461] : memref<4x4x200xi32, #tpu.memory_space<vmem>> -> memref<1x1x200xi32, #tpu.memory_space<vmem>>
    %dma_wait3A_463 = tpu.memref_squeeze %dma_wait3A_462 : memref<1x1x200xi32, #tpu.memory_space<vmem>> -> memref<200xi32, #tpu.memory_space<vmem>>
    %dma_wait3A_464 = arith.constant 0 : i32
    %dma_wait3A_465 = arith.constant 0 : i32
    %dma_wait3A_466 = tpu.memref_slice %arg3[%dma_wait3A_464, %dma_wait3A_465] : memref<1000000x32xf32, #tpu.memory_space<hbm>> -> memref<1000000x32xf32, #tpu.memory_space<hbm>>
    tpu.wait_indirect_dma semaphore(%arg9 : memref<!tpu.dma_semaphore, #tpu.memory_space<semaphore_mem>>) src(%dma_wait3A_466 : memref<1000000x32xf32, #tpu.memory_space<hbm>>) dst(%dma_wait3A_460 : memref<200x32xf32, #tpu.memory_space<vmem>>)
    %dma_wait3A_467 = arith.constant 2 : i32
    %dma_wait3A_468 = arith.constant 3 : i32
    %dma_wait3A_469 = arith.constant 2 : i32
    %dma_wait3A_470 = arith.constant 600 : i32
    %dma_wait3A_471 = arith.constant 0 : i32
    %dma_wait3A_472 = tpu.memref_slice %arg6[%dma_wait3A_469, %dma_wait3A_470, %dma_wait3A_471] : memref<4x800x32xf32, #tpu.memory_space<vmem>> -> memref<1x200x32xf32, #tpu.memory_space<vmem>>
    %dma_wait3A_473 = tpu.memref_squeeze %dma_wait3A_472 : memref<1x200x32xf32, #tpu.memory_space<vmem>> -> memref<200x32xf32, #tpu.memory_space<vmem>>
    %dma_wait3A_474 = arith.constant 0 : i32
    %dma_wait3A_475 = tpu.memref_slice %arg5[%dma_wait3A_467, %dma_wait3A_468, %dma_wait3A_474] : memref<4x4x200xi32, #tpu.memory_space<vmem>> -> memref<1x1x200xi32, #tpu.memory_space<vmem>>
    %dma_wait3A_476 = tpu.memref_squeeze %dma_wait3A_475 : memref<1x1x200xi32, #tpu.memory_space<vmem>> -> memref<200xi32, #tpu.memory_space<vmem>>
    %dma_wait3A_477 = arith.constant 0 : i32
    %dma_wait3A_478 = arith.constant 0 : i32
    %dma_wait3A_479 = tpu.memref_slice %arg3[%dma_wait3A_477, %dma_wait3A_478] : memref<1000000x32xf32, #tpu.memory_space<hbm>> -> memref<1000000x32xf32, #tpu.memory_space<hbm>>
    tpu.wait_indirect_dma semaphore(%arg9 : memref<!tpu.dma_semaphore, #tpu.memory_space<semaphore_mem>>) src(%dma_wait3A_479 : memref<1000000x32xf32, #tpu.memory_space<hbm>>) dst(%dma_wait3A_473 : memref<200x32xf32, #tpu.memory_space<vmem>>)
    %add3A_480 = arith.constant 8 : i32
    %add3A_481 = arith.addi %mul3A_2, %add3A_480 : i32
    %mul3A_482 = arith.constant 200 : i32
    %mul3A_483 = arith.muli %add3A_481, %mul3A_482 : i32
    %dma_start3A_484 = arith.constant 2 : i32
    %dma_start3A_485 = arith.constant 0 : i32
    %dma_start3A_486 = arith.constant 0 : i32
    %dma_start3A_487 = tpu.memref_slice %arg6[%dma_start3A_484, %dma_start3A_485, %dma_start3A_486] : memref<4x800x32xf32, #tpu.memory_space<vmem>> -> memref<1x800x32xf32, #tpu.memory_space<vmem>>
    %dma_start3A_488 = tpu.memref_squeeze %dma_start3A_487 : memref<1x800x32xf32, #tpu.memory_space<vmem>> -> memref<800x32xf32, #tpu.memory_space<vmem>>
    %dma_start3A_489 = arith.constant 0 : i32
    %dma_start3A_490 = tpu.memref_slice %arg4[%mul3A_483, %dma_start3A_489] : memref<3276800x32xf32, #tpu.memory_space<hbm>> -> memref<800x32xf32, #tpu.memory_space<hbm>>
    %dma_start3A_491 = arith.constant 0 : i32
    %dma_start3A_492 = tpu.memref_slice %arg4[%mul3A_483, %dma_start3A_491] : memref<3276800x32xf32, #tpu.memory_space<hbm>> -> memref<800x32xf32, #tpu.memory_space<hbm>>
    %dma_start3A_493 = arith.constant 0 : i32
    %dma_start3A_494 = arith.constant 0 : i32
    %dma_start3A_495 = tpu.memref_slice %arg6[%dma_start3A_484, %dma_start3A_493, %dma_start3A_494] : memref<4x800x32xf32, #tpu.memory_space<vmem>> -> memref<1x800x32xf32, #tpu.memory_space<vmem>>
    %dma_start3A_496 = tpu.memref_squeeze %dma_start3A_495 : memref<1x800x32xf32, #tpu.memory_space<vmem>> -> memref<800x32xf32, #tpu.memory_space<vmem>>
    tpu.enqueue_dma source(%dma_start3A_496 : memref<800x32xf32, #tpu.memory_space<vmem>>) target(%dma_start3A_492 : memref<800x32xf32, #tpu.memory_space<hbm>>) target_semaphore(%arg13 : memref<!tpu.dma_semaphore, #tpu.memory_space<semaphore_mem>>)
    %mul3A_497 = arith.constant 200 : i32
    %mul3A_498 = arith.muli %mul3A_2, %mul3A_497 : i32
    %dma_wait3A_499 = arith.constant 1 : i32
    %dma_wait3A_500 = arith.constant 0 : i32
    %dma_wait3A_501 = arith.constant 0 : i32
    %dma_wait3A_502 = tpu.memref_slice %arg6[%dma_wait3A_499, %dma_wait3A_500, %dma_wait3A_501] : memref<4x800x32xf32, #tpu.memory_space<vmem>> -> memref<1x800x32xf32, #tpu.memory_space<vmem>>
    %dma_wait3A_503 = tpu.memref_squeeze %dma_wait3A_502 : memref<1x800x32xf32, #tpu.memory_space<vmem>> -> memref<800x32xf32, #tpu.memory_space<vmem>>
    %dma_wait3A_504 = arith.constant 0 : i32
    %dma_wait3A_505 = tpu.memref_slice %arg4[%mul3A_498, %dma_wait3A_504] : memref<3276800x32xf32, #tpu.memory_space<hbm>> -> memref<800x32xf32, #tpu.memory_space<hbm>>
    %dma_wait3A_506 = arith.constant 0 : i32
    %dma_wait3A_507 = tpu.memref_slice %arg4[%mul3A_498, %dma_wait3A_506] : memref<3276800x32xf32, #tpu.memory_space<hbm>> -> memref<800x32xf32, #tpu.memory_space<hbm>>
    %dma_wait3A_508 = arith.constant 0 : i32
    %dma_wait3A_509 = arith.constant 0 : i32
    %dma_wait3A_510 = tpu.memref_slice %arg6[%dma_wait3A_499, %dma_wait3A_508, %dma_wait3A_509] : memref<4x800x32xf32, #tpu.memory_space<vmem>> -> memref<1x800x32xf32, #tpu.memory_space<vmem>>
    %dma_wait3A_511 = tpu.memref_squeeze %dma_wait3A_510 : memref<1x800x32xf32, #tpu.memory_space<vmem>> -> memref<800x32xf32, #tpu.memory_space<vmem>>
    tpu.wait_dma2 semaphore(%arg12 : memref<!tpu.dma_semaphore, #tpu.memory_space<semaphore_mem>>) src(%dma_wait3A_511 : memref<800x32xf32, #tpu.memory_space<vmem>>) dst(%dma_wait3A_507 : memref<800x32xf32, #tpu.memory_space<hbm>>)
    %add3A_512 = arith.constant 20 : i32
    %add3A_513 = arith.addi %mul3A_2, %add3A_512 : i32
    %run_scoped3A_514 = arith.constant 1 : i32
    "tpu.region"() ({
      %run_scoped3A_1117 = tpu.sem_alloc : memref<!tpu.dma_semaphore, #tpu.memory_space<semaphore_mem>>
      %dma_start3A_1118 = arith.constant 0 : i32
      %dma_start3A_1119 = arith.constant 0 : i32
      %dma_start3A_1120 = tpu.memref_slice %arg5[%run_scoped3A_514, %dma_start3A_1118, %dma_start3A_1119] : memref<4x4x200xi32, #tpu.memory_space<vmem>> -> memref<1x4x200xi32, #tpu.memory_space<vmem>>
      %dma_start3A_1121 = tpu.memref_squeeze %dma_start3A_1120 : memref<1x4x200xi32, #tpu.memory_space<vmem>> -> memref<4x200xi32, #tpu.memory_space<vmem>>
      %dma_start3A_1122 = arith.constant 0 : i32
      %dma_start3A_1123 = tpu.memref_slice %arg2[%add3A_513, %dma_start3A_1122] : memref<16384x200xi32, #tpu.memory_space<hbm>> -> memref<4x200xi32, #tpu.memory_space<hbm>>
      %dma_start3A_1124 = arith.constant 0 : i32
      %dma_start3A_1125 = arith.constant 0 : i32
      %dma_start3A_1126 = tpu.memref_slice %arg5[%run_scoped3A_514, %dma_start3A_1124, %dma_start3A_1125] : memref<4x4x200xi32, #tpu.memory_space<vmem>> -> memref<1x4x200xi32, #tpu.memory_space<vmem>>
      %dma_start3A_1127 = tpu.memref_squeeze %dma_start3A_1126 : memref<1x4x200xi32, #tpu.memory_space<vmem>> -> memref<4x200xi32, #tpu.memory_space<vmem>>
      %dma_start3A_1128 = arith.constant 0 : i32
      %dma_start3A_1129 = tpu.memref_slice %arg2[%add3A_513, %dma_start3A_1128] : memref<16384x200xi32, #tpu.memory_space<hbm>> -> memref<4x200xi32, #tpu.memory_space<hbm>>
      tpu.enqueue_dma source(%dma_start3A_1129 : memref<4x200xi32, #tpu.memory_space<hbm>>) target(%dma_start3A_1127 : memref<4x200xi32, #tpu.memory_space<vmem>>) target_semaphore(%run_scoped3A_1117 : memref<!tpu.dma_semaphore, #tpu.memory_space<semaphore_mem>>)
      %dma_wait3A_1130 = arith.constant 0 : i32
      %dma_wait3A_1131 = arith.constant 0 : i32
      %dma_wait3A_1132 = tpu.memref_slice %arg5[%run_scoped3A_514, %dma_wait3A_1130, %dma_wait3A_1131] : memref<4x4x200xi32, #tpu.memory_space<vmem>> -> memref<1x4x200xi32, #tpu.memory_space<vmem>>
      %dma_wait3A_1133 = tpu.memref_squeeze %dma_wait3A_1132 : memref<1x4x200xi32, #tpu.memory_space<vmem>> -> memref<4x200xi32, #tpu.memory_space<vmem>>
      %dma_wait3A_1134 = arith.constant 0 : i32
      %dma_wait3A_1135 = tpu.memref_slice %arg2[%add3A_513, %dma_wait3A_1134] : memref<16384x200xi32, #tpu.memory_space<hbm>> -> memref<4x200xi32, #tpu.memory_space<hbm>>
      %dma_wait3A_1136 = arith.constant 0 : i32
      %dma_wait3A_1137 = arith.constant 0 : i32
      %dma_wait3A_1138 = tpu.memref_slice %arg5[%run_scoped3A_514, %dma_wait3A_1136, %dma_wait3A_1137] : memref<4x4x200xi32, #tpu.memory_space<vmem>> -> memref<1x4x200xi32, #tpu.memory_space<vmem>>
      %dma_wait3A_1139 = tpu.memref_squeeze %dma_wait3A_1138 : memref<1x4x200xi32, #tpu.memory_space<vmem>> -> memref<4x200xi32, #tpu.memory_space<vmem>>
      %dma_wait3A_1140 = arith.constant 0 : i32
      %dma_wait3A_1141 = tpu.memref_slice %arg2[%add3A_513, %dma_wait3A_1140] : memref<16384x200xi32, #tpu.memory_space<hbm>> -> memref<4x200xi32, #tpu.memory_space<hbm>>
      tpu.wait_dma2 semaphore(%run_scoped3A_1117 : memref<!tpu.dma_semaphore, #tpu.memory_space<semaphore_mem>>) src(%dma_wait3A_1141 : memref<4x200xi32, #tpu.memory_space<hbm>>) dst(%dma_wait3A_1139 : memref<4x200xi32, #tpu.memory_space<vmem>>)
      tpu.yield
    }) : () -> ()
    %dma_start3A_515 = arith.constant 1 : i32
    %dma_start3A_516 = arith.constant 0 : i32
    %dma_start3A_517 = arith.constant 1 : i32
    %dma_start3A_518 = arith.constant 0 : i32
    %dma_start3A_519 = arith.constant 0 : i32
    %dma_start3A_520 = tpu.memref_slice %arg6[%dma_start3A_517, %dma_start3A_518, %dma_start3A_519] : memref<4x800x32xf32, #tpu.memory_space<vmem>> -> memref<1x200x32xf32, #tpu.memory_space<vmem>>
    %dma_start3A_521 = tpu.memref_squeeze %dma_start3A_520 : memref<1x200x32xf32, #tpu.memory_space<vmem>> -> memref<200x32xf32, #tpu.memory_space<vmem>>
    %dma_start3A_522 = arith.constant 0 : i32
    %dma_start3A_523 = tpu.memref_slice %arg5[%dma_start3A_515, %dma_start3A_516, %dma_start3A_522] : memref<4x4x200xi32, #tpu.memory_space<vmem>> -> memref<1x1x200xi32, #tpu.memory_space<vmem>>
    %dma_start3A_524 = tpu.memref_squeeze %dma_start3A_523 : memref<1x1x200xi32, #tpu.memory_space<vmem>> -> memref<200xi32, #tpu.memory_space<vmem>>
    %dma_start3A_525 = arith.constant 0 : i32
    %dma_start3A_526 = arith.constant 0 : i32
    %dma_start3A_527 = tpu.memref_slice %arg3[%dma_start3A_525, %dma_start3A_526] : memref<1000000x32xf32, #tpu.memory_space<hbm>> -> memref<1000000x32xf32, #tpu.memory_space<hbm>>
    tpu.enqueue_indirect_dma source(%dma_start3A_527 : memref<1000000x32xf32, #tpu.memory_space<hbm>>) target(%dma_start3A_521 : memref<200x32xf32, #tpu.memory_space<vmem>>) offsets(%dma_start3A_524 : memref<200xi32, #tpu.memory_space<vmem>>) semaphore(%arg8 : memref<!tpu.dma_semaphore, #tpu.memory_space<semaphore_mem>>)
    %dma_start3A_528 = arith.constant 1 : i32
    %dma_start3A_529 = arith.constant 1 : i32
    %dma_start3A_530 = arith.constant 1 : i32
    %dma_start3A_531 = arith.constant 200 : i32
    %dma_start3A_532 = arith.constant 0 : i32
    %dma_start3A_533 = tpu.memref_slice %arg6[%dma_start3A_530, %dma_start3A_531, %dma_start3A_532] : memref<4x800x32xf32, #tpu.memory_space<vmem>> -> memref<1x200x32xf32, #tpu.memory_space<vmem>>
    %dma_start3A_534 = tpu.memref_squeeze %dma_start3A_533 : memref<1x200x32xf32, #tpu.memory_space<vmem>> -> memref<200x32xf32, #tpu.memory_space<vmem>>
    %dma_start3A_535 = arith.constant 0 : i32
    %dma_start3A_536 = tpu.memref_slice %arg5[%dma_start3A_528, %dma_start3A_529, %dma_start3A_535] : memref<4x4x200xi32, #tpu.memory_space<vmem>> -> memref<1x1x200xi32, #tpu.memory_space<vmem>>
    %dma_start3A_537 = tpu.memref_squeeze %dma_start3A_536 : memref<1x1x200xi32, #tpu.memory_space<vmem>> -> memref<200xi32, #tpu.memory_space<vmem>>
    %dma_start3A_538 = arith.constant 0 : i32
    %dma_start3A_539 = arith.constant 0 : i32
    %dma_start3A_540 = tpu.memref_slice %arg3[%dma_start3A_538, %dma_start3A_539] : memref<1000000x32xf32, #tpu.memory_space<hbm>> -> memref<1000000x32xf32, #tpu.memory_space<hbm>>
    tpu.enqueue_indirect_dma source(%dma_start3A_540 : memref<1000000x32xf32, #tpu.memory_space<hbm>>) target(%dma_start3A_534 : memref<200x32xf32, #tpu.memory_space<vmem>>) offsets(%dma_start3A_537 : memref<200xi32, #tpu.memory_space<vmem>>) semaphore(%arg8 : memref<!tpu.dma_semaphore, #tpu.memory_space<semaphore_mem>>)
    %dma_start3A_541 = arith.constant 1 : i32
    %dma_start3A_542 = arith.constant 2 : i32
    %dma_start3A_543 = arith.constant 1 : i32
    %dma_start3A_544 = arith.constant 400 : i32
    %dma_start3A_545 = arith.constant 0 : i32
    %dma_start3A_546 = tpu.memref_slice %arg6[%dma_start3A_543, %dma_start3A_544, %dma_start3A_545] : memref<4x800x32xf32, #tpu.memory_space<vmem>> -> memref<1x200x32xf32, #tpu.memory_space<vmem>>
    %dma_start3A_547 = tpu.memref_squeeze %dma_start3A_546 : memref<1x200x32xf32, #tpu.memory_space<vmem>> -> memref<200x32xf32, #tpu.memory_space<vmem>>
    %dma_start3A_548 = arith.constant 0 : i32
    %dma_start3A_549 = tpu.memref_slice %arg5[%dma_start3A_541, %dma_start3A_542, %dma_start3A_548] : memref<4x4x200xi32, #tpu.memory_space<vmem>> -> memref<1x1x200xi32, #tpu.memory_space<vmem>>
    %dma_start3A_550 = tpu.memref_squeeze %dma_start3A_549 : memref<1x1x200xi32, #tpu.memory_space<vmem>> -> memref<200xi32, #tpu.memory_space<vmem>>
    %dma_start3A_551 = arith.constant 0 : i32
    %dma_start3A_552 = arith.constant 0 : i32
    %dma_start3A_553 = tpu.memref_slice %arg3[%dma_start3A_551, %dma_start3A_552] : memref<1000000x32xf32, #tpu.memory_space<hbm>> -> memref<1000000x32xf32, #tpu.memory_space<hbm>>
    tpu.enqueue_indirect_dma source(%dma_start3A_553 : memref<1000000x32xf32, #tpu.memory_space<hbm>>) target(%dma_start3A_547 : memref<200x32xf32, #tpu.memory_space<vmem>>) offsets(%dma_start3A_550 : memref<200xi32, #tpu.memory_space<vmem>>) semaphore(%arg8 : memref<!tpu.dma_semaphore, #tpu.memory_space<semaphore_mem>>)
    %dma_start3A_554 = arith.constant 1 : i32
    %dma_start3A_555 = arith.constant 3 : i32
    %dma_start3A_556 = arith.constant 1 : i32
    %dma_start3A_557 = arith.constant 600 : i32
    %dma_start3A_558 = arith.constant 0 : i32
    %dma_start3A_559 = tpu.memref_slice %arg6[%dma_start3A_556, %dma_start3A_557, %dma_start3A_558] : memref<4x800x32xf32, #tpu.memory_space<vmem>> -> memref<1x200x32xf32, #tpu.memory_space<vmem>>
    %dma_start3A_560 = tpu.memref_squeeze %dma_start3A_559 : memref<1x200x32xf32, #tpu.memory_space<vmem>> -> memref<200x32xf32, #tpu.memory_space<vmem>>
    %dma_start3A_561 = arith.constant 0 : i32
    %dma_start3A_562 = tpu.memref_slice %arg5[%dma_start3A_554, %dma_start3A_555, %dma_start3A_561] : memref<4x4x200xi32, #tpu.memory_space<vmem>> -> memref<1x1x200xi32, #tpu.memory_space<vmem>>
    %dma_start3A_563 = tpu.memref_squeeze %dma_start3A_562 : memref<1x1x200xi32, #tpu.memory_space<vmem>> -> memref<200xi32, #tpu.memory_space<vmem>>
    %dma_start3A_564 = arith.constant 0 : i32
    %dma_start3A_565 = arith.constant 0 : i32
    %dma_start3A_566 = tpu.memref_slice %arg3[%dma_start3A_564, %dma_start3A_565] : memref<1000000x32xf32, #tpu.memory_space<hbm>> -> memref<1000000x32xf32, #tpu.memory_space<hbm>>
    tpu.enqueue_indirect_dma source(%dma_start3A_566 : memref<1000000x32xf32, #tpu.memory_space<hbm>>) target(%dma_start3A_560 : memref<200x32xf32, #tpu.memory_space<vmem>>) offsets(%dma_start3A_563 : memref<200xi32, #tpu.memory_space<vmem>>) semaphore(%arg8 : memref<!tpu.dma_semaphore, #tpu.memory_space<semaphore_mem>>)
    %dma_wait3A_567 = arith.constant 3 : i32
    %dma_wait3A_568 = arith.constant 0 : i32
    %dma_wait3A_569 = arith.constant 3 : i32
    %dma_wait3A_570 = arith.constant 0 : i32
    %dma_wait3A_571 = arith.constant 0 : i32
    %dma_wait3A_572 = tpu.memref_slice %arg6[%dma_wait3A_569, %dma_wait3A_570, %dma_wait3A_571] : memref<4x800x32xf32, #tpu.memory_space<vmem>> -> memref<1x200x32xf32, #tpu.memory_space<vmem>>
    %dma_wait3A_573 = tpu.memref_squeeze %dma_wait3A_572 : memref<1x200x32xf32, #tpu.memory_space<vmem>> -> memref<200x32xf32, #tpu.memory_space<vmem>>
    %dma_wait3A_574 = arith.constant 0 : i32
    %dma_wait3A_575 = tpu.memref_slice %arg5[%dma_wait3A_567, %dma_wait3A_568, %dma_wait3A_574] : memref<4x4x200xi32, #tpu.memory_space<vmem>> -> memref<1x1x200xi32, #tpu.memory_space<vmem>>
    %dma_wait3A_576 = tpu.memref_squeeze %dma_wait3A_575 : memref<1x1x200xi32, #tpu.memory_space<vmem>> -> memref<200xi32, #tpu.memory_space<vmem>>
    %dma_wait3A_577 = arith.constant 0 : i32
    %dma_wait3A_578 = arith.constant 0 : i32
    %dma_wait3A_579 = tpu.memref_slice %arg3[%dma_wait3A_577, %dma_wait3A_578] : memref<1000000x32xf32, #tpu.memory_space<hbm>> -> memref<1000000x32xf32, #tpu.memory_space<hbm>>
    tpu.wait_indirect_dma semaphore(%arg10 : memref<!tpu.dma_semaphore, #tpu.memory_space<semaphore_mem>>) src(%dma_wait3A_579 : memref<1000000x32xf32, #tpu.memory_space<hbm>>) dst(%dma_wait3A_573 : memref<200x32xf32, #tpu.memory_space<vmem>>)
    %dma_wait3A_580 = arith.constant 3 : i32
    %dma_wait3A_581 = arith.constant 1 : i32
    %dma_wait3A_582 = arith.constant 3 : i32
    %dma_wait3A_583 = arith.constant 200 : i32
    %dma_wait3A_584 = arith.constant 0 : i32
    %dma_wait3A_585 = tpu.memref_slice %arg6[%dma_wait3A_582, %dma_wait3A_583, %dma_wait3A_584] : memref<4x800x32xf32, #tpu.memory_space<vmem>> -> memref<1x200x32xf32, #tpu.memory_space<vmem>>
    %dma_wait3A_586 = tpu.memref_squeeze %dma_wait3A_585 : memref<1x200x32xf32, #tpu.memory_space<vmem>> -> memref<200x32xf32, #tpu.memory_space<vmem>>
    %dma_wait3A_587 = arith.constant 0 : i32
    %dma_wait3A_588 = tpu.memref_slice %arg5[%dma_wait3A_580, %dma_wait3A_581, %dma_wait3A_587] : memref<4x4x200xi32, #tpu.memory_space<vmem>> -> memref<1x1x200xi32, #tpu.memory_space<vmem>>
    %dma_wait3A_589 = tpu.memref_squeeze %dma_wait3A_588 : memref<1x1x200xi32, #tpu.memory_space<vmem>> -> memref<200xi32, #tpu.memory_space<vmem>>
    %dma_wait3A_590 = arith.constant 0 : i32
    %dma_wait3A_591 = arith.constant 0 : i32
    %dma_wait3A_592 = tpu.memref_slice %arg3[%dma_wait3A_590, %dma_wait3A_591] : memref<1000000x32xf32, #tpu.memory_space<hbm>> -> memref<1000000x32xf32, #tpu.memory_space<hbm>>
    tpu.wait_indirect_dma semaphore(%arg10 : memref<!tpu.dma_semaphore, #tpu.memory_space<semaphore_mem>>) src(%dma_wait3A_592 : memref<1000000x32xf32, #tpu.memory_space<hbm>>) dst(%dma_wait3A_586 : memref<200x32xf32, #tpu.memory_space<vmem>>)
    %dma_wait3A_593 = arith.constant 3 : i32
    %dma_wait3A_594 = arith.constant 2 : i32
    %dma_wait3A_595 = arith.constant 3 : i32
    %dma_wait3A_596 = arith.constant 400 : i32
    %dma_wait3A_597 = arith.constant 0 : i32
    %dma_wait3A_598 = tpu.memref_slice %arg6[%dma_wait3A_595, %dma_wait3A_596, %dma_wait3A_597] : memref<4x800x32xf32, #tpu.memory_space<vmem>> -> memref<1x200x32xf32, #tpu.memory_space<vmem>>
    %dma_wait3A_599 = tpu.memref_squeeze %dma_wait3A_598 : memref<1x200x32xf32, #tpu.memory_space<vmem>> -> memref<200x32xf32, #tpu.memory_space<vmem>>
    %dma_wait3A_600 = arith.constant 0 : i32
    %dma_wait3A_601 = tpu.memref_slice %arg5[%dma_wait3A_593, %dma_wait3A_594, %dma_wait3A_600] : memref<4x4x200xi32, #tpu.memory_space<vmem>> -> memref<1x1x200xi32, #tpu.memory_space<vmem>>
    %dma_wait3A_602 = tpu.memref_squeeze %dma_wait3A_601 : memref<1x1x200xi32, #tpu.memory_space<vmem>> -> memref<200xi32, #tpu.memory_space<vmem>>
    %dma_wait3A_603 = arith.constant 0 : i32
    %dma_wait3A_604 = arith.constant 0 : i32
    %dma_wait3A_605 = tpu.memref_slice %arg3[%dma_wait3A_603, %dma_wait3A_604] : memref<1000000x32xf32, #tpu.memory_space<hbm>> -> memref<1000000x32xf32, #tpu.memory_space<hbm>>
    tpu.wait_indirect_dma semaphore(%arg10 : memref<!tpu.dma_semaphore, #tpu.memory_space<semaphore_mem>>) src(%dma_wait3A_605 : memref<1000000x32xf32, #tpu.memory_space<hbm>>) dst(%dma_wait3A_599 : memref<200x32xf32, #tpu.memory_space<vmem>>)
    %dma_wait3A_606 = arith.constant 3 : i32
    %dma_wait3A_607 = arith.constant 3 : i32
    %dma_wait3A_608 = arith.constant 3 : i32
    %dma_wait3A_609 = arith.constant 600 : i32
    %dma_wait3A_610 = arith.constant 0 : i32
    %dma_wait3A_611 = tpu.memref_slice %arg6[%dma_wait3A_608, %dma_wait3A_609, %dma_wait3A_610] : memref<4x800x32xf32, #tpu.memory_space<vmem>> -> memref<1x200x32xf32, #tpu.memory_space<vmem>>
    %dma_wait3A_612 = tpu.memref_squeeze %dma_wait3A_611 : memref<1x200x32xf32, #tpu.memory_space<vmem>> -> memref<200x32xf32, #tpu.memory_space<vmem>>
    %dma_wait3A_613 = arith.constant 0 : i32
    %dma_wait3A_614 = tpu.memref_slice %arg5[%dma_wait3A_606, %dma_wait3A_607, %dma_wait3A_613] : memref<4x4x200xi32, #tpu.memory_space<vmem>> -> memref<1x1x200xi32, #tpu.memory_space<vmem>>
    %dma_wait3A_615 = tpu.memref_squeeze %dma_wait3A_614 : memref<1x1x200xi32, #tpu.memory_space<vmem>> -> memref<200xi32, #tpu.memory_space<vmem>>
    %dma_wait3A_616 = arith.constant 0 : i32
    %dma_wait3A_617 = arith.constant 0 : i32
    %dma_wait3A_618 = tpu.memref_slice %arg3[%dma_wait3A_616, %dma_wait3A_617] : memref<1000000x32xf32, #tpu.memory_space<hbm>> -> memref<1000000x32xf32, #tpu.memory_space<hbm>>
    tpu.wait_indirect_dma semaphore(%arg10 : memref<!tpu.dma_semaphore, #tpu.memory_space<semaphore_mem>>) src(%dma_wait3A_618 : memref<1000000x32xf32, #tpu.memory_space<hbm>>) dst(%dma_wait3A_612 : memref<200x32xf32, #tpu.memory_space<vmem>>)
    %add3A_619 = arith.constant 12 : i32
    %add3A_620 = arith.addi %mul3A_2, %add3A_619 : i32
    %mul3A_621 = arith.constant 200 : i32
    %mul3A_622 = arith.muli %add3A_620, %mul3A_621 : i32
    %dma_start3A_623 = arith.constant 3 : i32
    %dma_start3A_624 = arith.constant 0 : i32
    %dma_start3A_625 = arith.constant 0 : i32
    %dma_start3A_626 = tpu.memref_slice %arg6[%dma_start3A_623, %dma_start3A_624, %dma_start3A_625] : memref<4x800x32xf32, #tpu.memory_space<vmem>> -> memref<1x800x32xf32, #tpu.memory_space<vmem>>
    %dma_start3A_627 = tpu.memref_squeeze %dma_start3A_626 : memref<1x800x32xf32, #tpu.memory_space<vmem>> -> memref<800x32xf32, #tpu.memory_space<vmem>>
    %dma_start3A_628 = arith.constant 0 : i32
    %dma_start3A_629 = tpu.memref_slice %arg4[%mul3A_622, %dma_start3A_628] : memref<3276800x32xf32, #tpu.memory_space<hbm>> -> memref<800x32xf32, #tpu.memory_space<hbm>>
    %dma_start3A_630 = arith.constant 0 : i32
    %dma_start3A_631 = tpu.memref_slice %arg4[%mul3A_622, %dma_start3A_630] : memref<3276800x32xf32, #tpu.memory_space<hbm>> -> memref<800x32xf32, #tpu.memory_space<hbm>>
    %dma_start3A_632 = arith.constant 0 : i32
    %dma_start3A_633 = arith.constant 0 : i32
    %dma_start3A_634 = tpu.memref_slice %arg6[%dma_start3A_623, %dma_start3A_632, %dma_start3A_633] : memref<4x800x32xf32, #tpu.memory_space<vmem>> -> memref<1x800x32xf32, #tpu.memory_space<vmem>>
    %dma_start3A_635 = tpu.memref_squeeze %dma_start3A_634 : memref<1x800x32xf32, #tpu.memory_space<vmem>> -> memref<800x32xf32, #tpu.memory_space<vmem>>
    tpu.enqueue_dma source(%dma_start3A_635 : memref<800x32xf32, #tpu.memory_space<vmem>>) target(%dma_start3A_631 : memref<800x32xf32, #tpu.memory_space<hbm>>) target_semaphore(%arg14 : memref<!tpu.dma_semaphore, #tpu.memory_space<semaphore_mem>>)
    %scan3A = arith.constant 0 : i32
    %scan3A_636 = arith.constant 1 : i32
    %scan3A_637 = arith.constant 30 : i32
    %scan3A_638 = arith.addi %scan3A_636, %scan3A_637 : i32
    %scan3A_639 = arith.constant 1 : i32
    scf.for %scan3A_1117 = %scan3A_636 to %scan3A_638 step %scan3A_639  : i32 {
      %mul3A_1118 = arith.constant 4 : i32
      %mul3A_1119 = arith.muli %scan3A_1117, %mul3A_1118 : i32
      %add3A_1120 = arith.constant 0 : i32
      %add3A_1121 = arith.addi %mul3A_1119, %add3A_1120 : i32
      %mul3A_1122 = arith.constant 200 : i32
      %mul3A_1123 = arith.muli %mul3A_2, %mul3A_1122 : i32
      %dma_wait3A_1124 = arith.constant 2 : i32
      %dma_wait3A_1125 = arith.constant 0 : i32
      %dma_wait3A_1126 = arith.constant 0 : i32
      %dma_wait3A_1127 = tpu.memref_slice %arg6[%dma_wait3A_1124, %dma_wait3A_1125, %dma_wait3A_1126] : memref<4x800x32xf32, #tpu.memory_space<vmem>> -> memref<1x800x32xf32, #tpu.memory_space<vmem>>
      %dma_wait3A_1128 = tpu.memref_squeeze %dma_wait3A_1127 : memref<1x800x32xf32, #tpu.memory_space<vmem>> -> memref<800x32xf32, #tpu.memory_space<vmem>>
      %dma_wait3A_1129 = arith.constant 0 : i32
      %dma_wait3A_1130 = tpu.memref_slice %arg4[%mul3A_1123, %dma_wait3A_1129] : memref<3276800x32xf32, #tpu.memory_space<hbm>> -> memref<800x32xf32, #tpu.memory_space<hbm>>
      %dma_wait3A_1131 = arith.constant 0 : i32
      %dma_wait3A_1132 = tpu.memref_slice %arg4[%mul3A_1123, %dma_wait3A_1131] : memref<3276800x32xf32, #tpu.memory_space<hbm>> -> memref<800x32xf32, #tpu.memory_space<hbm>>
      %dma_wait3A_1133 = arith.constant 0 : i32
      %dma_wait3A_1134 = arith.constant 0 : i32
      %dma_wait3A_1135 = tpu.memref_slice %arg6[%dma_wait3A_1124, %dma_wait3A_1133, %dma_wait3A_1134] : memref<4x800x32xf32, #tpu.memory_space<vmem>> -> memref<1x800x32xf32, #tpu.memory_space<vmem>>
      %dma_wait3A_1136 = tpu.memref_squeeze %dma_wait3A_1135 : memref<1x800x32xf32, #tpu.memory_space<vmem>> -> memref<800x32xf32, #tpu.memory_space<vmem>>
      tpu.wait_dma2 semaphore(%arg13 : memref<!tpu.dma_semaphore, #tpu.memory_space<semaphore_mem>>) src(%dma_wait3A_1136 : memref<800x32xf32, #tpu.memory_space<vmem>>) dst(%dma_wait3A_1132 : memref<800x32xf32, #tpu.memory_space<hbm>>)
      %add3A_1137 = arith.constant 2 : i32
      %add3A_1138 = arith.addi %add3A_1121, %add3A_1137 : i32
      %mul3A_1139 = arith.constant 4 : i32
      %mul3A_1140 = arith.muli %add3A_1138, %mul3A_1139 : i32
      %add3A_1141 = arith.addi %mul3A_2, %mul3A_1140 : i32
      %run_scoped3A_1142 = arith.constant 2 : i32
      "tpu.region"() ({
        %run_scoped3A_1700 = tpu.sem_alloc : memref<!tpu.dma_semaphore, #tpu.memory_space<semaphore_mem>>
        %dma_start3A_1701 = arith.constant 0 : i32
        %dma_start3A_1702 = arith.constant 0 : i32
        %dma_start3A_1703 = tpu.memref_slice %arg5[%run_scoped3A_1142, %dma_start3A_1701, %dma_start3A_1702] : memref<4x4x200xi32, #tpu.memory_space<vmem>> -> memref<1x4x200xi32, #tpu.memory_space<vmem>>
        %dma_start3A_1704 = tpu.memref_squeeze %dma_start3A_1703 : memref<1x4x200xi32, #tpu.memory_space<vmem>> -> memref<4x200xi32, #tpu.memory_space<vmem>>
        %dma_start3A_1705 = arith.constant 0 : i32
        %dma_start3A_1706 = tpu.memref_slice %arg2[%add3A_1141, %dma_start3A_1705] : memref<16384x200xi32, #tpu.memory_space<hbm>> -> memref<4x200xi32, #tpu.memory_space<hbm>>
        %dma_start3A_1707 = arith.constant 0 : i32
        %dma_start3A_1708 = arith.constant 0 : i32
        %dma_start3A_1709 = tpu.memref_slice %arg5[%run_scoped3A_1142, %dma_start3A_1707, %dma_start3A_1708] : memref<4x4x200xi32, #tpu.memory_space<vmem>> -> memref<1x4x200xi32, #tpu.memory_space<vmem>>
        %dma_start3A_1710 = tpu.memref_squeeze %dma_start3A_1709 : memref<1x4x200xi32, #tpu.memory_space<vmem>> -> memref<4x200xi32, #tpu.memory_space<vmem>>
        %dma_start3A_1711 = arith.constant 0 : i32
        %dma_start3A_1712 = tpu.memref_slice %arg2[%add3A_1141, %dma_start3A_1711] : memref<16384x200xi32, #tpu.memory_space<hbm>> -> memref<4x200xi32, #tpu.memory_space<hbm>>
        tpu.enqueue_dma source(%dma_start3A_1712 : memref<4x200xi32, #tpu.memory_space<hbm>>) target(%dma_start3A_1710 : memref<4x200xi32, #tpu.memory_space<vmem>>) target_semaphore(%run_scoped3A_1700 : memref<!tpu.dma_semaphore, #tpu.memory_space<semaphore_mem>>)
        %dma_wait3A_1713 = arith.constant 0 : i32
        %dma_wait3A_1714 = arith.constant 0 : i32
        %dma_wait3A_1715 = tpu.memref_slice %arg5[%run_scoped3A_1142, %dma_wait3A_1713, %dma_wait3A_1714] : memref<4x4x200xi32, #tpu.memory_space<vmem>> -> memref<1x4x200xi32, #tpu.memory_space<vmem>>
        %dma_wait3A_1716 = tpu.memref_squeeze %dma_wait3A_1715 : memref<1x4x200xi32, #tpu.memory_space<vmem>> -> memref<4x200xi32, #tpu.memory_space<vmem>>
        %dma_wait3A_1717 = arith.constant 0 : i32
        %dma_wait3A_1718 = tpu.memref_slice %arg2[%add3A_1141, %dma_wait3A_1717] : memref<16384x200xi32, #tpu.memory_space<hbm>> -> memref<4x200xi32, #tpu.memory_space<hbm>>
        %dma_wait3A_1719 = arith.constant 0 : i32
        %dma_wait3A_1720 = arith.constant 0 : i32
        %dma_wait3A_1721 = tpu.memref_slice %arg5[%run_scoped3A_1142, %dma_wait3A_1719, %dma_wait3A_1720] : memref<4x4x200xi32, #tpu.memory_space<vmem>> -> memref<1x4x200xi32, #tpu.memory_space<vmem>>
        %dma_wait3A_1722 = tpu.memref_squeeze %dma_wait3A_1721 : memref<1x4x200xi32, #tpu.memory_space<vmem>> -> memref<4x200xi32, #tpu.memory_space<vmem>>
        %dma_wait3A_1723 = arith.constant 0 : i32
        %dma_wait3A_1724 = tpu.memref_slice %arg2[%add3A_1141, %dma_wait3A_1723] : memref<16384x200xi32, #tpu.memory_space<hbm>> -> memref<4x200xi32, #tpu.memory_space<hbm>>
        tpu.wait_dma2 semaphore(%run_scoped3A_1700 : memref<!tpu.dma_semaphore, #tpu.memory_space<semaphore_mem>>) src(%dma_wait3A_1724 : memref<4x200xi32, #tpu.memory_space<hbm>>) dst(%dma_wait3A_1722 : memref<4x200xi32, #tpu.memory_space<vmem>>)
        tpu.yield
      }) : () -> ()
      %dma_start3A_1143 = arith.constant 2 : i32
      %dma_start3A_1144 = arith.constant 0 : i32
      %dma_start3A_1145 = arith.constant 2 : i32
      %dma_start3A_1146 = arith.constant 0 : i32
      %dma_start3A_1147 = arith.constant 0 : i32
      %dma_start3A_1148 = tpu.memref_slice %arg6[%dma_start3A_1145, %dma_start3A_1146, %dma_start3A_1147] : memref<4x800x32xf32, #tpu.memory_space<vmem>> -> memref<1x200x32xf32, #tpu.memory_space<vmem>>
      %dma_start3A_1149 = tpu.memref_squeeze %dma_start3A_1148 : memref<1x200x32xf32, #tpu.memory_space<vmem>> -> memref<200x32xf32, #tpu.memory_space<vmem>>
      %dma_start3A_1150 = arith.constant 0 : i32
      %dma_start3A_1151 = tpu.memref_slice %arg5[%dma_start3A_1143, %dma_start3A_1144, %dma_start3A_1150] : memref<4x4x200xi32, #tpu.memory_space<vmem>> -> memref<1x1x200xi32, #tpu.memory_space<vmem>>
      %dma_start3A_1152 = tpu.memref_squeeze %dma_start3A_1151 : memref<1x1x200xi32, #tpu.memory_space<vmem>> -> memref<200xi32, #tpu.memory_space<vmem>>
      %dma_start3A_1153 = arith.constant 0 : i32
      %dma_start3A_1154 = arith.constant 0 : i32
      %dma_start3A_1155 = tpu.memref_slice %arg3[%dma_start3A_1153, %dma_start3A_1154] : memref<1000000x32xf32, #tpu.memory_space<hbm>> -> memref<1000000x32xf32, #tpu.memory_space<hbm>>
      tpu.enqueue_indirect_dma source(%dma_start3A_1155 : memref<1000000x32xf32, #tpu.memory_space<hbm>>) target(%dma_start3A_1149 : memref<200x32xf32, #tpu.memory_space<vmem>>) offsets(%dma_start3A_1152 : memref<200xi32, #tpu.memory_space<vmem>>) semaphore(%arg9 : memref<!tpu.dma_semaphore, #tpu.memory_space<semaphore_mem>>)
      %dma_start3A_1156 = arith.constant 2 : i32
      %dma_start3A_1157 = arith.constant 1 : i32
      %dma_start3A_1158 = arith.constant 2 : i32
      %dma_start3A_1159 = arith.constant 200 : i32
      %dma_start3A_1160 = arith.constant 0 : i32
      %dma_start3A_1161 = tpu.memref_slice %arg6[%dma_start3A_1158, %dma_start3A_1159, %dma_start3A_1160] : memref<4x800x32xf32, #tpu.memory_space<vmem>> -> memref<1x200x32xf32, #tpu.memory_space<vmem>>
      %dma_start3A_1162 = tpu.memref_squeeze %dma_start3A_1161 : memref<1x200x32xf32, #tpu.memory_space<vmem>> -> memref<200x32xf32, #tpu.memory_space<vmem>>
      %dma_start3A_1163 = arith.constant 0 : i32
      %dma_start3A_1164 = tpu.memref_slice %arg5[%dma_start3A_1156, %dma_start3A_1157, %dma_start3A_1163] : memref<4x4x200xi32, #tpu.memory_space<vmem>> -> memref<1x1x200xi32, #tpu.memory_space<vmem>>
      %dma_start3A_1165 = tpu.memref_squeeze %dma_start3A_1164 : memref<1x1x200xi32, #tpu.memory_space<vmem>> -> memref<200xi32, #tpu.memory_space<vmem>>
      %dma_start3A_1166 = arith.constant 0 : i32
      %dma_start3A_1167 = arith.constant 0 : i32
      %dma_start3A_1168 = tpu.memref_slice %arg3[%dma_start3A_1166, %dma_start3A_1167] : memref<1000000x32xf32, #tpu.memory_space<hbm>> -> memref<1000000x32xf32, #tpu.memory_space<hbm>>
      tpu.enqueue_indirect_dma source(%dma_start3A_1168 : memref<1000000x32xf32, #tpu.memory_space<hbm>>) target(%dma_start3A_1162 : memref<200x32xf32, #tpu.memory_space<vmem>>) offsets(%dma_start3A_1165 : memref<200xi32, #tpu.memory_space<vmem>>) semaphore(%arg9 : memref<!tpu.dma_semaphore, #tpu.memory_space<semaphore_mem>>)
      %dma_start3A_1169 = arith.constant 2 : i32
      %dma_start3A_1170 = arith.constant 2 : i32
      %dma_start3A_1171 = arith.constant 2 : i32
      %dma_start3A_1172 = arith.constant 400 : i32
      %dma_start3A_1173 = arith.constant 0 : i32
      %dma_start3A_1174 = tpu.memref_slice %arg6[%dma_start3A_1171, %dma_start3A_1172, %dma_start3A_1173] : memref<4x800x32xf32, #tpu.memory_space<vmem>> -> memref<1x200x32xf32, #tpu.memory_space<vmem>>
      %dma_start3A_1175 = tpu.memref_squeeze %dma_start3A_1174 : memref<1x200x32xf32, #tpu.memory_space<vmem>> -> memref<200x32xf32, #tpu.memory_space<vmem>>
      %dma_start3A_1176 = arith.constant 0 : i32
      %dma_start3A_1177 = tpu.memref_slice %arg5[%dma_start3A_1169, %dma_start3A_1170, %dma_start3A_1176] : memref<4x4x200xi32, #tpu.memory_space<vmem>> -> memref<1x1x200xi32, #tpu.memory_space<vmem>>
      %dma_start3A_1178 = tpu.memref_squeeze %dma_start3A_1177 : memref<1x1x200xi32, #tpu.memory_space<vmem>> -> memref<200xi32, #tpu.memory_space<vmem>>
      %dma_start3A_1179 = arith.constant 0 : i32
      %dma_start3A_1180 = arith.constant 0 : i32
      %dma_start3A_1181 = tpu.memref_slice %arg3[%dma_start3A_1179, %dma_start3A_1180] : memref<1000000x32xf32, #tpu.memory_space<hbm>> -> memref<1000000x32xf32, #tpu.memory_space<hbm>>
      tpu.enqueue_indirect_dma source(%dma_start3A_1181 : memref<1000000x32xf32, #tpu.memory_space<hbm>>) target(%dma_start3A_1175 : memref<200x32xf32, #tpu.memory_space<vmem>>) offsets(%dma_start3A_1178 : memref<200xi32, #tpu.memory_space<vmem>>) semaphore(%arg9 : memref<!tpu.dma_semaphore, #tpu.memory_space<semaphore_mem>>)
      %dma_start3A_1182 = arith.constant 2 : i32
      %dma_start3A_1183 = arith.constant 3 : i32
      %dma_start3A_1184 = arith.constant 2 : i32
      %dma_start3A_1185 = arith.constant 600 : i32
      %dma_start3A_1186 = arith.constant 0 : i32
      %dma_start3A_1187 = tpu.memref_slice %arg6[%dma_start3A_1184, %dma_start3A_1185, %dma_start3A_1186] : memref<4x800x32xf32, #tpu.memory_space<vmem>> -> memref<1x200x32xf32, #tpu.memory_space<vmem>>
      %dma_start3A_1188 = tpu.memref_squeeze %dma_start3A_1187 : memref<1x200x32xf32, #tpu.memory_space<vmem>> -> memref<200x32xf32, #tpu.memory_space<vmem>>
      %dma_start3A_1189 = arith.constant 0 : i32
      %dma_start3A_1190 = tpu.memref_slice %arg5[%dma_start3A_1182, %dma_start3A_1183, %dma_start3A_1189] : memref<4x4x200xi32, #tpu.memory_space<vmem>> -> memref<1x1x200xi32, #tpu.memory_space<vmem>>
      %dma_start3A_1191 = tpu.memref_squeeze %dma_start3A_1190 : memref<1x1x200xi32, #tpu.memory_space<vmem>> -> memref<200xi32, #tpu.memory_space<vmem>>
      %dma_start3A_1192 = arith.constant 0 : i32
      %dma_start3A_1193 = arith.constant 0 : i32
      %dma_start3A_1194 = tpu.memref_slice %arg3[%dma_start3A_1192, %dma_start3A_1193] : memref<1000000x32xf32, #tpu.memory_space<hbm>> -> memref<1000000x32xf32, #tpu.memory_space<hbm>>
      tpu.enqueue_indirect_dma source(%dma_start3A_1194 : memref<1000000x32xf32, #tpu.memory_space<hbm>>) target(%dma_start3A_1188 : memref<200x32xf32, #tpu.memory_space<vmem>>) offsets(%dma_start3A_1191 : memref<200xi32, #tpu.memory_space<vmem>>) semaphore(%arg9 : memref<!tpu.dma_semaphore, #tpu.memory_space<semaphore_mem>>)
      %dma_wait3A_1195 = arith.constant 0 : i32
      %dma_wait3A_1196 = arith.constant 0 : i32
      %dma_wait3A_1197 = arith.constant 0 : i32
      %dma_wait3A_1198 = arith.constant 0 : i32
      %dma_wait3A_1199 = arith.constant 0 : i32
      %dma_wait3A_1200 = tpu.memref_slice %arg6[%dma_wait3A_1197, %dma_wait3A_1198, %dma_wait3A_1199] : memref<4x800x32xf32, #tpu.memory_space<vmem>> -> memref<1x200x32xf32, #tpu.memory_space<vmem>>
      %dma_wait3A_1201 = tpu.memref_squeeze %dma_wait3A_1200 : memref<1x200x32xf32, #tpu.memory_space<vmem>> -> memref<200x32xf32, #tpu.memory_space<vmem>>
      %dma_wait3A_1202 = arith.constant 0 : i32
      %dma_wait3A_1203 = tpu.memref_slice %arg5[%dma_wait3A_1195, %dma_wait3A_1196, %dma_wait3A_1202] : memref<4x4x200xi32, #tpu.memory_space<vmem>> -> memref<1x1x200xi32, #tpu.memory_space<vmem>>
      %dma_wait3A_1204 = tpu.memref_squeeze %dma_wait3A_1203 : memref<1x1x200xi32, #tpu.memory_space<vmem>> -> memref<200xi32, #tpu.memory_space<vmem>>
      %dma_wait3A_1205 = arith.constant 0 : i32
      %dma_wait3A_1206 = arith.constant 0 : i32
      %dma_wait3A_1207 = tpu.memref_slice %arg3[%dma_wait3A_1205, %dma_wait3A_1206] : memref<1000000x32xf32, #tpu.memory_space<hbm>> -> memref<1000000x32xf32, #tpu.memory_space<hbm>>
      tpu.wait_indirect_dma semaphore(%arg7 : memref<!tpu.dma_semaphore, #tpu.memory_space<semaphore_mem>>) src(%dma_wait3A_1207 : memref<1000000x32xf32, #tpu.memory_space<hbm>>) dst(%dma_wait3A_1201 : memref<200x32xf32, #tpu.memory_space<vmem>>)
      %dma_wait3A_1208 = arith.constant 0 : i32
      %dma_wait3A_1209 = arith.constant 1 : i32
      %dma_wait3A_1210 = arith.constant 0 : i32
      %dma_wait3A_1211 = arith.constant 200 : i32
      %dma_wait3A_1212 = arith.constant 0 : i32
      %dma_wait3A_1213 = tpu.memref_slice %arg6[%dma_wait3A_1210, %dma_wait3A_1211, %dma_wait3A_1212] : memref<4x800x32xf32, #tpu.memory_space<vmem>> -> memref<1x200x32xf32, #tpu.memory_space<vmem>>
      %dma_wait3A_1214 = tpu.memref_squeeze %dma_wait3A_1213 : memref<1x200x32xf32, #tpu.memory_space<vmem>> -> memref<200x32xf32, #tpu.memory_space<vmem>>
      %dma_wait3A_1215 = arith.constant 0 : i32
      %dma_wait3A_1216 = tpu.memref_slice %arg5[%dma_wait3A_1208, %dma_wait3A_1209, %dma_wait3A_1215] : memref<4x4x200xi32, #tpu.memory_space<vmem>> -> memref<1x1x200xi32, #tpu.memory_space<vmem>>
      %dma_wait3A_1217 = tpu.memref_squeeze %dma_wait3A_1216 : memref<1x1x200xi32, #tpu.memory_space<vmem>> -> memref<200xi32, #tpu.memory_space<vmem>>
      %dma_wait3A_1218 = arith.constant 0 : i32
      %dma_wait3A_1219 = arith.constant 0 : i32
      %dma_wait3A_1220 = tpu.memref_slice %arg3[%dma_wait3A_1218, %dma_wait3A_1219] : memref<1000000x32xf32, #tpu.memory_space<hbm>> -> memref<1000000x32xf32, #tpu.memory_space<hbm>>
      tpu.wait_indirect_dma semaphore(%arg7 : memref<!tpu.dma_semaphore, #tpu.memory_space<semaphore_mem>>) src(%dma_wait3A_1220 : memref<1000000x32xf32, #tpu.memory_space<hbm>>) dst(%dma_wait3A_1214 : memref<200x32xf32, #tpu.memory_space<vmem>>)
      %dma_wait3A_1221 = arith.constant 0 : i32
      %dma_wait3A_1222 = arith.constant 2 : i32
      %dma_wait3A_1223 = arith.constant 0 : i32
      %dma_wait3A_1224 = arith.constant 400 : i32
      %dma_wait3A_1225 = arith.constant 0 : i32
      %dma_wait3A_1226 = tpu.memref_slice %arg6[%dma_wait3A_1223, %dma_wait3A_1224, %dma_wait3A_1225] : memref<4x800x32xf32, #tpu.memory_space<vmem>> -> memref<1x200x32xf32, #tpu.memory_space<vmem>>
      %dma_wait3A_1227 = tpu.memref_squeeze %dma_wait3A_1226 : memref<1x200x32xf32, #tpu.memory_space<vmem>> -> memref<200x32xf32, #tpu.memory_space<vmem>>
      %dma_wait3A_1228 = arith.constant 0 : i32
      %dma_wait3A_1229 = tpu.memref_slice %arg5[%dma_wait3A_1221, %dma_wait3A_1222, %dma_wait3A_1228] : memref<4x4x200xi32, #tpu.memory_space<vmem>> -> memref<1x1x200xi32, #tpu.memory_space<vmem>>
      %dma_wait3A_1230 = tpu.memref_squeeze %dma_wait3A_1229 : memref<1x1x200xi32, #tpu.memory_space<vmem>> -> memref<200xi32, #tpu.memory_space<vmem>>
      %dma_wait3A_1231 = arith.constant 0 : i32
      %dma_wait3A_1232 = arith.constant 0 : i32
      %dma_wait3A_1233 = tpu.memref_slice %arg3[%dma_wait3A_1231, %dma_wait3A_1232] : memref<1000000x32xf32, #tpu.memory_space<hbm>> -> memref<1000000x32xf32, #tpu.memory_space<hbm>>
      tpu.wait_indirect_dma semaphore(%arg7 : memref<!tpu.dma_semaphore, #tpu.memory_space<semaphore_mem>>) src(%dma_wait3A_1233 : memref<1000000x32xf32, #tpu.memory_space<hbm>>) dst(%dma_wait3A_1227 : memref<200x32xf32, #tpu.memory_space<vmem>>)
      %dma_wait3A_1234 = arith.constant 0 : i32
      %dma_wait3A_1235 = arith.constant 3 : i32
      %dma_wait3A_1236 = arith.constant 0 : i32
      %dma_wait3A_1237 = arith.constant 600 : i32
      %dma_wait3A_1238 = arith.constant 0 : i32
      %dma_wait3A_1239 = tpu.memref_slice %arg6[%dma_wait3A_1236, %dma_wait3A_1237, %dma_wait3A_1238] : memref<4x800x32xf32, #tpu.memory_space<vmem>> -> memref<1x200x32xf32, #tpu.memory_space<vmem>>
      %dma_wait3A_1240 = tpu.memref_squeeze %dma_wait3A_1239 : memref<1x200x32xf32, #tpu.memory_space<vmem>> -> memref<200x32xf32, #tpu.memory_space<vmem>>
      %dma_wait3A_1241 = arith.constant 0 : i32
      %dma_wait3A_1242 = tpu.memref_slice %arg5[%dma_wait3A_1234, %dma_wait3A_1235, %dma_wait3A_1241] : memref<4x4x200xi32, #tpu.memory_space<vmem>> -> memref<1x1x200xi32, #tpu.memory_space<vmem>>
      %dma_wait3A_1243 = tpu.memref_squeeze %dma_wait3A_1242 : memref<1x1x200xi32, #tpu.memory_space<vmem>> -> memref<200xi32, #tpu.memory_space<vmem>>
      %dma_wait3A_1244 = arith.constant 0 : i32
      %dma_wait3A_1245 = arith.constant 0 : i32
      %dma_wait3A_1246 = tpu.memref_slice %arg3[%dma_wait3A_1244, %dma_wait3A_1245] : memref<1000000x32xf32, #tpu.memory_space<hbm>> -> memref<1000000x32xf32, #tpu.memory_space<hbm>>
      tpu.wait_indirect_dma semaphore(%arg7 : memref<!tpu.dma_semaphore, #tpu.memory_space<semaphore_mem>>) src(%dma_wait3A_1246 : memref<1000000x32xf32, #tpu.memory_space<hbm>>) dst(%dma_wait3A_1240 : memref<200x32xf32, #tpu.memory_space<vmem>>)
      %mul3A_1247 = arith.constant 4 : i32
      %mul3A_1248 = arith.muli %add3A_1121, %mul3A_1247 : i32
      %add3A_1249 = arith.addi %mul3A_2, %mul3A_1248 : i32
      %mul3A_1250 = arith.constant 200 : i32
      %mul3A_1251 = arith.muli %add3A_1249, %mul3A_1250 : i32
      %dma_start3A_1252 = arith.constant 0 : i32
      %dma_start3A_1253 = arith.constant 0 : i32
      %dma_start3A_1254 = arith.constant 0 : i32
      %dma_start3A_1255 = tpu.memref_slice %arg6[%dma_start3A_1252, %dma_start3A_1253, %dma_start3A_1254] : memref<4x800x32xf32, #tpu.memory_space<vmem>> -> memref<1x800x32xf32, #tpu.memory_space<vmem>>
      %dma_start3A_1256 = tpu.memref_squeeze %dma_start3A_1255 : memref<1x800x32xf32, #tpu.memory_space<vmem>> -> memref<800x32xf32, #tpu.memory_space<vmem>>
      %dma_start3A_1257 = arith.constant 0 : i32
      %dma_start3A_1258 = tpu.memref_slice %arg4[%mul3A_1251, %dma_start3A_1257] : memref<3276800x32xf32, #tpu.memory_space<hbm>> -> memref<800x32xf32, #tpu.memory_space<hbm>>
      %dma_start3A_1259 = arith.constant 0 : i32
      %dma_start3A_1260 = tpu.memref_slice %arg4[%mul3A_1251, %dma_start3A_1259] : memref<3276800x32xf32, #tpu.memory_space<hbm>> -> memref<800x32xf32, #tpu.memory_space<hbm>>
      %dma_start3A_1261 = arith.constant 0 : i32
      %dma_start3A_1262 = arith.constant 0 : i32
      %dma_start3A_1263 = tpu.memref_slice %arg6[%dma_start3A_1252, %dma_start3A_1261, %dma_start3A_1262] : memref<4x800x32xf32, #tpu.memory_space<vmem>> -> memref<1x800x32xf32, #tpu.memory_space<vmem>>
      %dma_start3A_1264 = tpu.memref_squeeze %dma_start3A_1263 : memref<1x800x32xf32, #tpu.memory_space<vmem>> -> memref<800x32xf32, #tpu.memory_space<vmem>>
      tpu.enqueue_dma source(%dma_start3A_1264 : memref<800x32xf32, #tpu.memory_space<vmem>>) target(%dma_start3A_1260 : memref<800x32xf32, #tpu.memory_space<hbm>>) target_semaphore(%arg11 : memref<!tpu.dma_semaphore, #tpu.memory_space<semaphore_mem>>)
      %add3A_1265 = arith.constant 1 : i32
      %add3A_1266 = arith.addi %mul3A_1119, %add3A_1265 : i32
      %mul3A_1267 = arith.constant 200 : i32
      %mul3A_1268 = arith.muli %mul3A_2, %mul3A_1267 : i32
      %dma_wait3A_1269 = arith.constant 3 : i32
      %dma_wait3A_1270 = arith.constant 0 : i32
      %dma_wait3A_1271 = arith.constant 0 : i32
      %dma_wait3A_1272 = tpu.memref_slice %arg6[%dma_wait3A_1269, %dma_wait3A_1270, %dma_wait3A_1271] : memref<4x800x32xf32, #tpu.memory_space<vmem>> -> memref<1x800x32xf32, #tpu.memory_space<vmem>>
      %dma_wait3A_1273 = tpu.memref_squeeze %dma_wait3A_1272 : memref<1x800x32xf32, #tpu.memory_space<vmem>> -> memref<800x32xf32, #tpu.memory_space<vmem>>
      %dma_wait3A_1274 = arith.constant 0 : i32
      %dma_wait3A_1275 = tpu.memref_slice %arg4[%mul3A_1268, %dma_wait3A_1274] : memref<3276800x32xf32, #tpu.memory_space<hbm>> -> memref<800x32xf32, #tpu.memory_space<hbm>>
      %dma_wait3A_1276 = arith.constant 0 : i32
      %dma_wait3A_1277 = tpu.memref_slice %arg4[%mul3A_1268, %dma_wait3A_1276] : memref<3276800x32xf32, #tpu.memory_space<hbm>> -> memref<800x32xf32, #tpu.memory_space<hbm>>
      %dma_wait3A_1278 = arith.constant 0 : i32
      %dma_wait3A_1279 = arith.constant 0 : i32
      %dma_wait3A_1280 = tpu.memref_slice %arg6[%dma_wait3A_1269, %dma_wait3A_1278, %dma_wait3A_1279] : memref<4x800x32xf32, #tpu.memory_space<vmem>> -> memref<1x800x32xf32, #tpu.memory_space<vmem>>
      %dma_wait3A_1281 = tpu.memref_squeeze %dma_wait3A_1280 : memref<1x800x32xf32, #tpu.memory_space<vmem>> -> memref<800x32xf32, #tpu.memory_space<vmem>>
      tpu.wait_dma2 semaphore(%arg14 : memref<!tpu.dma_semaphore, #tpu.memory_space<semaphore_mem>>) src(%dma_wait3A_1281 : memref<800x32xf32, #tpu.memory_space<vmem>>) dst(%dma_wait3A_1277 : memref<800x32xf32, #tpu.memory_space<hbm>>)
      %add3A_1282 = arith.constant 2 : i32
      %add3A_1283 = arith.addi %add3A_1266, %add3A_1282 : i32
      %mul3A_1284 = arith.constant 4 : i32
      %mul3A_1285 = arith.muli %add3A_1283, %mul3A_1284 : i32
      %add3A_1286 = arith.addi %mul3A_2, %mul3A_1285 : i32
      %run_scoped3A_1287 = arith.constant 3 : i32
      "tpu.region"() ({
        %run_scoped3A_1700 = tpu.sem_alloc : memref<!tpu.dma_semaphore, #tpu.memory_space<semaphore_mem>>
        %dma_start3A_1701 = arith.constant 0 : i32
        %dma_start3A_1702 = arith.constant 0 : i32
        %dma_start3A_1703 = tpu.memref_slice %arg5[%run_scoped3A_1287, %dma_start3A_1701, %dma_start3A_1702] : memref<4x4x200xi32, #tpu.memory_space<vmem>> -> memref<1x4x200xi32, #tpu.memory_space<vmem>>
        %dma_start3A_1704 = tpu.memref_squeeze %dma_start3A_1703 : memref<1x4x200xi32, #tpu.memory_space<vmem>> -> memref<4x200xi32, #tpu.memory_space<vmem>>
        %dma_start3A_1705 = arith.constant 0 : i32
        %dma_start3A_1706 = tpu.memref_slice %arg2[%add3A_1286, %dma_start3A_1705] : memref<16384x200xi32, #tpu.memory_space<hbm>> -> memref<4x200xi32, #tpu.memory_space<hbm>>
        %dma_start3A_1707 = arith.constant 0 : i32
        %dma_start3A_1708 = arith.constant 0 : i32
        %dma_start3A_1709 = tpu.memref_slice %arg5[%run_scoped3A_1287, %dma_start3A_1707, %dma_start3A_1708] : memref<4x4x200xi32, #tpu.memory_space<vmem>> -> memref<1x4x200xi32, #tpu.memory_space<vmem>>
        %dma_start3A_1710 = tpu.memref_squeeze %dma_start3A_1709 : memref<1x4x200xi32, #tpu.memory_space<vmem>> -> memref<4x200xi32, #tpu.memory_space<vmem>>
        %dma_start3A_1711 = arith.constant 0 : i32
        %dma_start3A_1712 = tpu.memref_slice %arg2[%add3A_1286, %dma_start3A_1711] : memref<16384x200xi32, #tpu.memory_space<hbm>> -> memref<4x200xi32, #tpu.memory_space<hbm>>
        tpu.enqueue_dma source(%dma_start3A_1712 : memref<4x200xi32, #tpu.memory_space<hbm>>) target(%dma_start3A_1710 : memref<4x200xi32, #tpu.memory_space<vmem>>) target_semaphore(%run_scoped3A_1700 : memref<!tpu.dma_semaphore, #tpu.memory_space<semaphore_mem>>)
        %dma_wait3A_1713 = arith.constant 0 : i32
        %dma_wait3A_1714 = arith.constant 0 : i32
        %dma_wait3A_1715 = tpu.memref_slice %arg5[%run_scoped3A_1287, %dma_wait3A_1713, %dma_wait3A_1714] : memref<4x4x200xi32, #tpu.memory_space<vmem>> -> memref<1x4x200xi32, #tpu.memory_space<vmem>>
        %dma_wait3A_1716 = tpu.memref_squeeze %dma_wait3A_1715 : memref<1x4x200xi32, #tpu.memory_space<vmem>> -> memref<4x200xi32, #tpu.memory_space<vmem>>
        %dma_wait3A_1717 = arith.constant 0 : i32
        %dma_wait3A_1718 = tpu.memref_slice %arg2[%add3A_1286, %dma_wait3A_1717] : memref<16384x200xi32, #tpu.memory_space<hbm>> -> memref<4x200xi32, #tpu.memory_space<hbm>>
        %dma_wait3A_1719 = arith.constant 0 : i32
        %dma_wait3A_1720 = arith.constant 0 : i32
        %dma_wait3A_1721 = tpu.memref_slice %arg5[%run_scoped3A_1287, %dma_wait3A_1719, %dma_wait3A_1720] : memref<4x4x200xi32, #tpu.memory_space<vmem>> -> memref<1x4x200xi32, #tpu.memory_space<vmem>>
        %dma_wait3A_1722 = tpu.memref_squeeze %dma_wait3A_1721 : memref<1x4x200xi32, #tpu.memory_space<vmem>> -> memref<4x200xi32, #tpu.memory_space<vmem>>
        %dma_wait3A_1723 = arith.constant 0 : i32
        %dma_wait3A_1724 = tpu.memref_slice %arg2[%add3A_1286, %dma_wait3A_1723] : memref<16384x200xi32, #tpu.memory_space<hbm>> -> memref<4x200xi32, #tpu.memory_space<hbm>>
        tpu.wait_dma2 semaphore(%run_scoped3A_1700 : memref<!tpu.dma_semaphore, #tpu.memory_space<semaphore_mem>>) src(%dma_wait3A_1724 : memref<4x200xi32, #tpu.memory_space<hbm>>) dst(%dma_wait3A_1722 : memref<4x200xi32, #tpu.memory_space<vmem>>)
        tpu.yield
      }) : () -> ()
      %dma_start3A_1288 = arith.constant 3 : i32
      %dma_start3A_1289 = arith.constant 0 : i32
      %dma_start3A_1290 = arith.constant 3 : i32
      %dma_start3A_1291 = arith.constant 0 : i32
      %dma_start3A_1292 = arith.constant 0 : i32
      %dma_start3A_1293 = tpu.memref_slice %arg6[%dma_start3A_1290, %dma_start3A_1291, %dma_start3A_1292] : memref<4x800x32xf32, #tpu.memory_space<vmem>> -> memref<1x200x32xf32, #tpu.memory_space<vmem>>
      %dma_start3A_1294 = tpu.memref_squeeze %dma_start3A_1293 : memref<1x200x32xf32, #tpu.memory_space<vmem>> -> memref<200x32xf32, #tpu.memory_space<vmem>>
      %dma_start3A_1295 = arith.constant 0 : i32
      %dma_start3A_1296 = tpu.memref_slice %arg5[%dma_start3A_1288, %dma_start3A_1289, %dma_start3A_1295] : memref<4x4x200xi32, #tpu.memory_space<vmem>> -> memref<1x1x200xi32, #tpu.memory_space<vmem>>
      %dma_start3A_1297 = tpu.memref_squeeze %dma_start3A_1296 : memref<1x1x200xi32, #tpu.memory_space<vmem>> -> memref<200xi32, #tpu.memory_space<vmem>>
      %dma_start3A_1298 = arith.constant 0 : i32
      %dma_start3A_1299 = arith.constant 0 : i32
      %dma_start3A_1300 = tpu.memref_slice %arg3[%dma_start3A_1298, %dma_start3A_1299] : memref<1000000x32xf32, #tpu.memory_space<hbm>> -> memref<1000000x32xf32, #tpu.memory_space<hbm>>
      tpu.enqueue_indirect_dma source(%dma_start3A_1300 : memref<1000000x32xf32, #tpu.memory_space<hbm>>) target(%dma_start3A_1294 : memref<200x32xf32, #tpu.memory_space<vmem>>) offsets(%dma_start3A_1297 : memref<200xi32, #tpu.memory_space<vmem>>) semaphore(%arg10 : memref<!tpu.dma_semaphore, #tpu.memory_space<semaphore_mem>>)
      %dma_start3A_1301 = arith.constant 3 : i32
      %dma_start3A_1302 = arith.constant 1 : i32
      %dma_start3A_1303 = arith.constant 3 : i32
      %dma_start3A_1304 = arith.constant 200 : i32
      %dma_start3A_1305 = arith.constant 0 : i32
      %dma_start3A_1306 = tpu.memref_slice %arg6[%dma_start3A_1303, %dma_start3A_1304, %dma_start3A_1305] : memref<4x800x32xf32, #tpu.memory_space<vmem>> -> memref<1x200x32xf32, #tpu.memory_space<vmem>>
      %dma_start3A_1307 = tpu.memref_squeeze %dma_start3A_1306 : memref<1x200x32xf32, #tpu.memory_space<vmem>> -> memref<200x32xf32, #tpu.memory_space<vmem>>
      %dma_start3A_1308 = arith.constant 0 : i32
      %dma_start3A_1309 = tpu.memref_slice %arg5[%dma_start3A_1301, %dma_start3A_1302, %dma_start3A_1308] : memref<4x4x200xi32, #tpu.memory_space<vmem>> -> memref<1x1x200xi32, #tpu.memory_space<vmem>>
      %dma_start3A_1310 = tpu.memref_squeeze %dma_start3A_1309 : memref<1x1x200xi32, #tpu.memory_space<vmem>> -> memref<200xi32, #tpu.memory_space<vmem>>
      %dma_start3A_1311 = arith.constant 0 : i32
      %dma_start3A_1312 = arith.constant 0 : i32
      %dma_start3A_1313 = tpu.memref_slice %arg3[%dma_start3A_1311, %dma_start3A_1312] : memref<1000000x32xf32, #tpu.memory_space<hbm>> -> memref<1000000x32xf32, #tpu.memory_space<hbm>>
      tpu.enqueue_indirect_dma source(%dma_start3A_1313 : memref<1000000x32xf32, #tpu.memory_space<hbm>>) target(%dma_start3A_1307 : memref<200x32xf32, #tpu.memory_space<vmem>>) offsets(%dma_start3A_1310 : memref<200xi32, #tpu.memory_space<vmem>>) semaphore(%arg10 : memref<!tpu.dma_semaphore, #tpu.memory_space<semaphore_mem>>)
      %dma_start3A_1314 = arith.constant 3 : i32
      %dma_start3A_1315 = arith.constant 2 : i32
      %dma_start3A_1316 = arith.constant 3 : i32
      %dma_start3A_1317 = arith.constant 400 : i32
      %dma_start3A_1318 = arith.constant 0 : i32
      %dma_start3A_1319 = tpu.memref_slice %arg6[%dma_start3A_1316, %dma_start3A_1317, %dma_start3A_1318] : memref<4x800x32xf32, #tpu.memory_space<vmem>> -> memref<1x200x32xf32, #tpu.memory_space<vmem>>
      %dma_start3A_1320 = tpu.memref_squeeze %dma_start3A_1319 : memref<1x200x32xf32, #tpu.memory_space<vmem>> -> memref<200x32xf32, #tpu.memory_space<vmem>>
      %dma_start3A_1321 = arith.constant 0 : i32
      %dma_start3A_1322 = tpu.memref_slice %arg5[%dma_start3A_1314, %dma_start3A_1315, %dma_start3A_1321] : memref<4x4x200xi32, #tpu.memory_space<vmem>> -> memref<1x1x200xi32, #tpu.memory_space<vmem>>
      %dma_start3A_1323 = tpu.memref_squeeze %dma_start3A_1322 : memref<1x1x200xi32, #tpu.memory_space<vmem>> -> memref<200xi32, #tpu.memory_space<vmem>>
      %dma_start3A_1324 = arith.constant 0 : i32
      %dma_start3A_1325 = arith.constant 0 : i32
      %dma_start3A_1326 = tpu.memref_slice %arg3[%dma_start3A_1324, %dma_start3A_1325] : memref<1000000x32xf32, #tpu.memory_space<hbm>> -> memref<1000000x32xf32, #tpu.memory_space<hbm>>
      tpu.enqueue_indirect_dma source(%dma_start3A_1326 : memref<1000000x32xf32, #tpu.memory_space<hbm>>) target(%dma_start3A_1320 : memref<200x32xf32, #tpu.memory_space<vmem>>) offsets(%dma_start3A_1323 : memref<200xi32, #tpu.memory_space<vmem>>) semaphore(%arg10 : memref<!tpu.dma_semaphore, #tpu.memory_space<semaphore_mem>>)
      %dma_start3A_1327 = arith.constant 3 : i32
      %dma_start3A_1328 = arith.constant 3 : i32
      %dma_start3A_1329 = arith.constant 3 : i32
      %dma_start3A_1330 = arith.constant 600 : i32
      %dma_start3A_1331 = arith.constant 0 : i32
      %dma_start3A_1332 = tpu.memref_slice %arg6[%dma_start3A_1329, %dma_start3A_1330, %dma_start3A_1331] : memref<4x800x32xf32, #tpu.memory_space<vmem>> -> memref<1x200x32xf32, #tpu.memory_space<vmem>>
      %dma_start3A_1333 = tpu.memref_squeeze %dma_start3A_1332 : memref<1x200x32xf32, #tpu.memory_space<vmem>> -> memref<200x32xf32, #tpu.memory_space<vmem>>
      %dma_start3A_1334 = arith.constant 0 : i32
      %dma_start3A_1335 = tpu.memref_slice %arg5[%dma_start3A_1327, %dma_start3A_1328, %dma_start3A_1334] : memref<4x4x200xi32, #tpu.memory_space<vmem>> -> memref<1x1x200xi32, #tpu.memory_space<vmem>>
      %dma_start3A_1336 = tpu.memref_squeeze %dma_start3A_1335 : memref<1x1x200xi32, #tpu.memory_space<vmem>> -> memref<200xi32, #tpu.memory_space<vmem>>
      %dma_start3A_1337 = arith.constant 0 : i32
      %dma_start3A_1338 = arith.constant 0 : i32
      %dma_start3A_1339 = tpu.memref_slice %arg3[%dma_start3A_1337, %dma_start3A_1338] : memref<1000000x32xf32, #tpu.memory_space<hbm>> -> memref<1000000x32xf32, #tpu.memory_space<hbm>>
      tpu.enqueue_indirect_dma source(%dma_start3A_1339 : memref<1000000x32xf32, #tpu.memory_space<hbm>>) target(%dma_start3A_1333 : memref<200x32xf32, #tpu.memory_space<vmem>>) offsets(%dma_start3A_1336 : memref<200xi32, #tpu.memory_space<vmem>>) semaphore(%arg10 : memref<!tpu.dma_semaphore, #tpu.memory_space<semaphore_mem>>)
      %dma_wait3A_1340 = arith.constant 1 : i32
      %dma_wait3A_1341 = arith.constant 0 : i32
      %dma_wait3A_1342 = arith.constant 1 : i32
      %dma_wait3A_1343 = arith.constant 0 : i32
      %dma_wait3A_1344 = arith.constant 0 : i32
      %dma_wait3A_1345 = tpu.memref_slice %arg6[%dma_wait3A_1342, %dma_wait3A_1343, %dma_wait3A_1344] : memref<4x800x32xf32, #tpu.memory_space<vmem>> -> memref<1x200x32xf32, #tpu.memory_space<vmem>>
      %dma_wait3A_1346 = tpu.memref_squeeze %dma_wait3A_1345 : memref<1x200x32xf32, #tpu.memory_space<vmem>> -> memref<200x32xf32, #tpu.memory_space<vmem>>
      %dma_wait3A_1347 = arith.constant 0 : i32
      %dma_wait3A_1348 = tpu.memref_slice %arg5[%dma_wait3A_1340, %dma_wait3A_1341, %dma_wait3A_1347] : memref<4x4x200xi32, #tpu.memory_space<vmem>> -> memref<1x1x200xi32, #tpu.memory_space<vmem>>
      %dma_wait3A_1349 = tpu.memref_squeeze %dma_wait3A_1348 : memref<1x1x200xi32, #tpu.memory_space<vmem>> -> memref<200xi32, #tpu.memory_space<vmem>>
      %dma_wait3A_1350 = arith.constant 0 : i32
      %dma_wait3A_1351 = arith.constant 0 : i32
      %dma_wait3A_1352 = tpu.memref_slice %arg3[%dma_wait3A_1350, %dma_wait3A_1351] : memref<1000000x32xf32, #tpu.memory_space<hbm>> -> memref<1000000x32xf32, #tpu.memory_space<hbm>>
      tpu.wait_indirect_dma semaphore(%arg8 : memref<!tpu.dma_semaphore, #tpu.memory_space<semaphore_mem>>) src(%dma_wait3A_1352 : memref<1000000x32xf32, #tpu.memory_space<hbm>>) dst(%dma_wait3A_1346 : memref<200x32xf32, #tpu.memory_space<vmem>>)
      %dma_wait3A_1353 = arith.constant 1 : i32
      %dma_wait3A_1354 = arith.constant 1 : i32
      %dma_wait3A_1355 = arith.constant 1 : i32
      %dma_wait3A_1356 = arith.constant 200 : i32
      %dma_wait3A_1357 = arith.constant 0 : i32
      %dma_wait3A_1358 = tpu.memref_slice %arg6[%dma_wait3A_1355, %dma_wait3A_1356, %dma_wait3A_1357] : memref<4x800x32xf32, #tpu.memory_space<vmem>> -> memref<1x200x32xf32, #tpu.memory_space<vmem>>
      %dma_wait3A_1359 = tpu.memref_squeeze %dma_wait3A_1358 : memref<1x200x32xf32, #tpu.memory_space<vmem>> -> memref<200x32xf32, #tpu.memory_space<vmem>>
      %dma_wait3A_1360 = arith.constant 0 : i32
      %dma_wait3A_1361 = tpu.memref_slice %arg5[%dma_wait3A_1353, %dma_wait3A_1354, %dma_wait3A_1360] : memref<4x4x200xi32, #tpu.memory_space<vmem>> -> memref<1x1x200xi32, #tpu.memory_space<vmem>>
      %dma_wait3A_1362 = tpu.memref_squeeze %dma_wait3A_1361 : memref<1x1x200xi32, #tpu.memory_space<vmem>> -> memref<200xi32, #tpu.memory_space<vmem>>
      %dma_wait3A_1363 = arith.constant 0 : i32
      %dma_wait3A_1364 = arith.constant 0 : i32
      %dma_wait3A_1365 = tpu.memref_slice %arg3[%dma_wait3A_1363, %dma_wait3A_1364] : memref<1000000x32xf32, #tpu.memory_space<hbm>> -> memref<1000000x32xf32, #tpu.memory_space<hbm>>
      tpu.wait_indirect_dma semaphore(%arg8 : memref<!tpu.dma_semaphore, #tpu.memory_space<semaphore_mem>>) src(%dma_wait3A_1365 : memref<1000000x32xf32, #tpu.memory_space<hbm>>) dst(%dma_wait3A_1359 : memref<200x32xf32, #tpu.memory_space<vmem>>)
      %dma_wait3A_1366 = arith.constant 1 : i32
      %dma_wait3A_1367 = arith.constant 2 : i32
      %dma_wait3A_1368 = arith.constant 1 : i32
      %dma_wait3A_1369 = arith.constant 400 : i32
      %dma_wait3A_1370 = arith.constant 0 : i32
      %dma_wait3A_1371 = tpu.memref_slice %arg6[%dma_wait3A_1368, %dma_wait3A_1369, %dma_wait3A_1370] : memref<4x800x32xf32, #tpu.memory_space<vmem>> -> memref<1x200x32xf32, #tpu.memory_space<vmem>>
      %dma_wait3A_1372 = tpu.memref_squeeze %dma_wait3A_1371 : memref<1x200x32xf32, #tpu.memory_space<vmem>> -> memref<200x32xf32, #tpu.memory_space<vmem>>
      %dma_wait3A_1373 = arith.constant 0 : i32
      %dma_wait3A_1374 = tpu.memref_slice %arg5[%dma_wait3A_1366, %dma_wait3A_1367, %dma_wait3A_1373] : memref<4x4x200xi32, #tpu.memory_space<vmem>> -> memref<1x1x200xi32, #tpu.memory_space<vmem>>
      %dma_wait3A_1375 = tpu.memref_squeeze %dma_wait3A_1374 : memref<1x1x200xi32, #tpu.memory_space<vmem>> -> memref<200xi32, #tpu.memory_space<vmem>>
      %dma_wait3A_1376 = arith.constant 0 : i32
      %dma_wait3A_1377 = arith.constant 0 : i32
      %dma_wait3A_1378 = tpu.memref_slice %arg3[%dma_wait3A_1376, %dma_wait3A_1377] : memref<1000000x32xf32, #tpu.memory_space<hbm>> -> memref<1000000x32xf32, #tpu.memory_space<hbm>>
      tpu.wait_indirect_dma semaphore(%arg8 : memref<!tpu.dma_semaphore, #tpu.memory_space<semaphore_mem>>) src(%dma_wait3A_1378 : memref<1000000x32xf32, #tpu.memory_space<hbm>>) dst(%dma_wait3A_1372 : memref<200x32xf32, #tpu.memory_space<vmem>>)
      %dma_wait3A_1379 = arith.constant 1 : i32
      %dma_wait3A_1380 = arith.constant 3 : i32
      %dma_wait3A_1381 = arith.constant 1 : i32
      %dma_wait3A_1382 = arith.constant 600 : i32
      %dma_wait3A_1383 = arith.constant 0 : i32
      %dma_wait3A_1384 = tpu.memref_slice %arg6[%dma_wait3A_1381, %dma_wait3A_1382, %dma_wait3A_1383] : memref<4x800x32xf32, #tpu.memory_space<vmem>> -> memref<1x200x32xf32, #tpu.memory_space<vmem>>
      %dma_wait3A_1385 = tpu.memref_squeeze %dma_wait3A_1384 : memref<1x200x32xf32, #tpu.memory_space<vmem>> -> memref<200x32xf32, #tpu.memory_space<vmem>>
      %dma_wait3A_1386 = arith.constant 0 : i32
      %dma_wait3A_1387 = tpu.memref_slice %arg5[%dma_wait3A_1379, %dma_wait3A_1380, %dma_wait3A_1386] : memref<4x4x200xi32, #tpu.memory_space<vmem>> -> memref<1x1x200xi32, #tpu.memory_space<vmem>>
      %dma_wait3A_1388 = tpu.memref_squeeze %dma_wait3A_1387 : memref<1x1x200xi32, #tpu.memory_space<vmem>> -> memref<200xi32, #tpu.memory_space<vmem>>
      %dma_wait3A_1389 = arith.constant 0 : i32
      %dma_wait3A_1390 = arith.constant 0 : i32
      %dma_wait3A_1391 = tpu.memref_slice %arg3[%dma_wait3A_1389, %dma_wait3A_1390] : memref<1000000x32xf32, #tpu.memory_space<hbm>> -> memref<1000000x32xf32, #tpu.memory_space<hbm>>
      tpu.wait_indirect_dma semaphore(%arg8 : memref<!tpu.dma_semaphore, #tpu.memory_space<semaphore_mem>>) src(%dma_wait3A_1391 : memref<1000000x32xf32, #tpu.memory_space<hbm>>) dst(%dma_wait3A_1385 : memref<200x32xf32, #tpu.memory_space<vmem>>)
      %mul3A_1392 = arith.constant 4 : i32
      %mul3A_1393 = arith.muli %add3A_1266, %mul3A_1392 : i32
      %add3A_1394 = arith.addi %mul3A_2, %mul3A_1393 : i32
      %mul3A_1395 = arith.constant 200 : i32
      %mul3A_1396 = arith.muli %add3A_1394, %mul3A_1395 : i32
      %dma_start3A_1397 = arith.constant 1 : i32
      %dma_start3A_1398 = arith.constant 0 : i32
      %dma_start3A_1399 = arith.constant 0 : i32
      %dma_start3A_1400 = tpu.memref_slice %arg6[%dma_start3A_1397, %dma_start3A_1398, %dma_start3A_1399] : memref<4x800x32xf32, #tpu.memory_space<vmem>> -> memref<1x800x32xf32, #tpu.memory_space<vmem>>
      %dma_start3A_1401 = tpu.memref_squeeze %dma_start3A_1400 : memref<1x800x32xf32, #tpu.memory_space<vmem>> -> memref<800x32xf32, #tpu.memory_space<vmem>>
      %dma_start3A_1402 = arith.constant 0 : i32
      %dma_start3A_1403 = tpu.memref_slice %arg4[%mul3A_1396, %dma_start3A_1402] : memref<3276800x32xf32, #tpu.memory_space<hbm>> -> memref<800x32xf32, #tpu.memory_space<hbm>>
      %dma_start3A_1404 = arith.constant 0 : i32
      %dma_start3A_1405 = tpu.memref_slice %arg4[%mul3A_1396, %dma_start3A_1404] : memref<3276800x32xf32, #tpu.memory_space<hbm>> -> memref<800x32xf32, #tpu.memory_space<hbm>>
      %dma_start3A_1406 = arith.constant 0 : i32
      %dma_start3A_1407 = arith.constant 0 : i32
      %dma_start3A_1408 = tpu.memref_slice %arg6[%dma_start3A_1397, %dma_start3A_1406, %dma_start3A_1407] : memref<4x800x32xf32, #tpu.memory_space<vmem>> -> memref<1x800x32xf32, #tpu.memory_space<vmem>>
      %dma_start3A_1409 = tpu.memref_squeeze %dma_start3A_1408 : memref<1x800x32xf32, #tpu.memory_space<vmem>> -> memref<800x32xf32, #tpu.memory_space<vmem>>
      tpu.enqueue_dma source(%dma_start3A_1409 : memref<800x32xf32, #tpu.memory_space<vmem>>) target(%dma_start3A_1405 : memref<800x32xf32, #tpu.memory_space<hbm>>) target_semaphore(%arg12 : memref<!tpu.dma_semaphore, #tpu.memory_space<semaphore_mem>>)
      %add3A_1410 = arith.constant 2 : i32
      %add3A_1411 = arith.addi %mul3A_1119, %add3A_1410 : i32
      %mul3A_1412 = arith.constant 200 : i32
      %mul3A_1413 = arith.muli %mul3A_2, %mul3A_1412 : i32
      %dma_wait3A_1414 = arith.constant 0 : i32
      %dma_wait3A_1415 = arith.constant 0 : i32
      %dma_wait3A_1416 = arith.constant 0 : i32
      %dma_wait3A_1417 = tpu.memref_slice %arg6[%dma_wait3A_1414, %dma_wait3A_1415, %dma_wait3A_1416] : memref<4x800x32xf32, #tpu.memory_space<vmem>> -> memref<1x800x32xf32, #tpu.memory_space<vmem>>
      %dma_wait3A_1418 = tpu.memref_squeeze %dma_wait3A_1417 : memref<1x800x32xf32, #tpu.memory_space<vmem>> -> memref<800x32xf32, #tpu.memory_space<vmem>>
      %dma_wait3A_1419 = arith.constant 0 : i32
      %dma_wait3A_1420 = tpu.memref_slice %arg4[%mul3A_1413, %dma_wait3A_1419] : memref<3276800x32xf32, #tpu.memory_space<hbm>> -> memref<800x32xf32, #tpu.memory_space<hbm>>
      %dma_wait3A_1421 = arith.constant 0 : i32
      %dma_wait3A_1422 = tpu.memref_slice %arg4[%mul3A_1413, %dma_wait3A_1421] : memref<3276800x32xf32, #tpu.memory_space<hbm>> -> memref<800x32xf32, #tpu.memory_space<hbm>>
      %dma_wait3A_1423 = arith.constant 0 : i32
      %dma_wait3A_1424 = arith.constant 0 : i32
      %dma_wait3A_1425 = tpu.memref_slice %arg6[%dma_wait3A_1414, %dma_wait3A_1423, %dma_wait3A_1424] : memref<4x800x32xf32, #tpu.memory_space<vmem>> -> memref<1x800x32xf32, #tpu.memory_space<vmem>>
      %dma_wait3A_1426 = tpu.memref_squeeze %dma_wait3A_1425 : memref<1x800x32xf32, #tpu.memory_space<vmem>> -> memref<800x32xf32, #tpu.memory_space<vmem>>
      tpu.wait_dma2 semaphore(%arg11 : memref<!tpu.dma_semaphore, #tpu.memory_space<semaphore_mem>>) src(%dma_wait3A_1426 : memref<800x32xf32, #tpu.memory_space<vmem>>) dst(%dma_wait3A_1422 : memref<800x32xf32, #tpu.memory_space<hbm>>)
      %add3A_1427 = arith.constant 2 : i32
      %add3A_1428 = arith.addi %add3A_1411, %add3A_1427 : i32
      %mul3A_1429 = arith.constant 4 : i32
      %mul3A_1430 = arith.muli %add3A_1428, %mul3A_1429 : i32
      %add3A_1431 = arith.addi %mul3A_2, %mul3A_1430 : i32
      %run_scoped3A_1432 = arith.constant 0 : i32
      "tpu.region"() ({
        %run_scoped3A_1700 = tpu.sem_alloc : memref<!tpu.dma_semaphore, #tpu.memory_space<semaphore_mem>>
        %dma_start3A_1701 = arith.constant 0 : i32
        %dma_start3A_1702 = arith.constant 0 : i32
        %dma_start3A_1703 = tpu.memref_slice %arg5[%run_scoped3A_1432, %dma_start3A_1701, %dma_start3A_1702] : memref<4x4x200xi32, #tpu.memory_space<vmem>> -> memref<1x4x200xi32, #tpu.memory_space<vmem>>
        %dma_start3A_1704 = tpu.memref_squeeze %dma_start3A_1703 : memref<1x4x200xi32, #tpu.memory_space<vmem>> -> memref<4x200xi32, #tpu.memory_space<vmem>>
        %dma_start3A_1705 = arith.constant 0 : i32
        %dma_start3A_1706 = tpu.memref_slice %arg2[%add3A_1431, %dma_start3A_1705] : memref<16384x200xi32, #tpu.memory_space<hbm>> -> memref<4x200xi32, #tpu.memory_space<hbm>>
        %dma_start3A_1707 = arith.constant 0 : i32
        %dma_start3A_1708 = arith.constant 0 : i32
        %dma_start3A_1709 = tpu.memref_slice %arg5[%run_scoped3A_1432, %dma_start3A_1707, %dma_start3A_1708] : memref<4x4x200xi32, #tpu.memory_space<vmem>> -> memref<1x4x200xi32, #tpu.memory_space<vmem>>
        %dma_start3A_1710 = tpu.memref_squeeze %dma_start3A_1709 : memref<1x4x200xi32, #tpu.memory_space<vmem>> -> memref<4x200xi32, #tpu.memory_space<vmem>>
        %dma_start3A_1711 = arith.constant 0 : i32
        %dma_start3A_1712 = tpu.memref_slice %arg2[%add3A_1431, %dma_start3A_1711] : memref<16384x200xi32, #tpu.memory_space<hbm>> -> memref<4x200xi32, #tpu.memory_space<hbm>>
        tpu.enqueue_dma source(%dma_start3A_1712 : memref<4x200xi32, #tpu.memory_space<hbm>>) target(%dma_start3A_1710 : memref<4x200xi32, #tpu.memory_space<vmem>>) target_semaphore(%run_scoped3A_1700 : memref<!tpu.dma_semaphore, #tpu.memory_space<semaphore_mem>>)
        %dma_wait3A_1713 = arith.constant 0 : i32
        %dma_wait3A_1714 = arith.constant 0 : i32
        %dma_wait3A_1715 = tpu.memref_slice %arg5[%run_scoped3A_1432, %dma_wait3A_1713, %dma_wait3A_1714] : memref<4x4x200xi32, #tpu.memory_space<vmem>> -> memref<1x4x200xi32, #tpu.memory_space<vmem>>
        %dma_wait3A_1716 = tpu.memref_squeeze %dma_wait3A_1715 : memref<1x4x200xi32, #tpu.memory_space<vmem>> -> memref<4x200xi32, #tpu.memory_space<vmem>>
        %dma_wait3A_1717 = arith.constant 0 : i32
        %dma_wait3A_1718 = tpu.memref_slice %arg2[%add3A_1431, %dma_wait3A_1717] : memref<16384x200xi32, #tpu.memory_space<hbm>> -> memref<4x200xi32, #tpu.memory_space<hbm>>
        %dma_wait3A_1719 = arith.constant 0 : i32
        %dma_wait3A_1720 = arith.constant 0 : i32
        %dma_wait3A_1721 = tpu.memref_slice %arg5[%run_scoped3A_1432, %dma_wait3A_1719, %dma_wait3A_1720] : memref<4x4x200xi32, #tpu.memory_space<vmem>> -> memref<1x4x200xi32, #tpu.memory_space<vmem>>
        %dma_wait3A_1722 = tpu.memref_squeeze %dma_wait3A_1721 : memref<1x4x200xi32, #tpu.memory_space<vmem>> -> memref<4x200xi32, #tpu.memory_space<vmem>>
        %dma_wait3A_1723 = arith.constant 0 : i32
        %dma_wait3A_1724 = tpu.memref_slice %arg2[%add3A_1431, %dma_wait3A_1723] : memref<16384x200xi32, #tpu.memory_space<hbm>> -> memref<4x200xi32, #tpu.memory_space<hbm>>
        tpu.wait_dma2 semaphore(%run_scoped3A_1700 : memref<!tpu.dma_semaphore, #tpu.memory_space<semaphore_mem>>) src(%dma_wait3A_1724 : memref<4x200xi32, #tpu.memory_space<hbm>>) dst(%dma_wait3A_1722 : memref<4x200xi32, #tpu.memory_space<vmem>>)
        tpu.yield
      }) : () -> ()
      %dma_start3A_1433 = arith.constant 0 : i32
      %dma_start3A_1434 = arith.constant 0 : i32
      %dma_start3A_1435 = arith.constant 0 : i32
      %dma_start3A_1436 = arith.constant 0 : i32
      %dma_start3A_1437 = arith.constant 0 : i32
      %dma_start3A_1438 = tpu.memref_slice %arg6[%dma_start3A_1435, %dma_start3A_1436, %dma_start3A_1437] : memref<4x800x32xf32, #tpu.memory_space<vmem>> -> memref<1x200x32xf32, #tpu.memory_space<vmem>>
      %dma_start3A_1439 = tpu.memref_squeeze %dma_start3A_1438 : memref<1x200x32xf32, #tpu.memory_space<vmem>> -> memref<200x32xf32, #tpu.memory_space<vmem>>
      %dma_start3A_1440 = arith.constant 0 : i32
      %dma_start3A_1441 = tpu.memref_slice %arg5[%dma_start3A_1433, %dma_start3A_1434, %dma_start3A_1440] : memref<4x4x200xi32, #tpu.memory_space<vmem>> -> memref<1x1x200xi32, #tpu.memory_space<vmem>>
      %dma_start3A_1442 = tpu.memref_squeeze %dma_start3A_1441 : memref<1x1x200xi32, #tpu.memory_space<vmem>> -> memref<200xi32, #tpu.memory_space<vmem>>
      %dma_start3A_1443 = arith.constant 0 : i32
      %dma_start3A_1444 = arith.constant 0 : i32
      %dma_start3A_1445 = tpu.memref_slice %arg3[%dma_start3A_1443, %dma_start3A_1444] : memref<1000000x32xf32, #tpu.memory_space<hbm>> -> memref<1000000x32xf32, #tpu.memory_space<hbm>>
      tpu.enqueue_indirect_dma source(%dma_start3A_1445 : memref<1000000x32xf32, #tpu.memory_space<hbm>>) target(%dma_start3A_1439 : memref<200x32xf32, #tpu.memory_space<vmem>>) offsets(%dma_start3A_1442 : memref<200xi32, #tpu.memory_space<vmem>>) semaphore(%arg7 : memref<!tpu.dma_semaphore, #tpu.memory_space<semaphore_mem>>)
      %dma_start3A_1446 = arith.constant 0 : i32
      %dma_start3A_1447 = arith.constant 1 : i32
      %dma_start3A_1448 = arith.constant 0 : i32
      %dma_start3A_1449 = arith.constant 200 : i32
      %dma_start3A_1450 = arith.constant 0 : i32
      %dma_start3A_1451 = tpu.memref_slice %arg6[%dma_start3A_1448, %dma_start3A_1449, %dma_start3A_1450] : memref<4x800x32xf32, #tpu.memory_space<vmem>> -> memref<1x200x32xf32, #tpu.memory_space<vmem>>
      %dma_start3A_1452 = tpu.memref_squeeze %dma_start3A_1451 : memref<1x200x32xf32, #tpu.memory_space<vmem>> -> memref<200x32xf32, #tpu.memory_space<vmem>>
      %dma_start3A_1453 = arith.constant 0 : i32
      %dma_start3A_1454 = tpu.memref_slice %arg5[%dma_start3A_1446, %dma_start3A_1447, %dma_start3A_1453] : memref<4x4x200xi32, #tpu.memory_space<vmem>> -> memref<1x1x200xi32, #tpu.memory_space<vmem>>
      %dma_start3A_1455 = tpu.memref_squeeze %dma_start3A_1454 : memref<1x1x200xi32, #tpu.memory_space<vmem>> -> memref<200xi32, #tpu.memory_space<vmem>>
      %dma_start3A_1456 = arith.constant 0 : i32
      %dma_start3A_1457 = arith.constant 0 : i32
      %dma_start3A_1458 = tpu.memref_slice %arg3[%dma_start3A_1456, %dma_start3A_1457] : memref<1000000x32xf32, #tpu.memory_space<hbm>> -> memref<1000000x32xf32, #tpu.memory_space<hbm>>
      tpu.enqueue_indirect_dma source(%dma_start3A_1458 : memref<1000000x32xf32, #tpu.memory_space<hbm>>) target(%dma_start3A_1452 : memref<200x32xf32, #tpu.memory_space<vmem>>) offsets(%dma_start3A_1455 : memref<200xi32, #tpu.memory_space<vmem>>) semaphore(%arg7 : memref<!tpu.dma_semaphore, #tpu.memory_space<semaphore_mem>>)
      %dma_start3A_1459 = arith.constant 0 : i32
      %dma_start3A_1460 = arith.constant 2 : i32
      %dma_start3A_1461 = arith.constant 0 : i32
      %dma_start3A_1462 = arith.constant 400 : i32
      %dma_start3A_1463 = arith.constant 0 : i32
      %dma_start3A_1464 = tpu.memref_slice %arg6[%dma_start3A_1461, %dma_start3A_1462, %dma_start3A_1463] : memref<4x800x32xf32, #tpu.memory_space<vmem>> -> memref<1x200x32xf32, #tpu.memory_space<vmem>>
      %dma_start3A_1465 = tpu.memref_squeeze %dma_start3A_1464 : memref<1x200x32xf32, #tpu.memory_space<vmem>> -> memref<200x32xf32, #tpu.memory_space<vmem>>
      %dma_start3A_1466 = arith.constant 0 : i32
      %dma_start3A_1467 = tpu.memref_slice %arg5[%dma_start3A_1459, %dma_start3A_1460, %dma_start3A_1466] : memref<4x4x200xi32, #tpu.memory_space<vmem>> -> memref<1x1x200xi32, #tpu.memory_space<vmem>>
      %dma_start3A_1468 = tpu.memref_squeeze %dma_start3A_1467 : memref<1x1x200xi32, #tpu.memory_space<vmem>> -> memref<200xi32, #tpu.memory_space<vmem>>
      %dma_start3A_1469 = arith.constant 0 : i32
      %dma_start3A_1470 = arith.constant 0 : i32
      %dma_start3A_1471 = tpu.memref_slice %arg3[%dma_start3A_1469, %dma_start3A_1470] : memref<1000000x32xf32, #tpu.memory_space<hbm>> -> memref<1000000x32xf32, #tpu.memory_space<hbm>>
      tpu.enqueue_indirect_dma source(%dma_start3A_1471 : memref<1000000x32xf32, #tpu.memory_space<hbm>>) target(%dma_start3A_1465 : memref<200x32xf32, #tpu.memory_space<vmem>>) offsets(%dma_start3A_1468 : memref<200xi32, #tpu.memory_space<vmem>>) semaphore(%arg7 : memref<!tpu.dma_semaphore, #tpu.memory_space<semaphore_mem>>)
      %dma_start3A_1472 = arith.constant 0 : i32
      %dma_start3A_1473 = arith.constant 3 : i32
      %dma_start3A_1474 = arith.constant 0 : i32
      %dma_start3A_1475 = arith.constant 600 : i32
      %dma_start3A_1476 = arith.constant 0 : i32
      %dma_start3A_1477 = tpu.memref_slice %arg6[%dma_start3A_1474, %dma_start3A_1475, %dma_start3A_1476] : memref<4x800x32xf32, #tpu.memory_space<vmem>> -> memref<1x200x32xf32, #tpu.memory_space<vmem>>
      %dma_start3A_1478 = tpu.memref_squeeze %dma_start3A_1477 : memref<1x200x32xf32, #tpu.memory_space<vmem>> -> memref<200x32xf32, #tpu.memory_space<vmem>>
      %dma_start3A_1479 = arith.constant 0 : i32
      %dma_start3A_1480 = tpu.memref_slice %arg5[%dma_start3A_1472, %dma_start3A_1473, %dma_start3A_1479] : memref<4x4x200xi32, #tpu.memory_space<vmem>> -> memref<1x1x200xi32, #tpu.memory_space<vmem>>
      %dma_start3A_1481 = tpu.memref_squeeze %dma_start3A_1480 : memref<1x1x200xi32, #tpu.memory_space<vmem>> -> memref<200xi32, #tpu.memory_space<vmem>>
      %dma_start3A_1482 = arith.constant 0 : i32
      %dma_start3A_1483 = arith.constant 0 : i32
      %dma_start3A_1484 = tpu.memref_slice %arg3[%dma_start3A_1482, %dma_start3A_1483] : memref<1000000x32xf32, #tpu.memory_space<hbm>> -> memref<1000000x32xf32, #tpu.memory_space<hbm>>
      tpu.enqueue_indirect_dma source(%dma_start3A_1484 : memref<1000000x32xf32, #tpu.memory_space<hbm>>) target(%dma_start3A_1478 : memref<200x32xf32, #tpu.memory_space<vmem>>) offsets(%dma_start3A_1481 : memref<200xi32, #tpu.memory_space<vmem>>) semaphore(%arg7 : memref<!tpu.dma_semaphore, #tpu.memory_space<semaphore_mem>>)
      %dma_wait3A_1485 = arith.constant 2 : i32
      %dma_wait3A_1486 = arith.constant 0 : i32
      %dma_wait3A_1487 = arith.constant 2 : i32
      %dma_wait3A_1488 = arith.constant 0 : i32
      %dma_wait3A_1489 = arith.constant 0 : i32
      %dma_wait3A_1490 = tpu.memref_slice %arg6[%dma_wait3A_1487, %dma_wait3A_1488, %dma_wait3A_1489] : memref<4x800x32xf32, #tpu.memory_space<vmem>> -> memref<1x200x32xf32, #tpu.memory_space<vmem>>
      %dma_wait3A_1491 = tpu.memref_squeeze %dma_wait3A_1490 : memref<1x200x32xf32, #tpu.memory_space<vmem>> -> memref<200x32xf32, #tpu.memory_space<vmem>>
      %dma_wait3A_1492 = arith.constant 0 : i32
      %dma_wait3A_1493 = tpu.memref_slice %arg5[%dma_wait3A_1485, %dma_wait3A_1486, %dma_wait3A_1492] : memref<4x4x200xi32, #tpu.memory_space<vmem>> -> memref<1x1x200xi32, #tpu.memory_space<vmem>>
      %dma_wait3A_1494 = tpu.memref_squeeze %dma_wait3A_1493 : memref<1x1x200xi32, #tpu.memory_space<vmem>> -> memref<200xi32, #tpu.memory_space<vmem>>
      %dma_wait3A_1495 = arith.constant 0 : i32
      %dma_wait3A_1496 = arith.constant 0 : i32
      %dma_wait3A_1497 = tpu.memref_slice %arg3[%dma_wait3A_1495, %dma_wait3A_1496] : memref<1000000x32xf32, #tpu.memory_space<hbm>> -> memref<1000000x32xf32, #tpu.memory_space<hbm>>
      tpu.wait_indirect_dma semaphore(%arg9 : memref<!tpu.dma_semaphore, #tpu.memory_space<semaphore_mem>>) src(%dma_wait3A_1497 : memref<1000000x32xf32, #tpu.memory_space<hbm>>) dst(%dma_wait3A_1491 : memref<200x32xf32, #tpu.memory_space<vmem>>)
      %dma_wait3A_1498 = arith.constant 2 : i32
      %dma_wait3A_1499 = arith.constant 1 : i32
      %dma_wait3A_1500 = arith.constant 2 : i32
      %dma_wait3A_1501 = arith.constant 200 : i32
      %dma_wait3A_1502 = arith.constant 0 : i32
      %dma_wait3A_1503 = tpu.memref_slice %arg6[%dma_wait3A_1500, %dma_wait3A_1501, %dma_wait3A_1502] : memref<4x800x32xf32, #tpu.memory_space<vmem>> -> memref<1x200x32xf32, #tpu.memory_space<vmem>>
      %dma_wait3A_1504 = tpu.memref_squeeze %dma_wait3A_1503 : memref<1x200x32xf32, #tpu.memory_space<vmem>> -> memref<200x32xf32, #tpu.memory_space<vmem>>
      %dma_wait3A_1505 = arith.constant 0 : i32
      %dma_wait3A_1506 = tpu.memref_slice %arg5[%dma_wait3A_1498, %dma_wait3A_1499, %dma_wait3A_1505] : memref<4x4x200xi32, #tpu.memory_space<vmem>> -> memref<1x1x200xi32, #tpu.memory_space<vmem>>
      %dma_wait3A_1507 = tpu.memref_squeeze %dma_wait3A_1506 : memref<1x1x200xi32, #tpu.memory_space<vmem>> -> memref<200xi32, #tpu.memory_space<vmem>>
      %dma_wait3A_1508 = arith.constant 0 : i32
      %dma_wait3A_1509 = arith.constant 0 : i32
      %dma_wait3A_1510 = tpu.memref_slice %arg3[%dma_wait3A_1508, %dma_wait3A_1509] : memref<1000000x32xf32, #tpu.memory_space<hbm>> -> memref<1000000x32xf32, #tpu.memory_space<hbm>>
      tpu.wait_indirect_dma semaphore(%arg9 : memref<!tpu.dma_semaphore, #tpu.memory_space<semaphore_mem>>) src(%dma_wait3A_1510 : memref<1000000x32xf32, #tpu.memory_space<hbm>>) dst(%dma_wait3A_1504 : memref<200x32xf32, #tpu.memory_space<vmem>>)
      %dma_wait3A_1511 = arith.constant 2 : i32
      %dma_wait3A_1512 = arith.constant 2 : i32
      %dma_wait3A_1513 = arith.constant 2 : i32
      %dma_wait3A_1514 = arith.constant 400 : i32
      %dma_wait3A_1515 = arith.constant 0 : i32
      %dma_wait3A_1516 = tpu.memref_slice %arg6[%dma_wait3A_1513, %dma_wait3A_1514, %dma_wait3A_1515] : memref<4x800x32xf32, #tpu.memory_space<vmem>> -> memref<1x200x32xf32, #tpu.memory_space<vmem>>
      %dma_wait3A_1517 = tpu.memref_squeeze %dma_wait3A_1516 : memref<1x200x32xf32, #tpu.memory_space<vmem>> -> memref<200x32xf32, #tpu.memory_space<vmem>>
      %dma_wait3A_1518 = arith.constant 0 : i32
      %dma_wait3A_1519 = tpu.memref_slice %arg5[%dma_wait3A_1511, %dma_wait3A_1512, %dma_wait3A_1518] : memref<4x4x200xi32, #tpu.memory_space<vmem>> -> memref<1x1x200xi32, #tpu.memory_space<vmem>>
      %dma_wait3A_1520 = tpu.memref_squeeze %dma_wait3A_1519 : memref<1x1x200xi32, #tpu.memory_space<vmem>> -> memref<200xi32, #tpu.memory_space<vmem>>
      %dma_wait3A_1521 = arith.constant 0 : i32
      %dma_wait3A_1522 = arith.constant 0 : i32
      %dma_wait3A_1523 = tpu.memref_slice %arg3[%dma_wait3A_1521, %dma_wait3A_1522] : memref<1000000x32xf32, #tpu.memory_space<hbm>> -> memref<1000000x32xf32, #tpu.memory_space<hbm>>
      tpu.wait_indirect_dma semaphore(%arg9 : memref<!tpu.dma_semaphore, #tpu.memory_space<semaphore_mem>>) src(%dma_wait3A_1523 : memref<1000000x32xf32, #tpu.memory_space<hbm>>) dst(%dma_wait3A_1517 : memref<200x32xf32, #tpu.memory_space<vmem>>)
      %dma_wait3A_1524 = arith.constant 2 : i32
      %dma_wait3A_1525 = arith.constant 3 : i32
      %dma_wait3A_1526 = arith.constant 2 : i32
      %dma_wait3A_1527 = arith.constant 600 : i32
      %dma_wait3A_1528 = arith.constant 0 : i32
      %dma_wait3A_1529 = tpu.memref_slice %arg6[%dma_wait3A_1526, %dma_wait3A_1527, %dma_wait3A_1528] : memref<4x800x32xf32, #tpu.memory_space<vmem>> -> memref<1x200x32xf32, #tpu.memory_space<vmem>>
      %dma_wait3A_1530 = tpu.memref_squeeze %dma_wait3A_1529 : memref<1x200x32xf32, #tpu.memory_space<vmem>> -> memref<200x32xf32, #tpu.memory_space<vmem>>
      %dma_wait3A_1531 = arith.constant 0 : i32
      %dma_wait3A_1532 = tpu.memref_slice %arg5[%dma_wait3A_1524, %dma_wait3A_1525, %dma_wait3A_1531] : memref<4x4x200xi32, #tpu.memory_space<vmem>> -> memref<1x1x200xi32, #tpu.memory_space<vmem>>
      %dma_wait3A_1533 = tpu.memref_squeeze %dma_wait3A_1532 : memref<1x1x200xi32, #tpu.memory_space<vmem>> -> memref<200xi32, #tpu.memory_space<vmem>>
      %dma_wait3A_1534 = arith.constant 0 : i32
      %dma_wait3A_1535 = arith.constant 0 : i32
      %dma_wait3A_1536 = tpu.memref_slice %arg3[%dma_wait3A_1534, %dma_wait3A_1535] : memref<1000000x32xf32, #tpu.memory_space<hbm>> -> memref<1000000x32xf32, #tpu.memory_space<hbm>>
      tpu.wait_indirect_dma semaphore(%arg9 : memref<!tpu.dma_semaphore, #tpu.memory_space<semaphore_mem>>) src(%dma_wait3A_1536 : memref<1000000x32xf32, #tpu.memory_space<hbm>>) dst(%dma_wait3A_1530 : memref<200x32xf32, #tpu.memory_space<vmem>>)
      %mul3A_1537 = arith.constant 4 : i32
      %mul3A_1538 = arith.muli %add3A_1411, %mul3A_1537 : i32
      %add3A_1539 = arith.addi %mul3A_2, %mul3A_1538 : i32
      %mul3A_1540 = arith.constant 200 : i32
      %mul3A_1541 = arith.muli %add3A_1539, %mul3A_1540 : i32
      %dma_start3A_1542 = arith.constant 2 : i32
      %dma_start3A_1543 = arith.constant 0 : i32
      %dma_start3A_1544 = arith.constant 0 : i32
      %dma_start3A_1545 = tpu.memref_slice %arg6[%dma_start3A_1542, %dma_start3A_1543, %dma_start3A_1544] : memref<4x800x32xf32, #tpu.memory_space<vmem>> -> memref<1x800x32xf32, #tpu.memory_space<vmem>>
      %dma_start3A_1546 = tpu.memref_squeeze %dma_start3A_1545 : memref<1x800x32xf32, #tpu.memory_space<vmem>> -> memref<800x32xf32, #tpu.memory_space<vmem>>
      %dma_start3A_1547 = arith.constant 0 : i32
      %dma_start3A_1548 = tpu.memref_slice %arg4[%mul3A_1541, %dma_start3A_1547] : memref<3276800x32xf32, #tpu.memory_space<hbm>> -> memref<800x32xf32, #tpu.memory_space<hbm>>
      %dma_start3A_1549 = arith.constant 0 : i32
      %dma_start3A_1550 = tpu.memref_slice %arg4[%mul3A_1541, %dma_start3A_1549] : memref<3276800x32xf32, #tpu.memory_space<hbm>> -> memref<800x32xf32, #tpu.memory_space<hbm>>
      %dma_start3A_1551 = arith.constant 0 : i32
      %dma_start3A_1552 = arith.constant 0 : i32
      %dma_start3A_1553 = tpu.memref_slice %arg6[%dma_start3A_1542, %dma_start3A_1551, %dma_start3A_1552] : memref<4x800x32xf32, #tpu.memory_space<vmem>> -> memref<1x800x32xf32, #tpu.memory_space<vmem>>
      %dma_start3A_1554 = tpu.memref_squeeze %dma_start3A_1553 : memref<1x800x32xf32, #tpu.memory_space<vmem>> -> memref<800x32xf32, #tpu.memory_space<vmem>>
      tpu.enqueue_dma source(%dma_start3A_1554 : memref<800x32xf32, #tpu.memory_space<vmem>>) target(%dma_start3A_1550 : memref<800x32xf32, #tpu.memory_space<hbm>>) target_semaphore(%arg13 : memref<!tpu.dma_semaphore, #tpu.memory_space<semaphore_mem>>)
      %add3A_1555 = arith.constant 3 : i32
      %add3A_1556 = arith.addi %mul3A_1119, %add3A_1555 : i32
      %mul3A_1557 = arith.constant 200 : i32
      %mul3A_1558 = arith.muli %mul3A_2, %mul3A_1557 : i32
      %dma_wait3A_1559 = arith.constant 1 : i32
      %dma_wait3A_1560 = arith.constant 0 : i32
      %dma_wait3A_1561 = arith.constant 0 : i32
      %dma_wait3A_1562 = tpu.memref_slice %arg6[%dma_wait3A_1559, %dma_wait3A_1560, %dma_wait3A_1561] : memref<4x800x32xf32, #tpu.memory_space<vmem>> -> memref<1x800x32xf32, #tpu.memory_space<vmem>>
      %dma_wait3A_1563 = tpu.memref_squeeze %dma_wait3A_1562 : memref<1x800x32xf32, #tpu.memory_space<vmem>> -> memref<800x32xf32, #tpu.memory_space<vmem>>
      %dma_wait3A_1564 = arith.constant 0 : i32
      %dma_wait3A_1565 = tpu.memref_slice %arg4[%mul3A_1558, %dma_wait3A_1564] : memref<3276800x32xf32, #tpu.memory_space<hbm>> -> memref<800x32xf32, #tpu.memory_space<hbm>>
      %dma_wait3A_1566 = arith.constant 0 : i32
      %dma_wait3A_1567 = tpu.memref_slice %arg4[%mul3A_1558, %dma_wait3A_1566] : memref<3276800x32xf32, #tpu.memory_space<hbm>> -> memref<800x32xf32, #tpu.memory_space<hbm>>
      %dma_wait3A_1568 = arith.constant 0 : i32
      %dma_wait3A_1569 = arith.constant 0 : i32
      %dma_wait3A_1570 = tpu.memref_slice %arg6[%dma_wait3A_1559, %dma_wait3A_1568, %dma_wait3A_1569] : memref<4x800x32xf32, #tpu.memory_space<vmem>> -> memref<1x800x32xf32, #tpu.memory_space<vmem>>
      %dma_wait3A_1571 = tpu.memref_squeeze %dma_wait3A_1570 : memref<1x800x32xf32, #tpu.memory_space<vmem>> -> memref<800x32xf32, #tpu.memory_space<vmem>>
      tpu.wait_dma2 semaphore(%arg12 : memref<!tpu.dma_semaphore, #tpu.memory_space<semaphore_mem>>) src(%dma_wait3A_1571 : memref<800x32xf32, #tpu.memory_space<vmem>>) dst(%dma_wait3A_1567 : memref<800x32xf32, #tpu.memory_space<hbm>>)
      %add3A_1572 = arith.constant 2 : i32
      %add3A_1573 = arith.addi %add3A_1556, %add3A_1572 : i32
      %mul3A_1574 = arith.constant 4 : i32
      %mul3A_1575 = arith.muli %add3A_1573, %mul3A_1574 : i32
      %add3A_1576 = arith.addi %mul3A_2, %mul3A_1575 : i32
      %run_scoped3A_1577 = arith.constant 1 : i32
      "tpu.region"() ({
        %run_scoped3A_1700 = tpu.sem_alloc : memref<!tpu.dma_semaphore, #tpu.memory_space<semaphore_mem>>
        %dma_start3A_1701 = arith.constant 0 : i32
        %dma_start3A_1702 = arith.constant 0 : i32
        %dma_start3A_1703 = tpu.memref_slice %arg5[%run_scoped3A_1577, %dma_start3A_1701, %dma_start3A_1702] : memref<4x4x200xi32, #tpu.memory_space<vmem>> -> memref<1x4x200xi32, #tpu.memory_space<vmem>>
        %dma_start3A_1704 = tpu.memref_squeeze %dma_start3A_1703 : memref<1x4x200xi32, #tpu.memory_space<vmem>> -> memref<4x200xi32, #tpu.memory_space<vmem>>
        %dma_start3A_1705 = arith.constant 0 : i32
        %dma_start3A_1706 = tpu.memref_slice %arg2[%add3A_1576, %dma_start3A_1705] : memref<16384x200xi32, #tpu.memory_space<hbm>> -> memref<4x200xi32, #tpu.memory_space<hbm>>
        %dma_start3A_1707 = arith.constant 0 : i32
        %dma_start3A_1708 = arith.constant 0 : i32
        %dma_start3A_1709 = tpu.memref_slice %arg5[%run_scoped3A_1577, %dma_start3A_1707, %dma_start3A_1708] : memref<4x4x200xi32, #tpu.memory_space<vmem>> -> memref<1x4x200xi32, #tpu.memory_space<vmem>>
        %dma_start3A_1710 = tpu.memref_squeeze %dma_start3A_1709 : memref<1x4x200xi32, #tpu.memory_space<vmem>> -> memref<4x200xi32, #tpu.memory_space<vmem>>
        %dma_start3A_1711 = arith.constant 0 : i32
        %dma_start3A_1712 = tpu.memref_slice %arg2[%add3A_1576, %dma_start3A_1711] : memref<16384x200xi32, #tpu.memory_space<hbm>> -> memref<4x200xi32, #tpu.memory_space<hbm>>
        tpu.enqueue_dma source(%dma_start3A_1712 : memref<4x200xi32, #tpu.memory_space<hbm>>) target(%dma_start3A_1710 : memref<4x200xi32, #tpu.memory_space<vmem>>) target_semaphore(%run_scoped3A_1700 : memref<!tpu.dma_semaphore, #tpu.memory_space<semaphore_mem>>)
        %dma_wait3A_1713 = arith.constant 0 : i32
        %dma_wait3A_1714 = arith.constant 0 : i32
        %dma_wait3A_1715 = tpu.memref_slice %arg5[%run_scoped3A_1577, %dma_wait3A_1713, %dma_wait3A_1714] : memref<4x4x200xi32, #tpu.memory_space<vmem>> -> memref<1x4x200xi32, #tpu.memory_space<vmem>>
        %dma_wait3A_1716 = tpu.memref_squeeze %dma_wait3A_1715 : memref<1x4x200xi32, #tpu.memory_space<vmem>> -> memref<4x200xi32, #tpu.memory_space<vmem>>
        %dma_wait3A_1717 = arith.constant 0 : i32
        %dma_wait3A_1718 = tpu.memref_slice %arg2[%add3A_1576, %dma_wait3A_1717] : memref<16384x200xi32, #tpu.memory_space<hbm>> -> memref<4x200xi32, #tpu.memory_space<hbm>>
        %dma_wait3A_1719 = arith.constant 0 : i32
        %dma_wait3A_1720 = arith.constant 0 : i32
        %dma_wait3A_1721 = tpu.memref_slice %arg5[%run_scoped3A_1577, %dma_wait3A_1719, %dma_wait3A_1720] : memref<4x4x200xi32, #tpu.memory_space<vmem>> -> memref<1x4x200xi32, #tpu.memory_space<vmem>>
        %dma_wait3A_1722 = tpu.memref_squeeze %dma_wait3A_1721 : memref<1x4x200xi32, #tpu.memory_space<vmem>> -> memref<4x200xi32, #tpu.memory_space<vmem>>
        %dma_wait3A_1723 = arith.constant 0 : i32
        %dma_wait3A_1724 = tpu.memref_slice %arg2[%add3A_1576, %dma_wait3A_1723] : memref<16384x200xi32, #tpu.memory_space<hbm>> -> memref<4x200xi32, #tpu.memory_space<hbm>>
        tpu.wait_dma2 semaphore(%run_scoped3A_1700 : memref<!tpu.dma_semaphore, #tpu.memory_space<semaphore_mem>>) src(%dma_wait3A_1724 : memref<4x200xi32, #tpu.memory_space<hbm>>) dst(%dma_wait3A_1722 : memref<4x200xi32, #tpu.memory_space<vmem>>)
        tpu.yield
      }) : () -> ()
      %dma_start3A_1578 = arith.constant 1 : i32
      %dma_start3A_1579 = arith.constant 0 : i32
      %dma_start3A_1580 = arith.constant 1 : i32
      %dma_start3A_1581 = arith.constant 0 : i32
      %dma_start3A_1582 = arith.constant 0 : i32
      %dma_start3A_1583 = tpu.memref_slice %arg6[%dma_start3A_1580, %dma_start3A_1581, %dma_start3A_1582] : memref<4x800x32xf32, #tpu.memory_space<vmem>> -> memref<1x200x32xf32, #tpu.memory_space<vmem>>
      %dma_start3A_1584 = tpu.memref_squeeze %dma_start3A_1583 : memref<1x200x32xf32, #tpu.memory_space<vmem>> -> memref<200x32xf32, #tpu.memory_space<vmem>>
      %dma_start3A_1585 = arith.constant 0 : i32
      %dma_start3A_1586 = tpu.memref_slice %arg5[%dma_start3A_1578, %dma_start3A_1579, %dma_start3A_1585] : memref<4x4x200xi32, #tpu.memory_space<vmem>> -> memref<1x1x200xi32, #tpu.memory_space<vmem>>
      %dma_start3A_1587 = tpu.memref_squeeze %dma_start3A_1586 : memref<1x1x200xi32, #tpu.memory_space<vmem>> -> memref<200xi32, #tpu.memory_space<vmem>>
      %dma_start3A_1588 = arith.constant 0 : i32
      %dma_start3A_1589 = arith.constant 0 : i32
      %dma_start3A_1590 = tpu.memref_slice %arg3[%dma_start3A_1588, %dma_start3A_1589] : memref<1000000x32xf32, #tpu.memory_space<hbm>> -> memref<1000000x32xf32, #tpu.memory_space<hbm>>
      tpu.enqueue_indirect_dma source(%dma_start3A_1590 : memref<1000000x32xf32, #tpu.memory_space<hbm>>) target(%dma_start3A_1584 : memref<200x32xf32, #tpu.memory_space<vmem>>) offsets(%dma_start3A_1587 : memref<200xi32, #tpu.memory_space<vmem>>) semaphore(%arg8 : memref<!tpu.dma_semaphore, #tpu.memory_space<semaphore_mem>>)
      %dma_start3A_1591 = arith.constant 1 : i32
      %dma_start3A_1592 = arith.constant 1 : i32
      %dma_start3A_1593 = arith.constant 1 : i32
      %dma_start3A_1594 = arith.constant 200 : i32
      %dma_start3A_1595 = arith.constant 0 : i32
      %dma_start3A_1596 = tpu.memref_slice %arg6[%dma_start3A_1593, %dma_start3A_1594, %dma_start3A_1595] : memref<4x800x32xf32, #tpu.memory_space<vmem>> -> memref<1x200x32xf32, #tpu.memory_space<vmem>>
      %dma_start3A_1597 = tpu.memref_squeeze %dma_start3A_1596 : memref<1x200x32xf32, #tpu.memory_space<vmem>> -> memref<200x32xf32, #tpu.memory_space<vmem>>
      %dma_start3A_1598 = arith.constant 0 : i32
      %dma_start3A_1599 = tpu.memref_slice %arg5[%dma_start3A_1591, %dma_start3A_1592, %dma_start3A_1598] : memref<4x4x200xi32, #tpu.memory_space<vmem>> -> memref<1x1x200xi32, #tpu.memory_space<vmem>>
      %dma_start3A_1600 = tpu.memref_squeeze %dma_start3A_1599 : memref<1x1x200xi32, #tpu.memory_space<vmem>> -> memref<200xi32, #tpu.memory_space<vmem>>
      %dma_start3A_1601 = arith.constant 0 : i32
      %dma_start3A_1602 = arith.constant 0 : i32
      %dma_start3A_1603 = tpu.memref_slice %arg3[%dma_start3A_1601, %dma_start3A_1602] : memref<1000000x32xf32, #tpu.memory_space<hbm>> -> memref<1000000x32xf32, #tpu.memory_space<hbm>>
      tpu.enqueue_indirect_dma source(%dma_start3A_1603 : memref<1000000x32xf32, #tpu.memory_space<hbm>>) target(%dma_start3A_1597 : memref<200x32xf32, #tpu.memory_space<vmem>>) offsets(%dma_start3A_1600 : memref<200xi32, #tpu.memory_space<vmem>>) semaphore(%arg8 : memref<!tpu.dma_semaphore, #tpu.memory_space<semaphore_mem>>)
      %dma_start3A_1604 = arith.constant 1 : i32
      %dma_start3A_1605 = arith.constant 2 : i32
      %dma_start3A_1606 = arith.constant 1 : i32
      %dma_start3A_1607 = arith.constant 400 : i32
      %dma_start3A_1608 = arith.constant 0 : i32
      %dma_start3A_1609 = tpu.memref_slice %arg6[%dma_start3A_1606, %dma_start3A_1607, %dma_start3A_1608] : memref<4x800x32xf32, #tpu.memory_space<vmem>> -> memref<1x200x32xf32, #tpu.memory_space<vmem>>
      %dma_start3A_1610 = tpu.memref_squeeze %dma_start3A_1609 : memref<1x200x32xf32, #tpu.memory_space<vmem>> -> memref<200x32xf32, #tpu.memory_space<vmem>>
      %dma_start3A_1611 = arith.constant 0 : i32
      %dma_start3A_1612 = tpu.memref_slice %arg5[%dma_start3A_1604, %dma_start3A_1605, %dma_start3A_1611] : memref<4x4x200xi32, #tpu.memory_space<vmem>> -> memref<1x1x200xi32, #tpu.memory_space<vmem>>
      %dma_start3A_1613 = tpu.memref_squeeze %dma_start3A_1612 : memref<1x1x200xi32, #tpu.memory_space<vmem>> -> memref<200xi32, #tpu.memory_space<vmem>>
      %dma_start3A_1614 = arith.constant 0 : i32
      %dma_start3A_1615 = arith.constant 0 : i32
      %dma_start3A_1616 = tpu.memref_slice %arg3[%dma_start3A_1614, %dma_start3A_1615] : memref<1000000x32xf32, #tpu.memory_space<hbm>> -> memref<1000000x32xf32, #tpu.memory_space<hbm>>
      tpu.enqueue_indirect_dma source(%dma_start3A_1616 : memref<1000000x32xf32, #tpu.memory_space<hbm>>) target(%dma_start3A_1610 : memref<200x32xf32, #tpu.memory_space<vmem>>) offsets(%dma_start3A_1613 : memref<200xi32, #tpu.memory_space<vmem>>) semaphore(%arg8 : memref<!tpu.dma_semaphore, #tpu.memory_space<semaphore_mem>>)
      %dma_start3A_1617 = arith.constant 1 : i32
      %dma_start3A_1618 = arith.constant 3 : i32
      %dma_start3A_1619 = arith.constant 1 : i32
      %dma_start3A_1620 = arith.constant 600 : i32
      %dma_start3A_1621 = arith.constant 0 : i32
      %dma_start3A_1622 = tpu.memref_slice %arg6[%dma_start3A_1619, %dma_start3A_1620, %dma_start3A_1621] : memref<4x800x32xf32, #tpu.memory_space<vmem>> -> memref<1x200x32xf32, #tpu.memory_space<vmem>>
      %dma_start3A_1623 = tpu.memref_squeeze %dma_start3A_1622 : memref<1x200x32xf32, #tpu.memory_space<vmem>> -> memref<200x32xf32, #tpu.memory_space<vmem>>
      %dma_start3A_1624 = arith.constant 0 : i32
      %dma_start3A_1625 = tpu.memref_slice %arg5[%dma_start3A_1617, %dma_start3A_1618, %dma_start3A_1624] : memref<4x4x200xi32, #tpu.memory_space<vmem>> -> memref<1x1x200xi32, #tpu.memory_space<vmem>>
      %dma_start3A_1626 = tpu.memref_squeeze %dma_start3A_1625 : memref<1x1x200xi32, #tpu.memory_space<vmem>> -> memref<200xi32, #tpu.memory_space<vmem>>
      %dma_start3A_1627 = arith.constant 0 : i32
      %dma_start3A_1628 = arith.constant 0 : i32
      %dma_start3A_1629 = tpu.memref_slice %arg3[%dma_start3A_1627, %dma_start3A_1628] : memref<1000000x32xf32, #tpu.memory_space<hbm>> -> memref<1000000x32xf32, #tpu.memory_space<hbm>>
      tpu.enqueue_indirect_dma source(%dma_start3A_1629 : memref<1000000x32xf32, #tpu.memory_space<hbm>>) target(%dma_start3A_1623 : memref<200x32xf32, #tpu.memory_space<vmem>>) offsets(%dma_start3A_1626 : memref<200xi32, #tpu.memory_space<vmem>>) semaphore(%arg8 : memref<!tpu.dma_semaphore, #tpu.memory_space<semaphore_mem>>)
      %dma_wait3A_1630 = arith.constant 3 : i32
      %dma_wait3A_1631 = arith.constant 0 : i32
      %dma_wait3A_1632 = arith.constant 3 : i32
      %dma_wait3A_1633 = arith.constant 0 : i32
      %dma_wait3A_1634 = arith.constant 0 : i32
      %dma_wait3A_1635 = tpu.memref_slice %arg6[%dma_wait3A_1632, %dma_wait3A_1633, %dma_wait3A_1634] : memref<4x800x32xf32, #tpu.memory_space<vmem>> -> memref<1x200x32xf32, #tpu.memory_space<vmem>>
      %dma_wait3A_1636 = tpu.memref_squeeze %dma_wait3A_1635 : memref<1x200x32xf32, #tpu.memory_space<vmem>> -> memref<200x32xf32, #tpu.memory_space<vmem>>
      %dma_wait3A_1637 = arith.constant 0 : i32
      %dma_wait3A_1638 = tpu.memref_slice %arg5[%dma_wait3A_1630, %dma_wait3A_1631, %dma_wait3A_1637] : memref<4x4x200xi32, #tpu.memory_space<vmem>> -> memref<1x1x200xi32, #tpu.memory_space<vmem>>
      %dma_wait3A_1639 = tpu.memref_squeeze %dma_wait3A_1638 : memref<1x1x200xi32, #tpu.memory_space<vmem>> -> memref<200xi32, #tpu.memory_space<vmem>>
      %dma_wait3A_1640 = arith.constant 0 : i32
      %dma_wait3A_1641 = arith.constant 0 : i32
      %dma_wait3A_1642 = tpu.memref_slice %arg3[%dma_wait3A_1640, %dma_wait3A_1641] : memref<1000000x32xf32, #tpu.memory_space<hbm>> -> memref<1000000x32xf32, #tpu.memory_space<hbm>>
      tpu.wait_indirect_dma semaphore(%arg10 : memref<!tpu.dma_semaphore, #tpu.memory_space<semaphore_mem>>) src(%dma_wait3A_1642 : memref<1000000x32xf32, #tpu.memory_space<hbm>>) dst(%dma_wait3A_1636 : memref<200x32xf32, #tpu.memory_space<vmem>>)
      %dma_wait3A_1643 = arith.constant 3 : i32
      %dma_wait3A_1644 = arith.constant 1 : i32
      %dma_wait3A_1645 = arith.constant 3 : i32
      %dma_wait3A_1646 = arith.constant 200 : i32
      %dma_wait3A_1647 = arith.constant 0 : i32
      %dma_wait3A_1648 = tpu.memref_slice %arg6[%dma_wait3A_1645, %dma_wait3A_1646, %dma_wait3A_1647] : memref<4x800x32xf32, #tpu.memory_space<vmem>> -> memref<1x200x32xf32, #tpu.memory_space<vmem>>
      %dma_wait3A_1649 = tpu.memref_squeeze %dma_wait3A_1648 : memref<1x200x32xf32, #tpu.memory_space<vmem>> -> memref<200x32xf32, #tpu.memory_space<vmem>>
      %dma_wait3A_1650 = arith.constant 0 : i32
      %dma_wait3A_1651 = tpu.memref_slice %arg5[%dma_wait3A_1643, %dma_wait3A_1644, %dma_wait3A_1650] : memref<4x4x200xi32, #tpu.memory_space<vmem>> -> memref<1x1x200xi32, #tpu.memory_space<vmem>>
      %dma_wait3A_1652 = tpu.memref_squeeze %dma_wait3A_1651 : memref<1x1x200xi32, #tpu.memory_space<vmem>> -> memref<200xi32, #tpu.memory_space<vmem>>
      %dma_wait3A_1653 = arith.constant 0 : i32
      %dma_wait3A_1654 = arith.constant 0 : i32
      %dma_wait3A_1655 = tpu.memref_slice %arg3[%dma_wait3A_1653, %dma_wait3A_1654] : memref<1000000x32xf32, #tpu.memory_space<hbm>> -> memref<1000000x32xf32, #tpu.memory_space<hbm>>
      tpu.wait_indirect_dma semaphore(%arg10 : memref<!tpu.dma_semaphore, #tpu.memory_space<semaphore_mem>>) src(%dma_wait3A_1655 : memref<1000000x32xf32, #tpu.memory_space<hbm>>) dst(%dma_wait3A_1649 : memref<200x32xf32, #tpu.memory_space<vmem>>)
      %dma_wait3A_1656 = arith.constant 3 : i32
      %dma_wait3A_1657 = arith.constant 2 : i32
      %dma_wait3A_1658 = arith.constant 3 : i32
      %dma_wait3A_1659 = arith.constant 400 : i32
      %dma_wait3A_1660 = arith.constant 0 : i32
      %dma_wait3A_1661 = tpu.memref_slice %arg6[%dma_wait3A_1658, %dma_wait3A_1659, %dma_wait3A_1660] : memref<4x800x32xf32, #tpu.memory_space<vmem>> -> memref<1x200x32xf32, #tpu.memory_space<vmem>>
      %dma_wait3A_1662 = tpu.memref_squeeze %dma_wait3A_1661 : memref<1x200x32xf32, #tpu.memory_space<vmem>> -> memref<200x32xf32, #tpu.memory_space<vmem>>
      %dma_wait3A_1663 = arith.constant 0 : i32
      %dma_wait3A_1664 = tpu.memref_slice %arg5[%dma_wait3A_1656, %dma_wait3A_1657, %dma_wait3A_1663] : memref<4x4x200xi32, #tpu.memory_space<vmem>> -> memref<1x1x200xi32, #tpu.memory_space<vmem>>
      %dma_wait3A_1665 = tpu.memref_squeeze %dma_wait3A_1664 : memref<1x1x200xi32, #tpu.memory_space<vmem>> -> memref<200xi32, #tpu.memory_space<vmem>>
      %dma_wait3A_1666 = arith.constant 0 : i32
      %dma_wait3A_1667 = arith.constant 0 : i32
      %dma_wait3A_1668 = tpu.memref_slice %arg3[%dma_wait3A_1666, %dma_wait3A_1667] : memref<1000000x32xf32, #tpu.memory_space<hbm>> -> memref<1000000x32xf32, #tpu.memory_space<hbm>>
      tpu.wait_indirect_dma semaphore(%arg10 : memref<!tpu.dma_semaphore, #tpu.memory_space<semaphore_mem>>) src(%dma_wait3A_1668 : memref<1000000x32xf32, #tpu.memory_space<hbm>>) dst(%dma_wait3A_1662 : memref<200x32xf32, #tpu.memory_space<vmem>>)
      %dma_wait3A_1669 = arith.constant 3 : i32
      %dma_wait3A_1670 = arith.constant 3 : i32
      %dma_wait3A_1671 = arith.constant 3 : i32
      %dma_wait3A_1672 = arith.constant 600 : i32
      %dma_wait3A_1673 = arith.constant 0 : i32
      %dma_wait3A_1674 = tpu.memref_slice %arg6[%dma_wait3A_1671, %dma_wait3A_1672, %dma_wait3A_1673] : memref<4x800x32xf32, #tpu.memory_space<vmem>> -> memref<1x200x32xf32, #tpu.memory_space<vmem>>
      %dma_wait3A_1675 = tpu.memref_squeeze %dma_wait3A_1674 : memref<1x200x32xf32, #tpu.memory_space<vmem>> -> memref<200x32xf32, #tpu.memory_space<vmem>>
      %dma_wait3A_1676 = arith.constant 0 : i32
      %dma_wait3A_1677 = tpu.memref_slice %arg5[%dma_wait3A_1669, %dma_wait3A_1670, %dma_wait3A_1676] : memref<4x4x200xi32, #tpu.memory_space<vmem>> -> memref<1x1x200xi32, #tpu.memory_space<vmem>>
      %dma_wait3A_1678 = tpu.memref_squeeze %dma_wait3A_1677 : memref<1x1x200xi32, #tpu.memory_space<vmem>> -> memref<200xi32, #tpu.memory_space<vmem>>
      %dma_wait3A_1679 = arith.constant 0 : i32
      %dma_wait3A_1680 = arith.constant 0 : i32
      %dma_wait3A_1681 = tpu.memref_slice %arg3[%dma_wait3A_1679, %dma_wait3A_1680] : memref<1000000x32xf32, #tpu.memory_space<hbm>> -> memref<1000000x32xf32, #tpu.memory_space<hbm>>
      tpu.wait_indirect_dma semaphore(%arg10 : memref<!tpu.dma_semaphore, #tpu.memory_space<semaphore_mem>>) src(%dma_wait3A_1681 : memref<1000000x32xf32, #tpu.memory_space<hbm>>) dst(%dma_wait3A_1675 : memref<200x32xf32, #tpu.memory_space<vmem>>)
      %mul3A_1682 = arith.constant 4 : i32
      %mul3A_1683 = arith.muli %add3A_1556, %mul3A_1682 : i32
      %add3A_1684 = arith.addi %mul3A_2, %mul3A_1683 : i32
      %mul3A_1685 = arith.constant 200 : i32
      %mul3A_1686 = arith.muli %add3A_1684, %mul3A_1685 : i32
      %dma_start3A_1687 = arith.constant 3 : i32
      %dma_start3A_1688 = arith.constant 0 : i32
      %dma_start3A_1689 = arith.constant 0 : i32
      %dma_start3A_1690 = tpu.memref_slice %arg6[%dma_start3A_1687, %dma_start3A_1688, %dma_start3A_1689] : memref<4x800x32xf32, #tpu.memory_space<vmem>> -> memref<1x800x32xf32, #tpu.memory_space<vmem>>
      %dma_start3A_1691 = tpu.memref_squeeze %dma_start3A_1690 : memref<1x800x32xf32, #tpu.memory_space<vmem>> -> memref<800x32xf32, #tpu.memory_space<vmem>>
      %dma_start3A_1692 = arith.constant 0 : i32
      %dma_start3A_1693 = tpu.memref_slice %arg4[%mul3A_1686, %dma_start3A_1692] : memref<3276800x32xf32, #tpu.memory_space<hbm>> -> memref<800x32xf32, #tpu.memory_space<hbm>>
      %dma_start3A_1694 = arith.constant 0 : i32
      %dma_start3A_1695 = tpu.memref_slice %arg4[%mul3A_1686, %dma_start3A_1694] : memref<3276800x32xf32, #tpu.memory_space<hbm>> -> memref<800x32xf32, #tpu.memory_space<hbm>>
      %dma_start3A_1696 = arith.constant 0 : i32
      %dma_start3A_1697 = arith.constant 0 : i32
      %dma_start3A_1698 = tpu.memref_slice %arg6[%dma_start3A_1687, %dma_start3A_1696, %dma_start3A_1697] : memref<4x800x32xf32, #tpu.memory_space<vmem>> -> memref<1x800x32xf32, #tpu.memory_space<vmem>>
      %dma_start3A_1699 = tpu.memref_squeeze %dma_start3A_1698 : memref<1x800x32xf32, #tpu.memory_space<vmem>> -> memref<800x32xf32, #tpu.memory_space<vmem>>
      tpu.enqueue_dma source(%dma_start3A_1699 : memref<800x32xf32, #tpu.memory_space<vmem>>) target(%dma_start3A_1695 : memref<800x32xf32, #tpu.memory_space<hbm>>) target_semaphore(%arg14 : memref<!tpu.dma_semaphore, #tpu.memory_space<semaphore_mem>>)
    }
    %scan3A_640 = arith.constant 30 : i32
    %mul3A_641 = arith.constant 200 : i32
    %mul3A_642 = arith.muli %mul3A_2, %mul3A_641 : i32
    %dma_wait3A_643 = arith.constant 2 : i32
    %dma_wait3A_644 = arith.constant 0 : i32
    %dma_wait3A_645 = arith.constant 0 : i32
    %dma_wait3A_646 = tpu.memref_slice %arg6[%dma_wait3A_643, %dma_wait3A_644, %dma_wait3A_645] : memref<4x800x32xf32, #tpu.memory_space<vmem>> -> memref<1x800x32xf32, #tpu.memory_space<vmem>>
    %dma_wait3A_647 = tpu.memref_squeeze %dma_wait3A_646 : memref<1x800x32xf32, #tpu.memory_space<vmem>> -> memref<800x32xf32, #tpu.memory_space<vmem>>
    %dma_wait3A_648 = arith.constant 0 : i32
    %dma_wait3A_649 = tpu.memref_slice %arg4[%mul3A_642, %dma_wait3A_648] : memref<3276800x32xf32, #tpu.memory_space<hbm>> -> memref<800x32xf32, #tpu.memory_space<hbm>>
    %dma_wait3A_650 = arith.constant 0 : i32
    %dma_wait3A_651 = tpu.memref_slice %arg4[%mul3A_642, %dma_wait3A_650] : memref<3276800x32xf32, #tpu.memory_space<hbm>> -> memref<800x32xf32, #tpu.memory_space<hbm>>
    %dma_wait3A_652 = arith.constant 0 : i32
    %dma_wait3A_653 = arith.constant 0 : i32
    %dma_wait3A_654 = tpu.memref_slice %arg6[%dma_wait3A_643, %dma_wait3A_652, %dma_wait3A_653] : memref<4x800x32xf32, #tpu.memory_space<vmem>> -> memref<1x800x32xf32, #tpu.memory_space<vmem>>
    %dma_wait3A_655 = tpu.memref_squeeze %dma_wait3A_654 : memref<1x800x32xf32, #tpu.memory_space<vmem>> -> memref<800x32xf32, #tpu.memory_space<vmem>>
    tpu.wait_dma2 semaphore(%arg13 : memref<!tpu.dma_semaphore, #tpu.memory_space<semaphore_mem>>) src(%dma_wait3A_655 : memref<800x32xf32, #tpu.memory_space<vmem>>) dst(%dma_wait3A_651 : memref<800x32xf32, #tpu.memory_space<hbm>>)
    %add3A_656 = arith.constant 504 : i32
    %add3A_657 = arith.addi %mul3A_2, %add3A_656 : i32
    %run_scoped3A_658 = arith.constant 2 : i32
    "tpu.region"() ({
      %run_scoped3A_1117 = tpu.sem_alloc : memref<!tpu.dma_semaphore, #tpu.memory_space<semaphore_mem>>
      %dma_start3A_1118 = arith.constant 0 : i32
      %dma_start3A_1119 = arith.constant 0 : i32
      %dma_start3A_1120 = tpu.memref_slice %arg5[%run_scoped3A_658, %dma_start3A_1118, %dma_start3A_1119] : memref<4x4x200xi32, #tpu.memory_space<vmem>> -> memref<1x4x200xi32, #tpu.memory_space<vmem>>
      %dma_start3A_1121 = tpu.memref_squeeze %dma_start3A_1120 : memref<1x4x200xi32, #tpu.memory_space<vmem>> -> memref<4x200xi32, #tpu.memory_space<vmem>>
      %dma_start3A_1122 = arith.constant 0 : i32
      %dma_start3A_1123 = tpu.memref_slice %arg2[%add3A_657, %dma_start3A_1122] : memref<16384x200xi32, #tpu.memory_space<hbm>> -> memref<4x200xi32, #tpu.memory_space<hbm>>
      %dma_start3A_1124 = arith.constant 0 : i32
      %dma_start3A_1125 = arith.constant 0 : i32
      %dma_start3A_1126 = tpu.memref_slice %arg5[%run_scoped3A_658, %dma_start3A_1124, %dma_start3A_1125] : memref<4x4x200xi32, #tpu.memory_space<vmem>> -> memref<1x4x200xi32, #tpu.memory_space<vmem>>
      %dma_start3A_1127 = tpu.memref_squeeze %dma_start3A_1126 : memref<1x4x200xi32, #tpu.memory_space<vmem>> -> memref<4x200xi32, #tpu.memory_space<vmem>>
      %dma_start3A_1128 = arith.constant 0 : i32
      %dma_start3A_1129 = tpu.memref_slice %arg2[%add3A_657, %dma_start3A_1128] : memref<16384x200xi32, #tpu.memory_space<hbm>> -> memref<4x200xi32, #tpu.memory_space<hbm>>
      tpu.enqueue_dma source(%dma_start3A_1129 : memref<4x200xi32, #tpu.memory_space<hbm>>) target(%dma_start3A_1127 : memref<4x200xi32, #tpu.memory_space<vmem>>) target_semaphore(%run_scoped3A_1117 : memref<!tpu.dma_semaphore, #tpu.memory_space<semaphore_mem>>)
      %dma_wait3A_1130 = arith.constant 0 : i32
      %dma_wait3A_1131 = arith.constant 0 : i32
      %dma_wait3A_1132 = tpu.memref_slice %arg5[%run_scoped3A_658, %dma_wait3A_1130, %dma_wait3A_1131] : memref<4x4x200xi32, #tpu.memory_space<vmem>> -> memref<1x4x200xi32, #tpu.memory_space<vmem>>
      %dma_wait3A_1133 = tpu.memref_squeeze %dma_wait3A_1132 : memref<1x4x200xi32, #tpu.memory_space<vmem>> -> memref<4x200xi32, #tpu.memory_space<vmem>>
      %dma_wait3A_1134 = arith.constant 0 : i32
      %dma_wait3A_1135 = tpu.memref_slice %arg2[%add3A_657, %dma_wait3A_1134] : memref<16384x200xi32, #tpu.memory_space<hbm>> -> memref<4x200xi32, #tpu.memory_space<hbm>>
      %dma_wait3A_1136 = arith.constant 0 : i32
      %dma_wait3A_1137 = arith.constant 0 : i32
      %dma_wait3A_1138 = tpu.memref_slice %arg5[%run_scoped3A_658, %dma_wait3A_1136, %dma_wait3A_1137] : memref<4x4x200xi32, #tpu.memory_space<vmem>> -> memref<1x4x200xi32, #tpu.memory_space<vmem>>
      %dma_wait3A_1139 = tpu.memref_squeeze %dma_wait3A_1138 : memref<1x4x200xi32, #tpu.memory_space<vmem>> -> memref<4x200xi32, #tpu.memory_space<vmem>>
      %dma_wait3A_1140 = arith.constant 0 : i32
      %dma_wait3A_1141 = tpu.memref_slice %arg2[%add3A_657, %dma_wait3A_1140] : memref<16384x200xi32, #tpu.memory_space<hbm>> -> memref<4x200xi32, #tpu.memory_space<hbm>>
      tpu.wait_dma2 semaphore(%run_scoped3A_1117 : memref<!tpu.dma_semaphore, #tpu.memory_space<semaphore_mem>>) src(%dma_wait3A_1141 : memref<4x200xi32, #tpu.memory_space<hbm>>) dst(%dma_wait3A_1139 : memref<4x200xi32, #tpu.memory_space<vmem>>)
      tpu.yield
    }) : () -> ()
    %dma_start3A_659 = arith.constant 2 : i32
    %dma_start3A_660 = arith.constant 0 : i32
    %dma_start3A_661 = arith.constant 2 : i32
    %dma_start3A_662 = arith.constant 0 : i32
    %dma_start3A_663 = arith.constant 0 : i32
    %dma_start3A_664 = tpu.memref_slice %arg6[%dma_start3A_661, %dma_start3A_662, %dma_start3A_663] : memref<4x800x32xf32, #tpu.memory_space<vmem>> -> memref<1x200x32xf32, #tpu.memory_space<vmem>>
    %dma_start3A_665 = tpu.memref_squeeze %dma_start3A_664 : memref<1x200x32xf32, #tpu.memory_space<vmem>> -> memref<200x32xf32, #tpu.memory_space<vmem>>
    %dma_start3A_666 = arith.constant 0 : i32
    %dma_start3A_667 = tpu.memref_slice %arg5[%dma_start3A_659, %dma_start3A_660, %dma_start3A_666] : memref<4x4x200xi32, #tpu.memory_space<vmem>> -> memref<1x1x200xi32, #tpu.memory_space<vmem>>
    %dma_start3A_668 = tpu.memref_squeeze %dma_start3A_667 : memref<1x1x200xi32, #tpu.memory_space<vmem>> -> memref<200xi32, #tpu.memory_space<vmem>>
    %dma_start3A_669 = arith.constant 0 : i32
    %dma_start3A_670 = arith.constant 0 : i32
    %dma_start3A_671 = tpu.memref_slice %arg3[%dma_start3A_669, %dma_start3A_670] : memref<1000000x32xf32, #tpu.memory_space<hbm>> -> memref<1000000x32xf32, #tpu.memory_space<hbm>>
    tpu.enqueue_indirect_dma source(%dma_start3A_671 : memref<1000000x32xf32, #tpu.memory_space<hbm>>) target(%dma_start3A_665 : memref<200x32xf32, #tpu.memory_space<vmem>>) offsets(%dma_start3A_668 : memref<200xi32, #tpu.memory_space<vmem>>) semaphore(%arg9 : memref<!tpu.dma_semaphore, #tpu.memory_space<semaphore_mem>>)
    %dma_start3A_672 = arith.constant 2 : i32
    %dma_start3A_673 = arith.constant 1 : i32
    %dma_start3A_674 = arith.constant 2 : i32
    %dma_start3A_675 = arith.constant 200 : i32
    %dma_start3A_676 = arith.constant 0 : i32
    %dma_start3A_677 = tpu.memref_slice %arg6[%dma_start3A_674, %dma_start3A_675, %dma_start3A_676] : memref<4x800x32xf32, #tpu.memory_space<vmem>> -> memref<1x200x32xf32, #tpu.memory_space<vmem>>
    %dma_start3A_678 = tpu.memref_squeeze %dma_start3A_677 : memref<1x200x32xf32, #tpu.memory_space<vmem>> -> memref<200x32xf32, #tpu.memory_space<vmem>>
    %dma_start3A_679 = arith.constant 0 : i32
    %dma_start3A_680 = tpu.memref_slice %arg5[%dma_start3A_672, %dma_start3A_673, %dma_start3A_679] : memref<4x4x200xi32, #tpu.memory_space<vmem>> -> memref<1x1x200xi32, #tpu.memory_space<vmem>>
    %dma_start3A_681 = tpu.memref_squeeze %dma_start3A_680 : memref<1x1x200xi32, #tpu.memory_space<vmem>> -> memref<200xi32, #tpu.memory_space<vmem>>
    %dma_start3A_682 = arith.constant 0 : i32
    %dma_start3A_683 = arith.constant 0 : i32
    %dma_start3A_684 = tpu.memref_slice %arg3[%dma_start3A_682, %dma_start3A_683] : memref<1000000x32xf32, #tpu.memory_space<hbm>> -> memref<1000000x32xf32, #tpu.memory_space<hbm>>
    tpu.enqueue_indirect_dma source(%dma_start3A_684 : memref<1000000x32xf32, #tpu.memory_space<hbm>>) target(%dma_start3A_678 : memref<200x32xf32, #tpu.memory_space<vmem>>) offsets(%dma_start3A_681 : memref<200xi32, #tpu.memory_space<vmem>>) semaphore(%arg9 : memref<!tpu.dma_semaphore, #tpu.memory_space<semaphore_mem>>)
    %dma_start3A_685 = arith.constant 2 : i32
    %dma_start3A_686 = arith.constant 2 : i32
    %dma_start3A_687 = arith.constant 2 : i32
    %dma_start3A_688 = arith.constant 400 : i32
    %dma_start3A_689 = arith.constant 0 : i32
    %dma_start3A_690 = tpu.memref_slice %arg6[%dma_start3A_687, %dma_start3A_688, %dma_start3A_689] : memref<4x800x32xf32, #tpu.memory_space<vmem>> -> memref<1x200x32xf32, #tpu.memory_space<vmem>>
    %dma_start3A_691 = tpu.memref_squeeze %dma_start3A_690 : memref<1x200x32xf32, #tpu.memory_space<vmem>> -> memref<200x32xf32, #tpu.memory_space<vmem>>
    %dma_start3A_692 = arith.constant 0 : i32
    %dma_start3A_693 = tpu.memref_slice %arg5[%dma_start3A_685, %dma_start3A_686, %dma_start3A_692] : memref<4x4x200xi32, #tpu.memory_space<vmem>> -> memref<1x1x200xi32, #tpu.memory_space<vmem>>
    %dma_start3A_694 = tpu.memref_squeeze %dma_start3A_693 : memref<1x1x200xi32, #tpu.memory_space<vmem>> -> memref<200xi32, #tpu.memory_space<vmem>>
    %dma_start3A_695 = arith.constant 0 : i32
    %dma_start3A_696 = arith.constant 0 : i32
    %dma_start3A_697 = tpu.memref_slice %arg3[%dma_start3A_695, %dma_start3A_696] : memref<1000000x32xf32, #tpu.memory_space<hbm>> -> memref<1000000x32xf32, #tpu.memory_space<hbm>>
    tpu.enqueue_indirect_dma source(%dma_start3A_697 : memref<1000000x32xf32, #tpu.memory_space<hbm>>) target(%dma_start3A_691 : memref<200x32xf32, #tpu.memory_space<vmem>>) offsets(%dma_start3A_694 : memref<200xi32, #tpu.memory_space<vmem>>) semaphore(%arg9 : memref<!tpu.dma_semaphore, #tpu.memory_space<semaphore_mem>>)
    %dma_start3A_698 = arith.constant 2 : i32
    %dma_start3A_699 = arith.constant 3 : i32
    %dma_start3A_700 = arith.constant 2 : i32
    %dma_start3A_701 = arith.constant 600 : i32
    %dma_start3A_702 = arith.constant 0 : i32
    %dma_start3A_703 = tpu.memref_slice %arg6[%dma_start3A_700, %dma_start3A_701, %dma_start3A_702] : memref<4x800x32xf32, #tpu.memory_space<vmem>> -> memref<1x200x32xf32, #tpu.memory_space<vmem>>
    %dma_start3A_704 = tpu.memref_squeeze %dma_start3A_703 : memref<1x200x32xf32, #tpu.memory_space<vmem>> -> memref<200x32xf32, #tpu.memory_space<vmem>>
    %dma_start3A_705 = arith.constant 0 : i32
    %dma_start3A_706 = tpu.memref_slice %arg5[%dma_start3A_698, %dma_start3A_699, %dma_start3A_705] : memref<4x4x200xi32, #tpu.memory_space<vmem>> -> memref<1x1x200xi32, #tpu.memory_space<vmem>>
    %dma_start3A_707 = tpu.memref_squeeze %dma_start3A_706 : memref<1x1x200xi32, #tpu.memory_space<vmem>> -> memref<200xi32, #tpu.memory_space<vmem>>
    %dma_start3A_708 = arith.constant 0 : i32
    %dma_start3A_709 = arith.constant 0 : i32
    %dma_start3A_710 = tpu.memref_slice %arg3[%dma_start3A_708, %dma_start3A_709] : memref<1000000x32xf32, #tpu.memory_space<hbm>> -> memref<1000000x32xf32, #tpu.memory_space<hbm>>
    tpu.enqueue_indirect_dma source(%dma_start3A_710 : memref<1000000x32xf32, #tpu.memory_space<hbm>>) target(%dma_start3A_704 : memref<200x32xf32, #tpu.memory_space<vmem>>) offsets(%dma_start3A_707 : memref<200xi32, #tpu.memory_space<vmem>>) semaphore(%arg9 : memref<!tpu.dma_semaphore, #tpu.memory_space<semaphore_mem>>)
    %dma_wait3A_711 = arith.constant 0 : i32
    %dma_wait3A_712 = arith.constant 0 : i32
    %dma_wait3A_713 = arith.constant 0 : i32
    %dma_wait3A_714 = arith.constant 0 : i32
    %dma_wait3A_715 = arith.constant 0 : i32
    %dma_wait3A_716 = tpu.memref_slice %arg6[%dma_wait3A_713, %dma_wait3A_714, %dma_wait3A_715] : memref<4x800x32xf32, #tpu.memory_space<vmem>> -> memref<1x200x32xf32, #tpu.memory_space<vmem>>
    %dma_wait3A_717 = tpu.memref_squeeze %dma_wait3A_716 : memref<1x200x32xf32, #tpu.memory_space<vmem>> -> memref<200x32xf32, #tpu.memory_space<vmem>>
    %dma_wait3A_718 = arith.constant 0 : i32
    %dma_wait3A_719 = tpu.memref_slice %arg5[%dma_wait3A_711, %dma_wait3A_712, %dma_wait3A_718] : memref<4x4x200xi32, #tpu.memory_space<vmem>> -> memref<1x1x200xi32, #tpu.memory_space<vmem>>
    %dma_wait3A_720 = tpu.memref_squeeze %dma_wait3A_719 : memref<1x1x200xi32, #tpu.memory_space<vmem>> -> memref<200xi32, #tpu.memory_space<vmem>>
    %dma_wait3A_721 = arith.constant 0 : i32
    %dma_wait3A_722 = arith.constant 0 : i32
    %dma_wait3A_723 = tpu.memref_slice %arg3[%dma_wait3A_721, %dma_wait3A_722] : memref<1000000x32xf32, #tpu.memory_space<hbm>> -> memref<1000000x32xf32, #tpu.memory_space<hbm>>
    tpu.wait_indirect_dma semaphore(%arg7 : memref<!tpu.dma_semaphore, #tpu.memory_space<semaphore_mem>>) src(%dma_wait3A_723 : memref<1000000x32xf32, #tpu.memory_space<hbm>>) dst(%dma_wait3A_717 : memref<200x32xf32, #tpu.memory_space<vmem>>)
    %dma_wait3A_724 = arith.constant 0 : i32
    %dma_wait3A_725 = arith.constant 1 : i32
    %dma_wait3A_726 = arith.constant 0 : i32
    %dma_wait3A_727 = arith.constant 200 : i32
    %dma_wait3A_728 = arith.constant 0 : i32
    %dma_wait3A_729 = tpu.memref_slice %arg6[%dma_wait3A_726, %dma_wait3A_727, %dma_wait3A_728] : memref<4x800x32xf32, #tpu.memory_space<vmem>> -> memref<1x200x32xf32, #tpu.memory_space<vmem>>
    %dma_wait3A_730 = tpu.memref_squeeze %dma_wait3A_729 : memref<1x200x32xf32, #tpu.memory_space<vmem>> -> memref<200x32xf32, #tpu.memory_space<vmem>>
    %dma_wait3A_731 = arith.constant 0 : i32
    %dma_wait3A_732 = tpu.memref_slice %arg5[%dma_wait3A_724, %dma_wait3A_725, %dma_wait3A_731] : memref<4x4x200xi32, #tpu.memory_space<vmem>> -> memref<1x1x200xi32, #tpu.memory_space<vmem>>
    %dma_wait3A_733 = tpu.memref_squeeze %dma_wait3A_732 : memref<1x1x200xi32, #tpu.memory_space<vmem>> -> memref<200xi32, #tpu.memory_space<vmem>>
    %dma_wait3A_734 = arith.constant 0 : i32
    %dma_wait3A_735 = arith.constant 0 : i32
    %dma_wait3A_736 = tpu.memref_slice %arg3[%dma_wait3A_734, %dma_wait3A_735] : memref<1000000x32xf32, #tpu.memory_space<hbm>> -> memref<1000000x32xf32, #tpu.memory_space<hbm>>
    tpu.wait_indirect_dma semaphore(%arg7 : memref<!tpu.dma_semaphore, #tpu.memory_space<semaphore_mem>>) src(%dma_wait3A_736 : memref<1000000x32xf32, #tpu.memory_space<hbm>>) dst(%dma_wait3A_730 : memref<200x32xf32, #tpu.memory_space<vmem>>)
    %dma_wait3A_737 = arith.constant 0 : i32
    %dma_wait3A_738 = arith.constant 2 : i32
    %dma_wait3A_739 = arith.constant 0 : i32
    %dma_wait3A_740 = arith.constant 400 : i32
    %dma_wait3A_741 = arith.constant 0 : i32
    %dma_wait3A_742 = tpu.memref_slice %arg6[%dma_wait3A_739, %dma_wait3A_740, %dma_wait3A_741] : memref<4x800x32xf32, #tpu.memory_space<vmem>> -> memref<1x200x32xf32, #tpu.memory_space<vmem>>
    %dma_wait3A_743 = tpu.memref_squeeze %dma_wait3A_742 : memref<1x200x32xf32, #tpu.memory_space<vmem>> -> memref<200x32xf32, #tpu.memory_space<vmem>>
    %dma_wait3A_744 = arith.constant 0 : i32
    %dma_wait3A_745 = tpu.memref_slice %arg5[%dma_wait3A_737, %dma_wait3A_738, %dma_wait3A_744] : memref<4x4x200xi32, #tpu.memory_space<vmem>> -> memref<1x1x200xi32, #tpu.memory_space<vmem>>
    %dma_wait3A_746 = tpu.memref_squeeze %dma_wait3A_745 : memref<1x1x200xi32, #tpu.memory_space<vmem>> -> memref<200xi32, #tpu.memory_space<vmem>>
    %dma_wait3A_747 = arith.constant 0 : i32
    %dma_wait3A_748 = arith.constant 0 : i32
    %dma_wait3A_749 = tpu.memref_slice %arg3[%dma_wait3A_747, %dma_wait3A_748] : memref<1000000x32xf32, #tpu.memory_space<hbm>> -> memref<1000000x32xf32, #tpu.memory_space<hbm>>
    tpu.wait_indirect_dma semaphore(%arg7 : memref<!tpu.dma_semaphore, #tpu.memory_space<semaphore_mem>>) src(%dma_wait3A_749 : memref<1000000x32xf32, #tpu.memory_space<hbm>>) dst(%dma_wait3A_743 : memref<200x32xf32, #tpu.memory_space<vmem>>)
    %dma_wait3A_750 = arith.constant 0 : i32
    %dma_wait3A_751 = arith.constant 3 : i32
    %dma_wait3A_752 = arith.constant 0 : i32
    %dma_wait3A_753 = arith.constant 600 : i32
    %dma_wait3A_754 = arith.constant 0 : i32
    %dma_wait3A_755 = tpu.memref_slice %arg6[%dma_wait3A_752, %dma_wait3A_753, %dma_wait3A_754] : memref<4x800x32xf32, #tpu.memory_space<vmem>> -> memref<1x200x32xf32, #tpu.memory_space<vmem>>
    %dma_wait3A_756 = tpu.memref_squeeze %dma_wait3A_755 : memref<1x200x32xf32, #tpu.memory_space<vmem>> -> memref<200x32xf32, #tpu.memory_space<vmem>>
    %dma_wait3A_757 = arith.constant 0 : i32
    %dma_wait3A_758 = tpu.memref_slice %arg5[%dma_wait3A_750, %dma_wait3A_751, %dma_wait3A_757] : memref<4x4x200xi32, #tpu.memory_space<vmem>> -> memref<1x1x200xi32, #tpu.memory_space<vmem>>
    %dma_wait3A_759 = tpu.memref_squeeze %dma_wait3A_758 : memref<1x1x200xi32, #tpu.memory_space<vmem>> -> memref<200xi32, #tpu.memory_space<vmem>>
    %dma_wait3A_760 = arith.constant 0 : i32
    %dma_wait3A_761 = arith.constant 0 : i32
    %dma_wait3A_762 = tpu.memref_slice %arg3[%dma_wait3A_760, %dma_wait3A_761] : memref<1000000x32xf32, #tpu.memory_space<hbm>> -> memref<1000000x32xf32, #tpu.memory_space<hbm>>
    tpu.wait_indirect_dma semaphore(%arg7 : memref<!tpu.dma_semaphore, #tpu.memory_space<semaphore_mem>>) src(%dma_wait3A_762 : memref<1000000x32xf32, #tpu.memory_space<hbm>>) dst(%dma_wait3A_756 : memref<200x32xf32, #tpu.memory_space<vmem>>)
    %add3A_763 = arith.constant 496 : i32
    %add3A_764 = arith.addi %mul3A_2, %add3A_763 : i32
    %mul3A_765 = arith.constant 200 : i32
    %mul3A_766 = arith.muli %add3A_764, %mul3A_765 : i32
    %dma_start3A_767 = arith.constant 0 : i32
    %dma_start3A_768 = arith.constant 0 : i32
    %dma_start3A_769 = arith.constant 0 : i32
    %dma_start3A_770 = tpu.memref_slice %arg6[%dma_start3A_767, %dma_start3A_768, %dma_start3A_769] : memref<4x800x32xf32, #tpu.memory_space<vmem>> -> memref<1x800x32xf32, #tpu.memory_space<vmem>>
    %dma_start3A_771 = tpu.memref_squeeze %dma_start3A_770 : memref<1x800x32xf32, #tpu.memory_space<vmem>> -> memref<800x32xf32, #tpu.memory_space<vmem>>
    %dma_start3A_772 = arith.constant 0 : i32
    %dma_start3A_773 = tpu.memref_slice %arg4[%mul3A_766, %dma_start3A_772] : memref<3276800x32xf32, #tpu.memory_space<hbm>> -> memref<800x32xf32, #tpu.memory_space<hbm>>
    %dma_start3A_774 = arith.constant 0 : i32
    %dma_start3A_775 = tpu.memref_slice %arg4[%mul3A_766, %dma_start3A_774] : memref<3276800x32xf32, #tpu.memory_space<hbm>> -> memref<800x32xf32, #tpu.memory_space<hbm>>
    %dma_start3A_776 = arith.constant 0 : i32
    %dma_start3A_777 = arith.constant 0 : i32
    %dma_start3A_778 = tpu.memref_slice %arg6[%dma_start3A_767, %dma_start3A_776, %dma_start3A_777] : memref<4x800x32xf32, #tpu.memory_space<vmem>> -> memref<1x800x32xf32, #tpu.memory_space<vmem>>
    %dma_start3A_779 = tpu.memref_squeeze %dma_start3A_778 : memref<1x800x32xf32, #tpu.memory_space<vmem>> -> memref<800x32xf32, #tpu.memory_space<vmem>>
    tpu.enqueue_dma source(%dma_start3A_779 : memref<800x32xf32, #tpu.memory_space<vmem>>) target(%dma_start3A_775 : memref<800x32xf32, #tpu.memory_space<hbm>>) target_semaphore(%arg11 : memref<!tpu.dma_semaphore, #tpu.memory_space<semaphore_mem>>)
    %mul3A_780 = arith.constant 200 : i32
    %mul3A_781 = arith.muli %mul3A_2, %mul3A_780 : i32
    %dma_wait3A_782 = arith.constant 3 : i32
    %dma_wait3A_783 = arith.constant 0 : i32
    %dma_wait3A_784 = arith.constant 0 : i32
    %dma_wait3A_785 = tpu.memref_slice %arg6[%dma_wait3A_782, %dma_wait3A_783, %dma_wait3A_784] : memref<4x800x32xf32, #tpu.memory_space<vmem>> -> memref<1x800x32xf32, #tpu.memory_space<vmem>>
    %dma_wait3A_786 = tpu.memref_squeeze %dma_wait3A_785 : memref<1x800x32xf32, #tpu.memory_space<vmem>> -> memref<800x32xf32, #tpu.memory_space<vmem>>
    %dma_wait3A_787 = arith.constant 0 : i32
    %dma_wait3A_788 = tpu.memref_slice %arg4[%mul3A_781, %dma_wait3A_787] : memref<3276800x32xf32, #tpu.memory_space<hbm>> -> memref<800x32xf32, #tpu.memory_space<hbm>>
    %dma_wait3A_789 = arith.constant 0 : i32
    %dma_wait3A_790 = tpu.memref_slice %arg4[%mul3A_781, %dma_wait3A_789] : memref<3276800x32xf32, #tpu.memory_space<hbm>> -> memref<800x32xf32, #tpu.memory_space<hbm>>
    %dma_wait3A_791 = arith.constant 0 : i32
    %dma_wait3A_792 = arith.constant 0 : i32
    %dma_wait3A_793 = tpu.memref_slice %arg6[%dma_wait3A_782, %dma_wait3A_791, %dma_wait3A_792] : memref<4x800x32xf32, #tpu.memory_space<vmem>> -> memref<1x800x32xf32, #tpu.memory_space<vmem>>
    %dma_wait3A_794 = tpu.memref_squeeze %dma_wait3A_793 : memref<1x800x32xf32, #tpu.memory_space<vmem>> -> memref<800x32xf32, #tpu.memory_space<vmem>>
    tpu.wait_dma2 semaphore(%arg14 : memref<!tpu.dma_semaphore, #tpu.memory_space<semaphore_mem>>) src(%dma_wait3A_794 : memref<800x32xf32, #tpu.memory_space<vmem>>) dst(%dma_wait3A_790 : memref<800x32xf32, #tpu.memory_space<hbm>>)
    %add3A_795 = arith.constant 508 : i32
    %add3A_796 = arith.addi %mul3A_2, %add3A_795 : i32
    %run_scoped3A_797 = arith.constant 3 : i32
    "tpu.region"() ({
      %run_scoped3A_1117 = tpu.sem_alloc : memref<!tpu.dma_semaphore, #tpu.memory_space<semaphore_mem>>
      %dma_start3A_1118 = arith.constant 0 : i32
      %dma_start3A_1119 = arith.constant 0 : i32
      %dma_start3A_1120 = tpu.memref_slice %arg5[%run_scoped3A_797, %dma_start3A_1118, %dma_start3A_1119] : memref<4x4x200xi32, #tpu.memory_space<vmem>> -> memref<1x4x200xi32, #tpu.memory_space<vmem>>
      %dma_start3A_1121 = tpu.memref_squeeze %dma_start3A_1120 : memref<1x4x200xi32, #tpu.memory_space<vmem>> -> memref<4x200xi32, #tpu.memory_space<vmem>>
      %dma_start3A_1122 = arith.constant 0 : i32
      %dma_start3A_1123 = tpu.memref_slice %arg2[%add3A_796, %dma_start3A_1122] : memref<16384x200xi32, #tpu.memory_space<hbm>> -> memref<4x200xi32, #tpu.memory_space<hbm>>
      %dma_start3A_1124 = arith.constant 0 : i32
      %dma_start3A_1125 = arith.constant 0 : i32
      %dma_start3A_1126 = tpu.memref_slice %arg5[%run_scoped3A_797, %dma_start3A_1124, %dma_start3A_1125] : memref<4x4x200xi32, #tpu.memory_space<vmem>> -> memref<1x4x200xi32, #tpu.memory_space<vmem>>
      %dma_start3A_1127 = tpu.memref_squeeze %dma_start3A_1126 : memref<1x4x200xi32, #tpu.memory_space<vmem>> -> memref<4x200xi32, #tpu.memory_space<vmem>>
      %dma_start3A_1128 = arith.constant 0 : i32
      %dma_start3A_1129 = tpu.memref_slice %arg2[%add3A_796, %dma_start3A_1128] : memref<16384x200xi32, #tpu.memory_space<hbm>> -> memref<4x200xi32, #tpu.memory_space<hbm>>
      tpu.enqueue_dma source(%dma_start3A_1129 : memref<4x200xi32, #tpu.memory_space<hbm>>) target(%dma_start3A_1127 : memref<4x200xi32, #tpu.memory_space<vmem>>) target_semaphore(%run_scoped3A_1117 : memref<!tpu.dma_semaphore, #tpu.memory_space<semaphore_mem>>)
      %dma_wait3A_1130 = arith.constant 0 : i32
      %dma_wait3A_1131 = arith.constant 0 : i32
      %dma_wait3A_1132 = tpu.memref_slice %arg5[%run_scoped3A_797, %dma_wait3A_1130, %dma_wait3A_1131] : memref<4x4x200xi32, #tpu.memory_space<vmem>> -> memref<1x4x200xi32, #tpu.memory_space<vmem>>
      %dma_wait3A_1133 = tpu.memref_squeeze %dma_wait3A_1132 : memref<1x4x200xi32, #tpu.memory_space<vmem>> -> memref<4x200xi32, #tpu.memory_space<vmem>>
      %dma_wait3A_1134 = arith.constant 0 : i32
      %dma_wait3A_1135 = tpu.memref_slice %arg2[%add3A_796, %dma_wait3A_1134] : memref<16384x200xi32, #tpu.memory_space<hbm>> -> memref<4x200xi32, #tpu.memory_space<hbm>>
      %dma_wait3A_1136 = arith.constant 0 : i32
      %dma_wait3A_1137 = arith.constant 0 : i32
      %dma_wait3A_1138 = tpu.memref_slice %arg5[%run_scoped3A_797, %dma_wait3A_1136, %dma_wait3A_1137] : memref<4x4x200xi32, #tpu.memory_space<vmem>> -> memref<1x4x200xi32, #tpu.memory_space<vmem>>
      %dma_wait3A_1139 = tpu.memref_squeeze %dma_wait3A_1138 : memref<1x4x200xi32, #tpu.memory_space<vmem>> -> memref<4x200xi32, #tpu.memory_space<vmem>>
      %dma_wait3A_1140 = arith.constant 0 : i32
      %dma_wait3A_1141 = tpu.memref_slice %arg2[%add3A_796, %dma_wait3A_1140] : memref<16384x200xi32, #tpu.memory_space<hbm>> -> memref<4x200xi32, #tpu.memory_space<hbm>>
      tpu.wait_dma2 semaphore(%run_scoped3A_1117 : memref<!tpu.dma_semaphore, #tpu.memory_space<semaphore_mem>>) src(%dma_wait3A_1141 : memref<4x200xi32, #tpu.memory_space<hbm>>) dst(%dma_wait3A_1139 : memref<4x200xi32, #tpu.memory_space<vmem>>)
      tpu.yield
    }) : () -> ()
    %dma_start3A_798 = arith.constant 3 : i32
    %dma_start3A_799 = arith.constant 0 : i32
    %dma_start3A_800 = arith.constant 3 : i32
    %dma_start3A_801 = arith.constant 0 : i32
    %dma_start3A_802 = arith.constant 0 : i32
    %dma_start3A_803 = tpu.memref_slice %arg6[%dma_start3A_800, %dma_start3A_801, %dma_start3A_802] : memref<4x800x32xf32, #tpu.memory_space<vmem>> -> memref<1x200x32xf32, #tpu.memory_space<vmem>>
    %dma_start3A_804 = tpu.memref_squeeze %dma_start3A_803 : memref<1x200x32xf32, #tpu.memory_space<vmem>> -> memref<200x32xf32, #tpu.memory_space<vmem>>
    %dma_start3A_805 = arith.constant 0 : i32
    %dma_start3A_806 = tpu.memref_slice %arg5[%dma_start3A_798, %dma_start3A_799, %dma_start3A_805] : memref<4x4x200xi32, #tpu.memory_space<vmem>> -> memref<1x1x200xi32, #tpu.memory_space<vmem>>
    %dma_start3A_807 = tpu.memref_squeeze %dma_start3A_806 : memref<1x1x200xi32, #tpu.memory_space<vmem>> -> memref<200xi32, #tpu.memory_space<vmem>>
    %dma_start3A_808 = arith.constant 0 : i32
    %dma_start3A_809 = arith.constant 0 : i32
    %dma_start3A_810 = tpu.memref_slice %arg3[%dma_start3A_808, %dma_start3A_809] : memref<1000000x32xf32, #tpu.memory_space<hbm>> -> memref<1000000x32xf32, #tpu.memory_space<hbm>>
    tpu.enqueue_indirect_dma source(%dma_start3A_810 : memref<1000000x32xf32, #tpu.memory_space<hbm>>) target(%dma_start3A_804 : memref<200x32xf32, #tpu.memory_space<vmem>>) offsets(%dma_start3A_807 : memref<200xi32, #tpu.memory_space<vmem>>) semaphore(%arg10 : memref<!tpu.dma_semaphore, #tpu.memory_space<semaphore_mem>>)
    %dma_start3A_811 = arith.constant 3 : i32
    %dma_start3A_812 = arith.constant 1 : i32
    %dma_start3A_813 = arith.constant 3 : i32
    %dma_start3A_814 = arith.constant 200 : i32
    %dma_start3A_815 = arith.constant 0 : i32
    %dma_start3A_816 = tpu.memref_slice %arg6[%dma_start3A_813, %dma_start3A_814, %dma_start3A_815] : memref<4x800x32xf32, #tpu.memory_space<vmem>> -> memref<1x200x32xf32, #tpu.memory_space<vmem>>
    %dma_start3A_817 = tpu.memref_squeeze %dma_start3A_816 : memref<1x200x32xf32, #tpu.memory_space<vmem>> -> memref<200x32xf32, #tpu.memory_space<vmem>>
    %dma_start3A_818 = arith.constant 0 : i32
    %dma_start3A_819 = tpu.memref_slice %arg5[%dma_start3A_811, %dma_start3A_812, %dma_start3A_818] : memref<4x4x200xi32, #tpu.memory_space<vmem>> -> memref<1x1x200xi32, #tpu.memory_space<vmem>>
    %dma_start3A_820 = tpu.memref_squeeze %dma_start3A_819 : memref<1x1x200xi32, #tpu.memory_space<vmem>> -> memref<200xi32, #tpu.memory_space<vmem>>
    %dma_start3A_821 = arith.constant 0 : i32
    %dma_start3A_822 = arith.constant 0 : i32
    %dma_start3A_823 = tpu.memref_slice %arg3[%dma_start3A_821, %dma_start3A_822] : memref<1000000x32xf32, #tpu.memory_space<hbm>> -> memref<1000000x32xf32, #tpu.memory_space<hbm>>
    tpu.enqueue_indirect_dma source(%dma_start3A_823 : memref<1000000x32xf32, #tpu.memory_space<hbm>>) target(%dma_start3A_817 : memref<200x32xf32, #tpu.memory_space<vmem>>) offsets(%dma_start3A_820 : memref<200xi32, #tpu.memory_space<vmem>>) semaphore(%arg10 : memref<!tpu.dma_semaphore, #tpu.memory_space<semaphore_mem>>)
    %dma_start3A_824 = arith.constant 3 : i32
    %dma_start3A_825 = arith.constant 2 : i32
    %dma_start3A_826 = arith.constant 3 : i32
    %dma_start3A_827 = arith.constant 400 : i32
    %dma_start3A_828 = arith.constant 0 : i32
    %dma_start3A_829 = tpu.memref_slice %arg6[%dma_start3A_826, %dma_start3A_827, %dma_start3A_828] : memref<4x800x32xf32, #tpu.memory_space<vmem>> -> memref<1x200x32xf32, #tpu.memory_space<vmem>>
    %dma_start3A_830 = tpu.memref_squeeze %dma_start3A_829 : memref<1x200x32xf32, #tpu.memory_space<vmem>> -> memref<200x32xf32, #tpu.memory_space<vmem>>
    %dma_start3A_831 = arith.constant 0 : i32
    %dma_start3A_832 = tpu.memref_slice %arg5[%dma_start3A_824, %dma_start3A_825, %dma_start3A_831] : memref<4x4x200xi32, #tpu.memory_space<vmem>> -> memref<1x1x200xi32, #tpu.memory_space<vmem>>
    %dma_start3A_833 = tpu.memref_squeeze %dma_start3A_832 : memref<1x1x200xi32, #tpu.memory_space<vmem>> -> memref<200xi32, #tpu.memory_space<vmem>>
    %dma_start3A_834 = arith.constant 0 : i32
    %dma_start3A_835 = arith.constant 0 : i32
    %dma_start3A_836 = tpu.memref_slice %arg3[%dma_start3A_834, %dma_start3A_835] : memref<1000000x32xf32, #tpu.memory_space<hbm>> -> memref<1000000x32xf32, #tpu.memory_space<hbm>>
    tpu.enqueue_indirect_dma source(%dma_start3A_836 : memref<1000000x32xf32, #tpu.memory_space<hbm>>) target(%dma_start3A_830 : memref<200x32xf32, #tpu.memory_space<vmem>>) offsets(%dma_start3A_833 : memref<200xi32, #tpu.memory_space<vmem>>) semaphore(%arg10 : memref<!tpu.dma_semaphore, #tpu.memory_space<semaphore_mem>>)
    %dma_start3A_837 = arith.constant 3 : i32
    %dma_start3A_838 = arith.constant 3 : i32
    %dma_start3A_839 = arith.constant 3 : i32
    %dma_start3A_840 = arith.constant 600 : i32
    %dma_start3A_841 = arith.constant 0 : i32
    %dma_start3A_842 = tpu.memref_slice %arg6[%dma_start3A_839, %dma_start3A_840, %dma_start3A_841] : memref<4x800x32xf32, #tpu.memory_space<vmem>> -> memref<1x200x32xf32, #tpu.memory_space<vmem>>
    %dma_start3A_843 = tpu.memref_squeeze %dma_start3A_842 : memref<1x200x32xf32, #tpu.memory_space<vmem>> -> memref<200x32xf32, #tpu.memory_space<vmem>>
    %dma_start3A_844 = arith.constant 0 : i32
    %dma_start3A_845 = tpu.memref_slice %arg5[%dma_start3A_837, %dma_start3A_838, %dma_start3A_844] : memref<4x4x200xi32, #tpu.memory_space<vmem>> -> memref<1x1x200xi32, #tpu.memory_space<vmem>>
    %dma_start3A_846 = tpu.memref_squeeze %dma_start3A_845 : memref<1x1x200xi32, #tpu.memory_space<vmem>> -> memref<200xi32, #tpu.memory_space<vmem>>
    %dma_start3A_847 = arith.constant 0 : i32
    %dma_start3A_848 = arith.constant 0 : i32
    %dma_start3A_849 = tpu.memref_slice %arg3[%dma_start3A_847, %dma_start3A_848] : memref<1000000x32xf32, #tpu.memory_space<hbm>> -> memref<1000000x32xf32, #tpu.memory_space<hbm>>
    tpu.enqueue_indirect_dma source(%dma_start3A_849 : memref<1000000x32xf32, #tpu.memory_space<hbm>>) target(%dma_start3A_843 : memref<200x32xf32, #tpu.memory_space<vmem>>) offsets(%dma_start3A_846 : memref<200xi32, #tpu.memory_space<vmem>>) semaphore(%arg10 : memref<!tpu.dma_semaphore, #tpu.memory_space<semaphore_mem>>)
    %dma_wait3A_850 = arith.constant 1 : i32
    %dma_wait3A_851 = arith.constant 0 : i32
    %dma_wait3A_852 = arith.constant 1 : i32
    %dma_wait3A_853 = arith.constant 0 : i32
    %dma_wait3A_854 = arith.constant 0 : i32
    %dma_wait3A_855 = tpu.memref_slice %arg6[%dma_wait3A_852, %dma_wait3A_853, %dma_wait3A_854] : memref<4x800x32xf32, #tpu.memory_space<vmem>> -> memref<1x200x32xf32, #tpu.memory_space<vmem>>
    %dma_wait3A_856 = tpu.memref_squeeze %dma_wait3A_855 : memref<1x200x32xf32, #tpu.memory_space<vmem>> -> memref<200x32xf32, #tpu.memory_space<vmem>>
    %dma_wait3A_857 = arith.constant 0 : i32
    %dma_wait3A_858 = tpu.memref_slice %arg5[%dma_wait3A_850, %dma_wait3A_851, %dma_wait3A_857] : memref<4x4x200xi32, #tpu.memory_space<vmem>> -> memref<1x1x200xi32, #tpu.memory_space<vmem>>
    %dma_wait3A_859 = tpu.memref_squeeze %dma_wait3A_858 : memref<1x1x200xi32, #tpu.memory_space<vmem>> -> memref<200xi32, #tpu.memory_space<vmem>>
    %dma_wait3A_860 = arith.constant 0 : i32
    %dma_wait3A_861 = arith.constant 0 : i32
    %dma_wait3A_862 = tpu.memref_slice %arg3[%dma_wait3A_860, %dma_wait3A_861] : memref<1000000x32xf32, #tpu.memory_space<hbm>> -> memref<1000000x32xf32, #tpu.memory_space<hbm>>
    tpu.wait_indirect_dma semaphore(%arg8 : memref<!tpu.dma_semaphore, #tpu.memory_space<semaphore_mem>>) src(%dma_wait3A_862 : memref<1000000x32xf32, #tpu.memory_space<hbm>>) dst(%dma_wait3A_856 : memref<200x32xf32, #tpu.memory_space<vmem>>)
    %dma_wait3A_863 = arith.constant 1 : i32
    %dma_wait3A_864 = arith.constant 1 : i32
    %dma_wait3A_865 = arith.constant 1 : i32
    %dma_wait3A_866 = arith.constant 200 : i32
    %dma_wait3A_867 = arith.constant 0 : i32
    %dma_wait3A_868 = tpu.memref_slice %arg6[%dma_wait3A_865, %dma_wait3A_866, %dma_wait3A_867] : memref<4x800x32xf32, #tpu.memory_space<vmem>> -> memref<1x200x32xf32, #tpu.memory_space<vmem>>
    %dma_wait3A_869 = tpu.memref_squeeze %dma_wait3A_868 : memref<1x200x32xf32, #tpu.memory_space<vmem>> -> memref<200x32xf32, #tpu.memory_space<vmem>>
    %dma_wait3A_870 = arith.constant 0 : i32
    %dma_wait3A_871 = tpu.memref_slice %arg5[%dma_wait3A_863, %dma_wait3A_864, %dma_wait3A_870] : memref<4x4x200xi32, #tpu.memory_space<vmem>> -> memref<1x1x200xi32, #tpu.memory_space<vmem>>
    %dma_wait3A_872 = tpu.memref_squeeze %dma_wait3A_871 : memref<1x1x200xi32, #tpu.memory_space<vmem>> -> memref<200xi32, #tpu.memory_space<vmem>>
    %dma_wait3A_873 = arith.constant 0 : i32
    %dma_wait3A_874 = arith.constant 0 : i32
    %dma_wait3A_875 = tpu.memref_slice %arg3[%dma_wait3A_873, %dma_wait3A_874] : memref<1000000x32xf32, #tpu.memory_space<hbm>> -> memref<1000000x32xf32, #tpu.memory_space<hbm>>
    tpu.wait_indirect_dma semaphore(%arg8 : memref<!tpu.dma_semaphore, #tpu.memory_space<semaphore_mem>>) src(%dma_wait3A_875 : memref<1000000x32xf32, #tpu.memory_space<hbm>>) dst(%dma_wait3A_869 : memref<200x32xf32, #tpu.memory_space<vmem>>)
    %dma_wait3A_876 = arith.constant 1 : i32
    %dma_wait3A_877 = arith.constant 2 : i32
    %dma_wait3A_878 = arith.constant 1 : i32
    %dma_wait3A_879 = arith.constant 400 : i32
    %dma_wait3A_880 = arith.constant 0 : i32
    %dma_wait3A_881 = tpu.memref_slice %arg6[%dma_wait3A_878, %dma_wait3A_879, %dma_wait3A_880] : memref<4x800x32xf32, #tpu.memory_space<vmem>> -> memref<1x200x32xf32, #tpu.memory_space<vmem>>
    %dma_wait3A_882 = tpu.memref_squeeze %dma_wait3A_881 : memref<1x200x32xf32, #tpu.memory_space<vmem>> -> memref<200x32xf32, #tpu.memory_space<vmem>>
    %dma_wait3A_883 = arith.constant 0 : i32
    %dma_wait3A_884 = tpu.memref_slice %arg5[%dma_wait3A_876, %dma_wait3A_877, %dma_wait3A_883] : memref<4x4x200xi32, #tpu.memory_space<vmem>> -> memref<1x1x200xi32, #tpu.memory_space<vmem>>
    %dma_wait3A_885 = tpu.memref_squeeze %dma_wait3A_884 : memref<1x1x200xi32, #tpu.memory_space<vmem>> -> memref<200xi32, #tpu.memory_space<vmem>>
    %dma_wait3A_886 = arith.constant 0 : i32
    %dma_wait3A_887 = arith.constant 0 : i32
    %dma_wait3A_888 = tpu.memref_slice %arg3[%dma_wait3A_886, %dma_wait3A_887] : memref<1000000x32xf32, #tpu.memory_space<hbm>> -> memref<1000000x32xf32, #tpu.memory_space<hbm>>
    tpu.wait_indirect_dma semaphore(%arg8 : memref<!tpu.dma_semaphore, #tpu.memory_space<semaphore_mem>>) src(%dma_wait3A_888 : memref<1000000x32xf32, #tpu.memory_space<hbm>>) dst(%dma_wait3A_882 : memref<200x32xf32, #tpu.memory_space<vmem>>)
    %dma_wait3A_889 = arith.constant 1 : i32
    %dma_wait3A_890 = arith.constant 3 : i32
    %dma_wait3A_891 = arith.constant 1 : i32
    %dma_wait3A_892 = arith.constant 600 : i32
    %dma_wait3A_893 = arith.constant 0 : i32
    %dma_wait3A_894 = tpu.memref_slice %arg6[%dma_wait3A_891, %dma_wait3A_892, %dma_wait3A_893] : memref<4x800x32xf32, #tpu.memory_space<vmem>> -> memref<1x200x32xf32, #tpu.memory_space<vmem>>
    %dma_wait3A_895 = tpu.memref_squeeze %dma_wait3A_894 : memref<1x200x32xf32, #tpu.memory_space<vmem>> -> memref<200x32xf32, #tpu.memory_space<vmem>>
    %dma_wait3A_896 = arith.constant 0 : i32
    %dma_wait3A_897 = tpu.memref_slice %arg5[%dma_wait3A_889, %dma_wait3A_890, %dma_wait3A_896] : memref<4x4x200xi32, #tpu.memory_space<vmem>> -> memref<1x1x200xi32, #tpu.memory_space<vmem>>
    %dma_wait3A_898 = tpu.memref_squeeze %dma_wait3A_897 : memref<1x1x200xi32, #tpu.memory_space<vmem>> -> memref<200xi32, #tpu.memory_space<vmem>>
    %dma_wait3A_899 = arith.constant 0 : i32
    %dma_wait3A_900 = arith.constant 0 : i32
    %dma_wait3A_901 = tpu.memref_slice %arg3[%dma_wait3A_899, %dma_wait3A_900] : memref<1000000x32xf32, #tpu.memory_space<hbm>> -> memref<1000000x32xf32, #tpu.memory_space<hbm>>
    tpu.wait_indirect_dma semaphore(%arg8 : memref<!tpu.dma_semaphore, #tpu.memory_space<semaphore_mem>>) src(%dma_wait3A_901 : memref<1000000x32xf32, #tpu.memory_space<hbm>>) dst(%dma_wait3A_895 : memref<200x32xf32, #tpu.memory_space<vmem>>)
    %add3A_902 = arith.constant 500 : i32
    %add3A_903 = arith.addi %mul3A_2, %add3A_902 : i32
    %mul3A_904 = arith.constant 200 : i32
    %mul3A_905 = arith.muli %add3A_903, %mul3A_904 : i32
    %dma_start3A_906 = arith.constant 1 : i32
    %dma_start3A_907 = arith.constant 0 : i32
    %dma_start3A_908 = arith.constant 0 : i32
    %dma_start3A_909 = tpu.memref_slice %arg6[%dma_start3A_906, %dma_start3A_907, %dma_start3A_908] : memref<4x800x32xf32, #tpu.memory_space<vmem>> -> memref<1x800x32xf32, #tpu.memory_space<vmem>>
    %dma_start3A_910 = tpu.memref_squeeze %dma_start3A_909 : memref<1x800x32xf32, #tpu.memory_space<vmem>> -> memref<800x32xf32, #tpu.memory_space<vmem>>
    %dma_start3A_911 = arith.constant 0 : i32
    %dma_start3A_912 = tpu.memref_slice %arg4[%mul3A_905, %dma_start3A_911] : memref<3276800x32xf32, #tpu.memory_space<hbm>> -> memref<800x32xf32, #tpu.memory_space<hbm>>
    %dma_start3A_913 = arith.constant 0 : i32
    %dma_start3A_914 = tpu.memref_slice %arg4[%mul3A_905, %dma_start3A_913] : memref<3276800x32xf32, #tpu.memory_space<hbm>> -> memref<800x32xf32, #tpu.memory_space<hbm>>
    %dma_start3A_915 = arith.constant 0 : i32
    %dma_start3A_916 = arith.constant 0 : i32
    %dma_start3A_917 = tpu.memref_slice %arg6[%dma_start3A_906, %dma_start3A_915, %dma_start3A_916] : memref<4x800x32xf32, #tpu.memory_space<vmem>> -> memref<1x800x32xf32, #tpu.memory_space<vmem>>
    %dma_start3A_918 = tpu.memref_squeeze %dma_start3A_917 : memref<1x800x32xf32, #tpu.memory_space<vmem>> -> memref<800x32xf32, #tpu.memory_space<vmem>>
    tpu.enqueue_dma source(%dma_start3A_918 : memref<800x32xf32, #tpu.memory_space<vmem>>) target(%dma_start3A_914 : memref<800x32xf32, #tpu.memory_space<hbm>>) target_semaphore(%arg12 : memref<!tpu.dma_semaphore, #tpu.memory_space<semaphore_mem>>)
    %dma_wait3A_919 = arith.constant 2 : i32
    %dma_wait3A_920 = arith.constant 0 : i32
    %dma_wait3A_921 = arith.constant 2 : i32
    %dma_wait3A_922 = arith.constant 0 : i32
    %dma_wait3A_923 = arith.constant 0 : i32
    %dma_wait3A_924 = tpu.memref_slice %arg6[%dma_wait3A_921, %dma_wait3A_922, %dma_wait3A_923] : memref<4x800x32xf32, #tpu.memory_space<vmem>> -> memref<1x200x32xf32, #tpu.memory_space<vmem>>
    %dma_wait3A_925 = tpu.memref_squeeze %dma_wait3A_924 : memref<1x200x32xf32, #tpu.memory_space<vmem>> -> memref<200x32xf32, #tpu.memory_space<vmem>>
    %dma_wait3A_926 = arith.constant 0 : i32
    %dma_wait3A_927 = tpu.memref_slice %arg5[%dma_wait3A_919, %dma_wait3A_920, %dma_wait3A_926] : memref<4x4x200xi32, #tpu.memory_space<vmem>> -> memref<1x1x200xi32, #tpu.memory_space<vmem>>
    %dma_wait3A_928 = tpu.memref_squeeze %dma_wait3A_927 : memref<1x1x200xi32, #tpu.memory_space<vmem>> -> memref<200xi32, #tpu.memory_space<vmem>>
    %dma_wait3A_929 = arith.constant 0 : i32
    %dma_wait3A_930 = arith.constant 0 : i32
    %dma_wait3A_931 = tpu.memref_slice %arg3[%dma_wait3A_929, %dma_wait3A_930] : memref<1000000x32xf32, #tpu.memory_space<hbm>> -> memref<1000000x32xf32, #tpu.memory_space<hbm>>
    tpu.wait_indirect_dma semaphore(%arg9 : memref<!tpu.dma_semaphore, #tpu.memory_space<semaphore_mem>>) src(%dma_wait3A_931 : memref<1000000x32xf32, #tpu.memory_space<hbm>>) dst(%dma_wait3A_925 : memref<200x32xf32, #tpu.memory_space<vmem>>)
    %dma_wait3A_932 = arith.constant 2 : i32
    %dma_wait3A_933 = arith.constant 1 : i32
    %dma_wait3A_934 = arith.constant 2 : i32
    %dma_wait3A_935 = arith.constant 200 : i32
    %dma_wait3A_936 = arith.constant 0 : i32
    %dma_wait3A_937 = tpu.memref_slice %arg6[%dma_wait3A_934, %dma_wait3A_935, %dma_wait3A_936] : memref<4x800x32xf32, #tpu.memory_space<vmem>> -> memref<1x200x32xf32, #tpu.memory_space<vmem>>
    %dma_wait3A_938 = tpu.memref_squeeze %dma_wait3A_937 : memref<1x200x32xf32, #tpu.memory_space<vmem>> -> memref<200x32xf32, #tpu.memory_space<vmem>>
    %dma_wait3A_939 = arith.constant 0 : i32
    %dma_wait3A_940 = tpu.memref_slice %arg5[%dma_wait3A_932, %dma_wait3A_933, %dma_wait3A_939] : memref<4x4x200xi32, #tpu.memory_space<vmem>> -> memref<1x1x200xi32, #tpu.memory_space<vmem>>
    %dma_wait3A_941 = tpu.memref_squeeze %dma_wait3A_940 : memref<1x1x200xi32, #tpu.memory_space<vmem>> -> memref<200xi32, #tpu.memory_space<vmem>>
    %dma_wait3A_942 = arith.constant 0 : i32
    %dma_wait3A_943 = arith.constant 0 : i32
    %dma_wait3A_944 = tpu.memref_slice %arg3[%dma_wait3A_942, %dma_wait3A_943] : memref<1000000x32xf32, #tpu.memory_space<hbm>> -> memref<1000000x32xf32, #tpu.memory_space<hbm>>
    tpu.wait_indirect_dma semaphore(%arg9 : memref<!tpu.dma_semaphore, #tpu.memory_space<semaphore_mem>>) src(%dma_wait3A_944 : memref<1000000x32xf32, #tpu.memory_space<hbm>>) dst(%dma_wait3A_938 : memref<200x32xf32, #tpu.memory_space<vmem>>)
    %dma_wait3A_945 = arith.constant 2 : i32
    %dma_wait3A_946 = arith.constant 2 : i32
    %dma_wait3A_947 = arith.constant 2 : i32
    %dma_wait3A_948 = arith.constant 400 : i32
    %dma_wait3A_949 = arith.constant 0 : i32
    %dma_wait3A_950 = tpu.memref_slice %arg6[%dma_wait3A_947, %dma_wait3A_948, %dma_wait3A_949] : memref<4x800x32xf32, #tpu.memory_space<vmem>> -> memref<1x200x32xf32, #tpu.memory_space<vmem>>
    %dma_wait3A_951 = tpu.memref_squeeze %dma_wait3A_950 : memref<1x200x32xf32, #tpu.memory_space<vmem>> -> memref<200x32xf32, #tpu.memory_space<vmem>>
    %dma_wait3A_952 = arith.constant 0 : i32
    %dma_wait3A_953 = tpu.memref_slice %arg5[%dma_wait3A_945, %dma_wait3A_946, %dma_wait3A_952] : memref<4x4x200xi32, #tpu.memory_space<vmem>> -> memref<1x1x200xi32, #tpu.memory_space<vmem>>
    %dma_wait3A_954 = tpu.memref_squeeze %dma_wait3A_953 : memref<1x1x200xi32, #tpu.memory_space<vmem>> -> memref<200xi32, #tpu.memory_space<vmem>>
    %dma_wait3A_955 = arith.constant 0 : i32
    %dma_wait3A_956 = arith.constant 0 : i32
    %dma_wait3A_957 = tpu.memref_slice %arg3[%dma_wait3A_955, %dma_wait3A_956] : memref<1000000x32xf32, #tpu.memory_space<hbm>> -> memref<1000000x32xf32, #tpu.memory_space<hbm>>
    tpu.wait_indirect_dma semaphore(%arg9 : memref<!tpu.dma_semaphore, #tpu.memory_space<semaphore_mem>>) src(%dma_wait3A_957 : memref<1000000x32xf32, #tpu.memory_space<hbm>>) dst(%dma_wait3A_951 : memref<200x32xf32, #tpu.memory_space<vmem>>)
    %dma_wait3A_958 = arith.constant 2 : i32
    %dma_wait3A_959 = arith.constant 3 : i32
    %dma_wait3A_960 = arith.constant 2 : i32
    %dma_wait3A_961 = arith.constant 600 : i32
    %dma_wait3A_962 = arith.constant 0 : i32
    %dma_wait3A_963 = tpu.memref_slice %arg6[%dma_wait3A_960, %dma_wait3A_961, %dma_wait3A_962] : memref<4x800x32xf32, #tpu.memory_space<vmem>> -> memref<1x200x32xf32, #tpu.memory_space<vmem>>
    %dma_wait3A_964 = tpu.memref_squeeze %dma_wait3A_963 : memref<1x200x32xf32, #tpu.memory_space<vmem>> -> memref<200x32xf32, #tpu.memory_space<vmem>>
    %dma_wait3A_965 = arith.constant 0 : i32
    %dma_wait3A_966 = tpu.memref_slice %arg5[%dma_wait3A_958, %dma_wait3A_959, %dma_wait3A_965] : memref<4x4x200xi32, #tpu.memory_space<vmem>> -> memref<1x1x200xi32, #tpu.memory_space<vmem>>
    %dma_wait3A_967 = tpu.memref_squeeze %dma_wait3A_966 : memref<1x1x200xi32, #tpu.memory_space<vmem>> -> memref<200xi32, #tpu.memory_space<vmem>>
    %dma_wait3A_968 = arith.constant 0 : i32
    %dma_wait3A_969 = arith.constant 0 : i32
    %dma_wait3A_970 = tpu.memref_slice %arg3[%dma_wait3A_968, %dma_wait3A_969] : memref<1000000x32xf32, #tpu.memory_space<hbm>> -> memref<1000000x32xf32, #tpu.memory_space<hbm>>
    tpu.wait_indirect_dma semaphore(%arg9 : memref<!tpu.dma_semaphore, #tpu.memory_space<semaphore_mem>>) src(%dma_wait3A_970 : memref<1000000x32xf32, #tpu.memory_space<hbm>>) dst(%dma_wait3A_964 : memref<200x32xf32, #tpu.memory_space<vmem>>)
    %add3A_971 = arith.constant 504 : i32
    %add3A_972 = arith.addi %mul3A_2, %add3A_971 : i32
    %mul3A_973 = arith.constant 200 : i32
    %mul3A_974 = arith.muli %add3A_972, %mul3A_973 : i32
    %dma_start3A_975 = arith.constant 2 : i32
    %dma_start3A_976 = arith.constant 0 : i32
    %dma_start3A_977 = arith.constant 0 : i32
    %dma_start3A_978 = tpu.memref_slice %arg6[%dma_start3A_975, %dma_start3A_976, %dma_start3A_977] : memref<4x800x32xf32, #tpu.memory_space<vmem>> -> memref<1x800x32xf32, #tpu.memory_space<vmem>>
    %dma_start3A_979 = tpu.memref_squeeze %dma_start3A_978 : memref<1x800x32xf32, #tpu.memory_space<vmem>> -> memref<800x32xf32, #tpu.memory_space<vmem>>
    %dma_start3A_980 = arith.constant 0 : i32
    %dma_start3A_981 = tpu.memref_slice %arg4[%mul3A_974, %dma_start3A_980] : memref<3276800x32xf32, #tpu.memory_space<hbm>> -> memref<800x32xf32, #tpu.memory_space<hbm>>
    %dma_start3A_982 = arith.constant 0 : i32
    %dma_start3A_983 = tpu.memref_slice %arg4[%mul3A_974, %dma_start3A_982] : memref<3276800x32xf32, #tpu.memory_space<hbm>> -> memref<800x32xf32, #tpu.memory_space<hbm>>
    %dma_start3A_984 = arith.constant 0 : i32
    %dma_start3A_985 = arith.constant 0 : i32
    %dma_start3A_986 = tpu.memref_slice %arg6[%dma_start3A_975, %dma_start3A_984, %dma_start3A_985] : memref<4x800x32xf32, #tpu.memory_space<vmem>> -> memref<1x800x32xf32, #tpu.memory_space<vmem>>
    %dma_start3A_987 = tpu.memref_squeeze %dma_start3A_986 : memref<1x800x32xf32, #tpu.memory_space<vmem>> -> memref<800x32xf32, #tpu.memory_space<vmem>>
    tpu.enqueue_dma source(%dma_start3A_987 : memref<800x32xf32, #tpu.memory_space<vmem>>) target(%dma_start3A_983 : memref<800x32xf32, #tpu.memory_space<hbm>>) target_semaphore(%arg13 : memref<!tpu.dma_semaphore, #tpu.memory_space<semaphore_mem>>)
    %dma_wait3A_988 = arith.constant 3 : i32
    %dma_wait3A_989 = arith.constant 0 : i32
    %dma_wait3A_990 = arith.constant 3 : i32
    %dma_wait3A_991 = arith.constant 0 : i32
    %dma_wait3A_992 = arith.constant 0 : i32
    %dma_wait3A_993 = tpu.memref_slice %arg6[%dma_wait3A_990, %dma_wait3A_991, %dma_wait3A_992] : memref<4x800x32xf32, #tpu.memory_space<vmem>> -> memref<1x200x32xf32, #tpu.memory_space<vmem>>
    %dma_wait3A_994 = tpu.memref_squeeze %dma_wait3A_993 : memref<1x200x32xf32, #tpu.memory_space<vmem>> -> memref<200x32xf32, #tpu.memory_space<vmem>>
    %dma_wait3A_995 = arith.constant 0 : i32
    %dma_wait3A_996 = tpu.memref_slice %arg5[%dma_wait3A_988, %dma_wait3A_989, %dma_wait3A_995] : memref<4x4x200xi32, #tpu.memory_space<vmem>> -> memref<1x1x200xi32, #tpu.memory_space<vmem>>
    %dma_wait3A_997 = tpu.memref_squeeze %dma_wait3A_996 : memref<1x1x200xi32, #tpu.memory_space<vmem>> -> memref<200xi32, #tpu.memory_space<vmem>>
    %dma_wait3A_998 = arith.constant 0 : i32
    %dma_wait3A_999 = arith.constant 0 : i32
    %dma_wait3A_1000 = tpu.memref_slice %arg3[%dma_wait3A_998, %dma_wait3A_999] : memref<1000000x32xf32, #tpu.memory_space<hbm>> -> memref<1000000x32xf32, #tpu.memory_space<hbm>>
    tpu.wait_indirect_dma semaphore(%arg10 : memref<!tpu.dma_semaphore, #tpu.memory_space<semaphore_mem>>) src(%dma_wait3A_1000 : memref<1000000x32xf32, #tpu.memory_space<hbm>>) dst(%dma_wait3A_994 : memref<200x32xf32, #tpu.memory_space<vmem>>)
    %dma_wait3A_1001 = arith.constant 3 : i32
    %dma_wait3A_1002 = arith.constant 1 : i32
    %dma_wait3A_1003 = arith.constant 3 : i32
    %dma_wait3A_1004 = arith.constant 200 : i32
    %dma_wait3A_1005 = arith.constant 0 : i32
    %dma_wait3A_1006 = tpu.memref_slice %arg6[%dma_wait3A_1003, %dma_wait3A_1004, %dma_wait3A_1005] : memref<4x800x32xf32, #tpu.memory_space<vmem>> -> memref<1x200x32xf32, #tpu.memory_space<vmem>>
    %dma_wait3A_1007 = tpu.memref_squeeze %dma_wait3A_1006 : memref<1x200x32xf32, #tpu.memory_space<vmem>> -> memref<200x32xf32, #tpu.memory_space<vmem>>
    %dma_wait3A_1008 = arith.constant 0 : i32
    %dma_wait3A_1009 = tpu.memref_slice %arg5[%dma_wait3A_1001, %dma_wait3A_1002, %dma_wait3A_1008] : memref<4x4x200xi32, #tpu.memory_space<vmem>> -> memref<1x1x200xi32, #tpu.memory_space<vmem>>
    %dma_wait3A_1010 = tpu.memref_squeeze %dma_wait3A_1009 : memref<1x1x200xi32, #tpu.memory_space<vmem>> -> memref<200xi32, #tpu.memory_space<vmem>>
    %dma_wait3A_1011 = arith.constant 0 : i32
    %dma_wait3A_1012 = arith.constant 0 : i32
    %dma_wait3A_1013 = tpu.memref_slice %arg3[%dma_wait3A_1011, %dma_wait3A_1012] : memref<1000000x32xf32, #tpu.memory_space<hbm>> -> memref<1000000x32xf32, #tpu.memory_space<hbm>>
    tpu.wait_indirect_dma semaphore(%arg10 : memref<!tpu.dma_semaphore, #tpu.memory_space<semaphore_mem>>) src(%dma_wait3A_1013 : memref<1000000x32xf32, #tpu.memory_space<hbm>>) dst(%dma_wait3A_1007 : memref<200x32xf32, #tpu.memory_space<vmem>>)
    %dma_wait3A_1014 = arith.constant 3 : i32
    %dma_wait3A_1015 = arith.constant 2 : i32
    %dma_wait3A_1016 = arith.constant 3 : i32
    %dma_wait3A_1017 = arith.constant 400 : i32
    %dma_wait3A_1018 = arith.constant 0 : i32
    %dma_wait3A_1019 = tpu.memref_slice %arg6[%dma_wait3A_1016, %dma_wait3A_1017, %dma_wait3A_1018] : memref<4x800x32xf32, #tpu.memory_space<vmem>> -> memref<1x200x32xf32, #tpu.memory_space<vmem>>
    %dma_wait3A_1020 = tpu.memref_squeeze %dma_wait3A_1019 : memref<1x200x32xf32, #tpu.memory_space<vmem>> -> memref<200x32xf32, #tpu.memory_space<vmem>>
    %dma_wait3A_1021 = arith.constant 0 : i32
    %dma_wait3A_1022 = tpu.memref_slice %arg5[%dma_wait3A_1014, %dma_wait3A_1015, %dma_wait3A_1021] : memref<4x4x200xi32, #tpu.memory_space<vmem>> -> memref<1x1x200xi32, #tpu.memory_space<vmem>>
    %dma_wait3A_1023 = tpu.memref_squeeze %dma_wait3A_1022 : memref<1x1x200xi32, #tpu.memory_space<vmem>> -> memref<200xi32, #tpu.memory_space<vmem>>
    %dma_wait3A_1024 = arith.constant 0 : i32
    %dma_wait3A_1025 = arith.constant 0 : i32
    %dma_wait3A_1026 = tpu.memref_slice %arg3[%dma_wait3A_1024, %dma_wait3A_1025] : memref<1000000x32xf32, #tpu.memory_space<hbm>> -> memref<1000000x32xf32, #tpu.memory_space<hbm>>
    tpu.wait_indirect_dma semaphore(%arg10 : memref<!tpu.dma_semaphore, #tpu.memory_space<semaphore_mem>>) src(%dma_wait3A_1026 : memref<1000000x32xf32, #tpu.memory_space<hbm>>) dst(%dma_wait3A_1020 : memref<200x32xf32, #tpu.memory_space<vmem>>)
    %dma_wait3A_1027 = arith.constant 3 : i32
    %dma_wait3A_1028 = arith.constant 3 : i32
    %dma_wait3A_1029 = arith.constant 3 : i32
    %dma_wait3A_1030 = arith.constant 600 : i32
    %dma_wait3A_1031 = arith.constant 0 : i32
    %dma_wait3A_1032 = tpu.memref_slice %arg6[%dma_wait3A_1029, %dma_wait3A_1030, %dma_wait3A_1031] : memref<4x800x32xf32, #tpu.memory_space<vmem>> -> memref<1x200x32xf32, #tpu.memory_space<vmem>>
    %dma_wait3A_1033 = tpu.memref_squeeze %dma_wait3A_1032 : memref<1x200x32xf32, #tpu.memory_space<vmem>> -> memref<200x32xf32, #tpu.memory_space<vmem>>
    %dma_wait3A_1034 = arith.constant 0 : i32
    %dma_wait3A_1035 = tpu.memref_slice %arg5[%dma_wait3A_1027, %dma_wait3A_1028, %dma_wait3A_1034] : memref<4x4x200xi32, #tpu.memory_space<vmem>> -> memref<1x1x200xi32, #tpu.memory_space<vmem>>
    %dma_wait3A_1036 = tpu.memref_squeeze %dma_wait3A_1035 : memref<1x1x200xi32, #tpu.memory_space<vmem>> -> memref<200xi32, #tpu.memory_space<vmem>>
    %dma_wait3A_1037 = arith.constant 0 : i32
    %dma_wait3A_1038 = arith.constant 0 : i32
    %dma_wait3A_1039 = tpu.memref_slice %arg3[%dma_wait3A_1037, %dma_wait3A_1038] : memref<1000000x32xf32, #tpu.memory_space<hbm>> -> memref<1000000x32xf32, #tpu.memory_space<hbm>>
    tpu.wait_indirect_dma semaphore(%arg10 : memref<!tpu.dma_semaphore, #tpu.memory_space<semaphore_mem>>) src(%dma_wait3A_1039 : memref<1000000x32xf32, #tpu.memory_space<hbm>>) dst(%dma_wait3A_1033 : memref<200x32xf32, #tpu.memory_space<vmem>>)
    %add3A_1040 = arith.constant 508 : i32
    %add3A_1041 = arith.addi %mul3A_2, %add3A_1040 : i32
    %mul3A_1042 = arith.constant 200 : i32
    %mul3A_1043 = arith.muli %add3A_1041, %mul3A_1042 : i32
    %dma_start3A_1044 = arith.constant 3 : i32
    %dma_start3A_1045 = arith.constant 0 : i32
    %dma_start3A_1046 = arith.constant 0 : i32
    %dma_start3A_1047 = tpu.memref_slice %arg6[%dma_start3A_1044, %dma_start3A_1045, %dma_start3A_1046] : memref<4x800x32xf32, #tpu.memory_space<vmem>> -> memref<1x800x32xf32, #tpu.memory_space<vmem>>
    %dma_start3A_1048 = tpu.memref_squeeze %dma_start3A_1047 : memref<1x800x32xf32, #tpu.memory_space<vmem>> -> memref<800x32xf32, #tpu.memory_space<vmem>>
    %dma_start3A_1049 = arith.constant 0 : i32
    %dma_start3A_1050 = tpu.memref_slice %arg4[%mul3A_1043, %dma_start3A_1049] : memref<3276800x32xf32, #tpu.memory_space<hbm>> -> memref<800x32xf32, #tpu.memory_space<hbm>>
    %dma_start3A_1051 = arith.constant 0 : i32
    %dma_start3A_1052 = tpu.memref_slice %arg4[%mul3A_1043, %dma_start3A_1051] : memref<3276800x32xf32, #tpu.memory_space<hbm>> -> memref<800x32xf32, #tpu.memory_space<hbm>>
    %dma_start3A_1053 = arith.constant 0 : i32
    %dma_start3A_1054 = arith.constant 0 : i32
    %dma_start3A_1055 = tpu.memref_slice %arg6[%dma_start3A_1044, %dma_start3A_1053, %dma_start3A_1054] : memref<4x800x32xf32, #tpu.memory_space<vmem>> -> memref<1x800x32xf32, #tpu.memory_space<vmem>>
    %dma_start3A_1056 = tpu.memref_squeeze %dma_start3A_1055 : memref<1x800x32xf32, #tpu.memory_space<vmem>> -> memref<800x32xf32, #tpu.memory_space<vmem>>
    tpu.enqueue_dma source(%dma_start3A_1056 : memref<800x32xf32, #tpu.memory_space<vmem>>) target(%dma_start3A_1052 : memref<800x32xf32, #tpu.memory_space<hbm>>) target_semaphore(%arg14 : memref<!tpu.dma_semaphore, #tpu.memory_space<semaphore_mem>>)
    %mul3A_1057 = arith.constant 200 : i32
    %mul3A_1058 = arith.muli %mul3A_2, %mul3A_1057 : i32
    %dma_wait3A_1059 = arith.constant 0 : i32
    %dma_wait3A_1060 = arith.constant 0 : i32
    %dma_wait3A_1061 = arith.constant 0 : i32
    %dma_wait3A_1062 = tpu.memref_slice %arg6[%dma_wait3A_1059, %dma_wait3A_1060, %dma_wait3A_1061] : memref<4x800x32xf32, #tpu.memory_space<vmem>> -> memref<1x800x32xf32, #tpu.memory_space<vmem>>
    %dma_wait3A_1063 = tpu.memref_squeeze %dma_wait3A_1062 : memref<1x800x32xf32, #tpu.memory_space<vmem>> -> memref<800x32xf32, #tpu.memory_space<vmem>>
    %dma_wait3A_1064 = arith.constant 0 : i32
    %dma_wait3A_1065 = tpu.memref_slice %arg4[%mul3A_1058, %dma_wait3A_1064] : memref<3276800x32xf32, #tpu.memory_space<hbm>> -> memref<800x32xf32, #tpu.memory_space<hbm>>
    %dma_wait3A_1066 = arith.constant 0 : i32
    %dma_wait3A_1067 = tpu.memref_slice %arg4[%mul3A_1058, %dma_wait3A_1066] : memref<3276800x32xf32, #tpu.memory_space<hbm>> -> memref<800x32xf32, #tpu.memory_space<hbm>>
    %dma_wait3A_1068 = arith.constant 0 : i32
    %dma_wait3A_1069 = arith.constant 0 : i32
    %dma_wait3A_1070 = tpu.memref_slice %arg6[%dma_wait3A_1059, %dma_wait3A_1068, %dma_wait3A_1069] : memref<4x800x32xf32, #tpu.memory_space<vmem>> -> memref<1x800x32xf32, #tpu.memory_space<vmem>>
    %dma_wait3A_1071 = tpu.memref_squeeze %dma_wait3A_1070 : memref<1x800x32xf32, #tpu.memory_space<vmem>> -> memref<800x32xf32, #tpu.memory_space<vmem>>
    tpu.wait_dma2 semaphore(%arg11 : memref<!tpu.dma_semaphore, #tpu.memory_space<semaphore_mem>>) src(%dma_wait3A_1071 : memref<800x32xf32, #tpu.memory_space<vmem>>) dst(%dma_wait3A_1067 : memref<800x32xf32, #tpu.memory_space<hbm>>)
    %mul3A_1072 = arith.constant 200 : i32
    %mul3A_1073 = arith.muli %mul3A_2, %mul3A_1072 : i32
    %dma_wait3A_1074 = arith.constant 1 : i32
    %dma_wait3A_1075 = arith.constant 0 : i32
    %dma_wait3A_1076 = arith.constant 0 : i32
    %dma_wait3A_1077 = tpu.memref_slice %arg6[%dma_wait3A_1074, %dma_wait3A_1075, %dma_wait3A_1076] : memref<4x800x32xf32, #tpu.memory_space<vmem>> -> memref<1x800x32xf32, #tpu.memory_space<vmem>>
    %dma_wait3A_1078 = tpu.memref_squeeze %dma_wait3A_1077 : memref<1x800x32xf32, #tpu.memory_space<vmem>> -> memref<800x32xf32, #tpu.memory_space<vmem>>
    %dma_wait3A_1079 = arith.constant 0 : i32
    %dma_wait3A_1080 = tpu.memref_slice %arg4[%mul3A_1073, %dma_wait3A_1079] : memref<3276800x32xf32, #tpu.memory_space<hbm>> -> memref<800x32xf32, #tpu.memory_space<hbm>>
    %dma_wait3A_1081 = arith.constant 0 : i32
    %dma_wait3A_1082 = tpu.memref_slice %arg4[%mul3A_1073, %dma_wait3A_1081] : memref<3276800x32xf32, #tpu.memory_space<hbm>> -> memref<800x32xf32, #tpu.memory_space<hbm>>
    %dma_wait3A_1083 = arith.constant 0 : i32
    %dma_wait3A_1084 = arith.constant 0 : i32
    %dma_wait3A_1085 = tpu.memref_slice %arg6[%dma_wait3A_1074, %dma_wait3A_1083, %dma_wait3A_1084] : memref<4x800x32xf32, #tpu.memory_space<vmem>> -> memref<1x800x32xf32, #tpu.memory_space<vmem>>
    %dma_wait3A_1086 = tpu.memref_squeeze %dma_wait3A_1085 : memref<1x800x32xf32, #tpu.memory_space<vmem>> -> memref<800x32xf32, #tpu.memory_space<vmem>>
    tpu.wait_dma2 semaphore(%arg12 : memref<!tpu.dma_semaphore, #tpu.memory_space<semaphore_mem>>) src(%dma_wait3A_1086 : memref<800x32xf32, #tpu.memory_space<vmem>>) dst(%dma_wait3A_1082 : memref<800x32xf32, #tpu.memory_space<hbm>>)
    %mul3A_1087 = arith.constant 200 : i32
    %mul3A_1088 = arith.muli %mul3A_2, %mul3A_1087 : i32
    %dma_wait3A_1089 = arith.constant 2 : i32
    %dma_wait3A_1090 = arith.constant 0 : i32
    %dma_wait3A_1091 = arith.constant 0 : i32
    %dma_wait3A_1092 = tpu.memref_slice %arg6[%dma_wait3A_1089, %dma_wait3A_1090, %dma_wait3A_1091] : memref<4x800x32xf32, #tpu.memory_space<vmem>> -> memref<1x800x32xf32, #tpu.memory_space<vmem>>
    %dma_wait3A_1093 = tpu.memref_squeeze %dma_wait3A_1092 : memref<1x800x32xf32, #tpu.memory_space<vmem>> -> memref<800x32xf32, #tpu.memory_space<vmem>>
    %dma_wait3A_1094 = arith.constant 0 : i32
    %dma_wait3A_1095 = tpu.memref_slice %arg4[%mul3A_1088, %dma_wait3A_1094] : memref<3276800x32xf32, #tpu.memory_space<hbm>> -> memref<800x32xf32, #tpu.memory_space<hbm>>
    %dma_wait3A_1096 = arith.constant 0 : i32
    %dma_wait3A_1097 = tpu.memref_slice %arg4[%mul3A_1088, %dma_wait3A_1096] : memref<3276800x32xf32, #tpu.memory_space<hbm>> -> memref<800x32xf32, #tpu.memory_space<hbm>>
    %dma_wait3A_1098 = arith.constant 0 : i32
    %dma_wait3A_1099 = arith.constant 0 : i32
    %dma_wait3A_1100 = tpu.memref_slice %arg6[%dma_wait3A_1089, %dma_wait3A_1098, %dma_wait3A_1099] : memref<4x800x32xf32, #tpu.memory_space<vmem>> -> memref<1x800x32xf32, #tpu.memory_space<vmem>>
    %dma_wait3A_1101 = tpu.memref_squeeze %dma_wait3A_1100 : memref<1x800x32xf32, #tpu.memory_space<vmem>> -> memref<800x32xf32, #tpu.memory_space<vmem>>
    tpu.wait_dma2 semaphore(%arg13 : memref<!tpu.dma_semaphore, #tpu.memory_space<semaphore_mem>>) src(%dma_wait3A_1101 : memref<800x32xf32, #tpu.memory_space<vmem>>) dst(%dma_wait3A_1097 : memref<800x32xf32, #tpu.memory_space<hbm>>)
    %mul3A_1102 = arith.constant 200 : i32
    %mul3A_1103 = arith.muli %mul3A_2, %mul3A_1102 : i32
    %dma_wait3A_1104 = arith.constant 3 : i32
    %dma_wait3A_1105 = arith.constant 0 : i32
    %dma_wait3A_1106 = arith.constant 0 : i32
    %dma_wait3A_1107 = tpu.memref_slice %arg6[%dma_wait3A_1104, %dma_wait3A_1105, %dma_wait3A_1106] : memref<4x800x32xf32, #tpu.memory_space<vmem>> -> memref<1x800x32xf32, #tpu.memory_space<vmem>>
    %dma_wait3A_1108 = tpu.memref_squeeze %dma_wait3A_1107 : memref<1x800x32xf32, #tpu.memory_space<vmem>> -> memref<800x32xf32, #tpu.memory_space<vmem>>
    %dma_wait3A_1109 = arith.constant 0 : i32
    %dma_wait3A_1110 = tpu.memref_slice %arg4[%mul3A_1103, %dma_wait3A_1109] : memref<3276800x32xf32, #tpu.memory_space<hbm>> -> memref<800x32xf32, #tpu.memory_space<hbm>>
    %dma_wait3A_1111 = arith.constant 0 : i32
    %dma_wait3A_1112 = tpu.memref_slice %arg4[%mul3A_1103, %dma_wait3A_1111] : memref<3276800x32xf32, #tpu.memory_space<hbm>> -> memref<800x32xf32, #tpu.memory_space<hbm>>
    %dma_wait3A_1113 = arith.constant 0 : i32
    %dma_wait3A_1114 = arith.constant 0 : i32
    %dma_wait3A_1115 = tpu.memref_slice %arg6[%dma_wait3A_1104, %dma_wait3A_1113, %dma_wait3A_1114] : memref<4x800x32xf32, #tpu.memory_space<vmem>> -> memref<1x800x32xf32, #tpu.memory_space<vmem>>
    %dma_wait3A_1116 = tpu.memref_squeeze %dma_wait3A_1115 : memref<1x800x32xf32, #tpu.memory_space<vmem>> -> memref<800x32xf32, #tpu.memory_space<vmem>>
    tpu.wait_dma2 semaphore(%arg14 : memref<!tpu.dma_semaphore, #tpu.memory_space<semaphore_mem>>) src(%dma_wait3A_1116 : memref<800x32xf32, #tpu.memory_space<vmem>>) dst(%dma_wait3A_1112 : memref<800x32xf32, #tpu.memory_space<hbm>>)
    return
  }
}

module attributes {stable_mosaic.version = 14 : i64} {
  func.func @_transpose_body(%arg0: i32, %arg1: memref<6400x128xf32, #tpu.memory_space<vmem>>, %arg2: memref<6400x128xf32, #tpu.memory_space<vmem>>) attributes {dimension_semantics = [#tpu.dimension_semantics<arbitrary>], iteration_bounds = array<i64: 128>, scalar_prefetch = 0 : i64, scratch_operands = 0 : i64, tpu.core_type = #tpu.core_type<tc>, window_params = [{transform_indices = @transform_0, window_bounds = array<i64: 6400, 128>}, {transform_indices = @transform_1, window_bounds = array<i64: 6400, 128>}]} {
    %get3A = arith.constant 0 : index
    %get3A_0 = arith.constant 0 : index
    %get3A_1 = vector.load %arg1[%get3A, %get3A_0] : memref<6400x128xf32, #tpu.memory_space<vmem>>, vector<6400x128xf32>
    %reshape3A = vector.shape_cast %get3A_1 : vector<6400x128xf32> to vector<128x6400xf32>
    %transpose3A = tpu.transpose %reshape3A, [1, 0] : vector<128x6400xf32> -> vector<6400x128xf32>
    %swap3A = arith.constant 0 : index
    %swap3A_2 = arith.constant 0 : index
    %swap3A_3 = vector.load %arg2[%swap3A, %swap3A_2] : memref<6400x128xf32, #tpu.memory_space<vmem>>, vector<6400x128xf32>
    tpu.vector_store %arg2[%swap3A, %swap3A_2], %transpose3A {strides = array<i32>} : memref<6400x128xf32, #tpu.memory_space<vmem>>, vector<6400x128xf32>,
    return
  }
  func.func @transform_0(%arg0: i32) -> (i32, i32) {
    %c0_i32 = arith.constant 0 : i32
    %c0_i32_0 = arith.constant 0 : i32
    return %arg0, %c0_i32 : i32, i32
  }
  func.func @transform_1(%arg0: i32) -> (i32, i32) {
    %c0_i32 = arith.constant 0 : i32
    %c0_i32_0 = arith.constant 0 : i32
    return %c0_i32, %arg0 : i32, i32
  }
}

</mosaic_0001>

<sc_bundles>
// kernel: kernel.4.cloned.1.call-start
scs
__scs_entry_jumppad:
0x0: {  	(pc) =	sbr.rel $0x88, $3  }
0x1: {  	(tag) =	ssettag $0x0;
	lr =	simm.s32 $0x1  }
0x2: {  	[smem:$0x3F9F] =	sst lr;
	_ =	strace $0xD0000000  }
0x3: {  	_ = 	snop  }
0x4: {  	_ = 	snop  }
0x5: {  	_ = 	snop  }
0x6: {  	_ = 	snop  }
0x7: {  	_ = 	snop  }
__scs_overlays_trampoline_lowered:
0x8: {  	[smem:$0x3FAE] =	sst s0  }
0x9: {  	[smem:$0x3FAF] =	sst s1  }
0xa: {  	[smem:$0x3FB0] =	sst s2  }
0xb: {  	[smem:$0x3FB1] =	sst s3  }
0xc: {  	[smem:$0x3FB2] =	sst s4  }
0xd: {  	[smem:$0x3FB3] =	sst s5  }
0xe: {  	[smem:$0x3FB4] =	sst s6  }
0xf: {  	[smem:$0x3FB5] =	sst s7  }
0x10: {  	[smem:$0x3FB6] =	sst s8  }
0x11: {  	[smem:$0x3FB7] =	sst s9;
	s0 =	simm.s32 @!p0 $0x0  }
0x12: {  	s1 =	sld [smem:$0x3F9D];
	s0 =	simm.s32 @p0 $0x1  }
0x13: {  	[smem:$0x3FB8] =	sst s0;
	s0 =	simm.s32 @!p1 $0x0  }
0x14: {  	s2 =	sld [smem:$0x3F9C];
	s0 =	simm.s32 @p1 $0x1  }
0x15: {  	[smem:$0x3FB9] =	sst s0;
	s0 =	simm.s32 @!p2 $0x0  }
0x16: {  	s3 =	sld [smem:$0x3FDB];
	s0 =	simm.s32 @p2 $0x1  }
0x17: {  	s4 =	simm.s32 $0x1BF5;
	[smem:$0x3FBB] =	sst s0  }
0x18: {  	s0 =	sld [smem:$0x3F9E];
	_ =	swait.ge [sflag:s4], $0x0  }
0x19: {  	s7 =	sld [smem:$0x3F9F]  }
0x1a: {  	s8 =	sadd.s32 $0xFFFFE003, lr  }
0x1b: {  	s9 =	sadd.s32 $0xFFFFFEF7, lr;
	s5 =	simm.s32 $0xFFFFFFFF;
	p2 =	slt.u32 s8, $0xFFFFF086  }
0x1c: {  	p1 =	slt.u32 s9, $0xF7A;
	s5 =	simm.s32 @!p2 $0x0  }
0x1d: {  	s5 =	simm.s32 @p1 $0x1;
	p0 =	seq.s32 s7, s2  }
0x1e: {  	s7 =	smul.u32 @!p0 $0xF7A, s2;
	p2 =	seq.s32 @!p0 s5, $0x0  }
0x1f: {  	s9 =	smul.u32 $0xF7A, s1;
	s8 =	simm.s32 @!p0 $0x1BF5;
	p2 =	por !p2, p0  }
0x20: {  	[sflag:s8] =	ssyncset.s32 @!p0 $0xFFFFF086;
	s6 =	sadd.s32 @!p0 s3, s7;
	s7 =	simm.s32 @!p0 $0x108  }
0x21: {  	s3 =	sadd.s32 s3, s9;
	s6 =	sadd.s32 @!p0 $0x88, s6;
	s7 =	simm.s32 @p2 $0x1082  }
0x22: {  	[simem:s7], [sflag:s8] =	dma.local @!p0 [hbm:s6], $0xF7A  }
0x23: {  	s9 =	sor.u32 $0xD0000000, s2;
	s6 =	simm.s32 $0x108;
	_ =	swait.ge @!p0 [sflag:s8], $0x0  }
0x24: {  	s3 =	sadd.s32 $0x88, s3;
	s6 =	simm.s32 @!p1 $0x1082;
	[sflag:s4] =	ssyncset.s32 $0xFFFFF086  }
0x25: {  	[simem:s6], [sflag:s4] =	dma.local [hbm:s3], $0xF7A  }
0x26: {  	[smem:$0x3F9F] =	sst s1;
	(tag) =	ssettag s2;
	_ =	strace s9  }
0x27: {  	s1 =	sld [smem:$0x3FAF]  }
0x28: {  	s2 =	sld [smem:$0x3FB0]  }
0x29: {  	s4 =	sld [smem:$0x3FB2]  }
0x2a: {  	p0 =	seq.s32 s5, $0x0;
	s5 =	sld [smem:$0x3FB3]  }
0x2b: {  	s6 =	sld [smem:$0x3FB4]  }
0x2c: {  	s7 =	sld [smem:$0x3FB5]  }
0x2d: {  	s3 =	simm.s32 $0x108;
	s8 =	sld [smem:$0x3FB6]  }
0x2e: {  	s3 =	simm.s32 @!p0 $0x1082;
	s9 =	sld [smem:$0x3FB7]  }
0x2f: {  	lr =	sadd.s32 s0, s3;
	s0 =	sld [smem:$0x3FAE]  }
0x30: {  	s3 =	sld [smem:$0x3FB1]  }
0x31: {  	[smem:$0x3FBA] =	sst s10  }
0x32: {  	s10 =	sld [smem:$0x3FB8];
	_ =	sdelay $0x3  }
0x33: {  	p0 =	seq.s32 s10, $0x1;
	s10 =	sld [smem:$0x3FBA];
	_ =	sdelay $0x3  }
0x34: {  	[smem:$0x3FBA] =	sst s10  }
0x35: {  	s10 =	sld [smem:$0x3FB9];
	_ =	sdelay $0x3  }
0x36: {  	p1 =	seq.s32 s10, $0x1;
	s10 =	sld [smem:$0x3FBA];
	_ =	sdelay $0x3  }
0x37: {  	[smem:$0x3FBA] =	sst s10  }
0x38: {  	s10 =	sld [smem:$0x3FBB]  }
0x39: {  	_ = 	snop;
	(pc) =	sbr.ind lr, $3  }
0x3a: {  	_ = 	snop  }
0x3b: {  	_ = 	snop  }
0x3c: {  	p2 =	seq.s32 s10, $0x1;
	s10 =	sld [smem:$0x3FBA]  }
0x3d: {  	_ =	shalt  }
0x3e: {  	_ =	shalt  }
0x3f: {  	_ =	shalt  }
0x40: {  	_ =	shalt  }
0x41: {  	_ =	shalt  }
0x42: {  	_ =	shalt  }
0x43: {  	_ =	shalt  }
0x44: {  	_ =	shalt  }
0x45: {  	_ =	shalt  }
0x46: {  	_ =	shalt  }
0x47: {  	_ =	shalt  }
0x48: {  	_ =	shalt  }
0x49: {  	_ =	shalt  }
0x4a: {  	_ =	shalt  }
0x4b: {  	_ =	shalt  }
0x4c: {  	_ =	shalt  }
0x4d: {  	_ =	shalt  }
0x4e: {  	_ =	shalt  }
0x4f: {  	_ =	shalt  }
0x50: {  	_ =	shalt  }
0x51: {  	_ =	shalt  }
0x52: {  	_ =	shalt  }
0x53: {  	_ =	shalt  }
0x54: {  	_ =	shalt  }
0x55: {  	_ =	shalt  }
0x56: {  	_ =	shalt  }
0x57: {  	_ =	shalt  }
0x58: {  	_ =	shalt  }
0x59: {  	_ =	shalt  }
0x5a: {  	_ =	shalt  }
0x5b: {  	_ =	shalt  }
0x5c: {  	_ =	shalt  }
0x5d: {  	_ =	shalt  }
0x5e: {  	_ =	shalt  }
0x5f: {  	_ =	shalt  }
0x60: {  	_ =	shalt  }
0x61: {  	_ =	shalt  }
0x62: {  	_ =	shalt  }
0x63: {  	_ =	shalt  }
0x64: {  	_ =	shalt  }
0x65: {  	_ =	shalt  }
0x66: {  	_ =	shalt  }
0x67: {  	_ =	shalt  }
0x68: {  	_ =	shalt  }
0x69: {  	_ =	shalt  }
0x6a: {  	_ =	shalt  }
0x6b: {  	_ =	shalt  }
0x6c: {  	_ =	shalt  }
0x6d: {  	_ =	shalt  }
0x6e: {  	_ =	shalt  }
0x6f: {  	_ =	shalt  }
0x70: {  	_ =	shalt  }
0x71: {  	_ =	shalt  }
0x72: {  	_ =	shalt  }
0x73: {  	_ =	shalt  }
0x74: {  	_ =	shalt  }
0x75: {  	_ =	shalt  }
0x76: {  	_ =	shalt  }
0x77: {  	_ =	shalt  }
0x78: {  	_ =	shalt  }
0x79: {  	_ =	shalt  }
0x7a: {  	_ =	shalt  }
0x7b: {  	_ =	shalt  }
0x7c: {  	_ =	shalt  }
0x7d: {  	_ =	shalt  }
0x7e: {  	_ =	shalt  }
0x7f: {  	_ =	shalt  }
0x80: {  	_ =	shalt  }
0x81: {  	_ =	shalt  }
0x82: {  	_ =	shalt  }
0x83: {  	_ =	shalt  }
0x84: {  	_ =	shalt  }
0x85: {  	_ =	shalt  }
0x86: {  	_ =	shalt  }
0x87: {  	_ =	shalt  }
.Lfunc_end0:
.L_simem_size_0:
called_computation_lowered:
.L_overlay_start_0:
0x88: {  	s2 =	sld [smem:$0x3FD9]  }
0x89: {  	s3 =	sld [smem:$0x3FFE];
	_ =	sdelay $0x1  }
0x8a: {  	s1 =	srdreg.scid  }
0x8b: {  	s0 =	sand.u32 $0x1, s1  }
0x8c: {  	s17 =	sshll.u32 s0, $0xA;
	s2 =	sadd.s32 s3, s2  }
0x8d: {  	s2 =	sadd.s32 s2, s17  }
0x8e: {  	[smem:$0x3FC6] =	sst s2  }
0x8f: {  	_ = 	snop  }
0x90: {  	s2 =	sld [smem:$0x3FD0];
	(tm) =	ssettm $0x1  }
0x91: {  	s18 =	sld [smem:$0x3FFB];
	_ =	sdelay $0x3  }
0x92: {  	_ =	strace s18  }
0x93: {  	s3 =	sld [smem:$0x3FFC];
	_ =	sdelay $0x3  }
0x94: {  	_ =	strace s3  }
0x95: {  	s3 =	sld [smem:$0x3FFD];
	_ =	sdelay $0x3  }
0x96: {  	_ =	strace s3  }
0x97: {  	_ =	strace $0x8FFFFFFF  }
0x98: {  	s19 =	sld [smem:$0x3FDB];
	_ =	sdelay $0x1  }
0x99: {  	s4 =	simm.s32 $_scs_section_size  }
0x9a: {  	s5 =	simm.s32 $_size__tile_overlayer_lowered;
	s6 =	simm.s32 $_tile_overlayer_lowered  }
0x9b: {  	s22 =	simm.s32 $0x1BFF;
	s21 =	sshll.u32 s6, $0x1;
	s3 =	sadd.s32 s4, s19  }
0x9c: {  	s7 =	simm.s32 $0x0;
	s20 =	sshll.u32 s5, $0x1;
	s5 =	sadd.s32 s21, s3  }
0x9d: {  	[timem:s7], [sflag:s22] =	dma.local [hbm:s5], s20  }
0x9e: {  	_ =	swait.ge [sflag:s22], s20  }
0x9f: {  	s4 =	ssub.s32 $0x0, s20;
	[sflag:s22] =	ssyncset.done $0x0  }
0xa0: {  	[sflag:s22] =	ssyncadd.s32 s4;
	_ =	sdelay $0x1  }
0xa1: {  	s23 =	simm.s32 $0x1B8B  }
0xa2: {  	_ =	swait.ge [sflag:s23], $0x1  }
0xa3: {  	[sflag:s23] =	ssyncset.done $0x0  }
0xa4: {  	s25 =	simm.s32 $0x1B8E;
	s24 =	sld [smem:$0x3FFE];
	[sflag:s23] =	ssyncadd.s32 $0xFFFFFFFF  }
0xa5: {  	s26 =	simm.s32 $execute0_lowered;
	[smem:$0x3FD2] =	sst s25  }
0xa6: {  	s5 =	sshll.u32 s26, $0x1;
	_ =	strace $0x80000046;
	[dreg:$0x1] =	wrdreg $0xFFFFFFFF  }
0xa7: {  	s28 =	simm.s32 $_size_execute0_lowered;
	s3 =	sadd.s32 s3, s5;
	[dreg:$0x0] =	wrdreg $0x0  }
0xa8: {  	s5 =	sshll.u32 s28, $0x1;
	[dreg:$0x2] =	wrdreg s3  }
0xa9: {  	[dreg:$0x3] =	wrdreg s5  }
0xaa: {  	[dreg:$0x4] =	wrdreg $0xC0  }
0xab: {  	_ =	task [dreg:s7], $0x5FFFF  }
0xac: {  	[dreg:$0x1] =	wrdreg $0xFFFFFFFF  }
0xad: {  	[dreg:$0x0] =	wrdreg $0x60  }
0xae: {  	[dreg:$0x2] =	wrdreg s24  }
0xaf: {  	[dreg:$0x3] =	wrdreg s2  }
0xb0: {  	[dreg:$0x4] =	wrdreg $0x9  }
0xb1: {  	_ =	task.clear_ibuf [dreg:s7], $0x5FFFF;
	_ =	strace $0x90000046  }
0xb2: {  	s29 =	simm.s32 $0x9;
	_ =	strace $0x80000048  }
0xb3: {  	_ =	swait.ge [sflag:s29], $0x1  }
0xb4: {  	[sflag:s29] =	ssyncadd.s32 $0xFFFFFFFF  }
0xb5: {  	_ =	strace $0x90000048  }
0xb6: {  	_ =	sfence  }
0xb7: {  	s30 =	sld [smem:$0x0];
	_ =	sdelay $0x2  }
0xb8: {  	s31 =	sshll.u32 s1, $0xD;
	s1 =	sshrl.u32 s1, $0x2  }
0xb9: {  	s3 =	sand.u32 $0x4000, s31;
	s1 =	sadd.s32 s1, s30  }
0xba: {  	s0 =	sor.u32 s3, s0;
	s1 =	sshll.u32 s1, $0x11  }
0xbb: {  	s0 =	sor.u32 s1, s0  }
0xbc: {  	s0 =	sadd.s32 $0x8F2B, s0  }
0xbd: {  	[sflag:s0] =	ssyncadd.remote.s32 $0x1  }
0xbe: {  	_ =	sfence.sel $0xFFFF  }
0xbf: {  	[dreg:$0x0] =	wrdreg $0xFFFFFFFF;
	(pc) =	sbr.abs _section_cstart, $3  }
0xc0: {  	[dreg:$0x1] =	wrdreg $0xFFFFFFFF  }
0xc1: {  	_ =	task.clear_ibuf [dreg:s7], $0x2FFFF;
	_ =	strace $0x9FFFFFFF  }
0xc2: {  	(tm) =	ssettm $0x7FFFFFFF  }
0xc3: {  	_ =	shalt  }
tec
execute0_lowered:
.L_overlay_start_1:
0x0: {  	(tag) =	ssettag $0x1  }
0x1: {  	s0 =	rddreg [dreg:$0x0];
	s1 =	srdreg.scid  }
0x2: {  	s13 =	stileid.u32;
	s2 =	rddreg [dreg:$0x1];
	s3 =	simm.s32 $0x0  }
0x3: {  	s28 =	simm.s32 $0x4B0;
	s1 =	sand.u32 $0x1, s1;
	s4 =	sshll.u32 s13, $0x1  }
0x4: {  	s31 =	simm.s32 $0x578;
	s30 =	simm.s32 $0x2;
	s4 =	sor.u32 s1, s4  }
0x5: {  	[smem:$0x7FF] =	sst s3;
	s9 =	sadd.s32 $0x400, s0;
	s6 =	smul.u32 $0x3200, s4  }
0x6: {  	s0 =	sadd.s32 $0x64400, s0;
	s5 =	ssub.s32 $0x2, s1;
	s8 =	smul.u32 $0x19000, s4  }
0x7: {  	_ =	strace $0x80000047;
	s7 =	sshrl.u32 s5, $0x1;
	s12 =	smul.u32 $0x64000, s4  }
0x8: {  	s4 =	smul.u32 $0x320000, s4;
	s5 =	ssub.s32 s5, s7;
	s14 =	sadd.s32 s9, s6  }
0x9: {  	s23 =	sor.u32 $0x320, s8;
	s24 =	sor.u32 $0x640, s8;
	s26 =	sor.u32 $0x960, s8  }
0xa: {  	s29 =	sadd.s32 s0, s12;
	s19 =	sadd.s32 $0x189C0, s8;
	s4 =	sshrl.u32 s4, $0x3  }
0xb: {  	s21 =	sadd.s32 $0x18CE0, s8;
	s5 =	smax.u32 s5, $0x1;
	s10 =	sshrl.u32 s23, $0x3  }
0xc: {  	s11 =	sshrl.u32 s24, $0x3;
	[dreg:$0x7] =	wrdreg s29;
	s12 =	sshrl.u32 s26, $0x3  }
0xd: {  	s6 =	sshll.u32 s23, $0x2;
	s15 =	sshll.u32 s24, $0x2;
	s16 =	sadd.s32 $0x190, s14  }
0xe: {  	[dreg:$0x4] =	wrdreg s14;
	s17 =	sadd.s32 $0x1F4, s14;
	s18 =	sshll.u32 s26, $0x2  }
0xf: {  	s20 =	sshrl.u32 s19, $0x3;
	s4 =	sadd.s32 s0, s4;
	[dreg:$0x14] =	wrdreg s5  }
0x10: {  	s23 =	sshrl.u32 s21, $0x3;
	s24 =	smul.u32 $0x6400, s13;
	[dreg:$0xa] =	wrdreg s16  }
0x11: {  	s7 =	sshll.u32 s19, $0x2;
	s10 =	sadd.s32 s9, s10;
	[dreg:$0xc] =	wrdreg s17  }
0x12: {  	s29 =	smul.u32 $0xC8000, s13;
	s25 =	sadd.s32 s9, s11;
	[dreg:$0x5] =	wrdreg s10  }
0x13: {  	s5 =	simm.s32 $0x3;
	s11 =	sadd.s32 s9, s12;
	[dreg:$0x6] =	wrdreg s25  }
0x14: {  	s6 =	sadd.s32 s0, s6;
	s22 =	sadd.s32 $0x60E00, s4;
	[dreg:$0x8] =	wrdreg s11  }
0x15: {  	s8 =	sadd.s32 s9, s23;
	s4 =	sadd.s32 $0x61A80, s4;
	[dreg:$0x9] =	wrdreg s6  }
0x16: {  	s7 =	sadd.s32 s0, s7;
	s23 =	simm.s32 $0xC8;
	[dreg:$0xf] =	wrdreg s22  }
0x17: {  	s16 =	simm.s32 $0x190;
	s17 =	simm.s32 $0x3E80;
	[dreg:$0x10] =	wrdreg s8  }
0x18: {  	s6 =	sadd.s32 s0, s15;
	[dreg:$0x11] =	wrdreg s4;
	s25 =	smul.u32 $0x3200, s1  }
0x19: {  	s26 =	sadd.s32 s24, s9;
	[dreg:$0x12] =	wrdreg s7;
	s1 =	smul.u32 $0x64000, s1  }
0x1a: {  	s22 =	simm.s32 $0x9;
	s15 =	simm.s32 $0x2580;
	s10 =	simm.s32 $0xA280  }
0x1b: {  	s11 =	simm.s32 $0xBB80;
	s7 =	simm.s32 $0x4;
	s8 =	simm.s32 $0x7  }
0x1c: {  	[dreg:$0xb] =	wrdreg s6;
	s6 =	sadd.s32 s0, s18;
	s18 =	simm.s32 $0x1  }
0x1d: {  	[dreg:$0xd] =	wrdreg s6;
	s6 =	sadd.s32 s9, s20;
	s4 =	sadd.s32 s25, s26  }
0x1e: {  	s20 =	simm.s32 $0x258;
	s25 =	simm.s32 $0x3E8;
	s26 =	simm.s32 $0x8980  }
0x1f: {  	s9 =	simm.s32 $0x8;
	[dreg:$0xe] =	wrdreg s6;
	s6 =	sshll.u32 s21, $0x2  }
0x20: {  	[dreg:$0x3] =	wrdreg s4;
	s6 =	sadd.s32 s0, s6;
	s0 =	sadd.s32 s29, s0  }
0x21: {  	s21 =	simm.s32 $0x5780;
	s4 =	simm.s32 $0x0;
	s0 =	sadd.s32 s1, s0  }
0x22: {  	[dreg:$0x13] =	wrdreg s6;
	s1 =	simm.s32 $0x320;
	s0 =	sadd.s32 $0x5780, s0  }
0x23: {  	s6 =	simm.s32 $0x6;
	[dreg:$0x15] =	wrdreg s0;
	s0 =	simm.s32 $0x5  }
.LBB2_1:
0x24: {  	[dreg:$0x16] =	wrdreg s4  }
0x25: {  	s12 =	rddreg [dreg:$0x4]  }
0x26: {  	[tilespmem:s3], [sflag:$0x9] =	stream.linear.gather [hbm4b:s12+s3], $0x320, $0x38;
	[tilespmem:$0x19C80] =	vst v63  }
0x27: {  	_ =	swait.ge [sflag:s22], $0x320  }
0x28: {  	[sflag:s22] =	ssyncset.done $0x0  }
0x29: {  	s24 =	simm.s32 $0xC80;
	[sflag:s22] =	ssyncadd.s32 $0xFFFFFCE0  }
0x2a: {  	[tilespmem:s24], [sflag:$0x1] =	stream.indirect.gather [hbm4b:s2+s23], $0x20, s3, s23, $0xb8;
	[tilespmem:$0x19C80] =	vst v63  }
0x2b: {  	_ = 	snop  }
0x2c: {  	[tilespmem:s15], [sflag:$0x1] =	stream.indirect.gather [hbm4b:s2+s23], $0x20, s23, s23, $0xb8;
	[tilespmem:$0x19C80] =	vst v63  }
0x2d: {  	_ = 	snop  }
0x2e: {  	[tilespmem:s17], [sflag:$0x1] =	stream.indirect.gather [hbm4b:s2+s23], $0x20, s16, s23, $0xb8;
	[tilespmem:$0x19C80] =	vst v63  }
0x2f: {  	_ = 	snop  }
0x30: {  	[tilespmem:s21], [sflag:$0x1] =	stream.indirect.gather [hbm4b:s2+s23], $0x20, s20, s23, $0xb8;
	[tilespmem:$0x19C80] =	vst v63  }
0x31: {  	s19 =	rddreg [dreg:$0x5]  }
0x32: {  	[tilespmem:s1], [sflag:$0x9] =	stream.linear.gather [hbm4b:s19+s3], $0x320, $0x38;
	[tilespmem:$0x19C80] =	vst v63  }
0x33: {  	_ =	swait.ge [sflag:s22], $0x320  }
0x34: {  	[sflag:s22] =	ssyncset.done $0x0  }
0x35: {  	s29 =	simm.s32 $0x7080;
	[sflag:s22] =	ssyncadd.s32 $0xFFFFFCE0  }
0x36: {  	[tilespmem:s29], [sflag:$0x2] =	stream.indirect.gather [hbm4b:s2+s23], $0x20, s1, s23, $0xb8;
	[tilespmem:$0x19C80] =	vst v63  }
0x37: {  	_ = 	snop  }
0x38: {  	[tilespmem:s26], [sflag:$0x2] =	stream.indirect.gather [hbm4b:s2+s23], $0x20, s25, s23, $0xb8;
	[tilespmem:$0x19C80] =	vst v63  }
0x39: {  	_ = 	snop  }
0x3a: {  	[tilespmem:s10], [sflag:$0x2] =	stream.indirect.gather [hbm4b:s2+s23], $0x20, s28, s23, $0xb8;
	[tilespmem:$0x19C80] =	vst v63  }
0x3b: {  	_ = 	snop  }
0x3c: {  	[tilespmem:s11], [sflag:$0x2] =	stream.indirect.gather [hbm4b:s2+s23], $0x20, s31, s23, $0xb8;
	[tilespmem:$0x19C80] =	vst v63  }
0x3d: {  	s4 =	rddreg [dreg:$0x6];
	s11 =	simm.s32 $0x640  }
0x3e: {  	[tilespmem:s11], [sflag:$0x9] =	stream.linear.gather [hbm4b:s4+s3], $0x320, $0x38;
	[tilespmem:$0x19C80] =	vst v63  }
0x3f: {  	_ =	swait.ge [sflag:s22], $0x320  }
0x40: {  	[sflag:s22] =	ssyncset.done $0x0  }
0x41: {  	s13 =	simm.s32 $0xD480;
	[sflag:s22] =	ssyncadd.s32 $0xFFFFFCE0  }
0x42: {  	[tilespmem:s13], [sflag:$0x3] =	stream.indirect.gather [hbm4b:s2+s23], $0x20, s11, s23, $0xb8;
	[tilespmem:$0x19C80] =	vst v63  }
0x43: {  	s14 =	simm.s32 $0x708;
	s19 =	simm.s32 $0xED80  }
0x44: {  	[tilespmem:s19], [sflag:$0x3] =	stream.indirect.gather [hbm4b:s2+s23], $0x20, s14, s23, $0xb8;
	[tilespmem:$0x19C80] =	vst v63  }
0x45: {  	s14 =	simm.s32 $0x7D0;
	s19 =	simm.s32 $0x10680  }
0x46: {  	[tilespmem:s19], [sflag:$0x3] =	stream.indirect.gather [hbm4b:s2+s23], $0x20, s14, s23, $0xb8;
	[tilespmem:$0x19C80] =	vst v63  }
0x47: {  	s14 =	simm.s32 $0x898;
	s19 =	simm.s32 $0x11F80  }
0x48: {  	[tilespmem:s19], [sflag:$0x3] =	stream.indirect.gather [hbm4b:s2+s23], $0x20, s14, s23, $0xb8;
	[tilespmem:$0x19C80] =	vst v63  }
0x49: {  	_ =	swait.ge [sflag:s18], $0x1900  }
0x4a: {  	[sflag:s18] =	ssyncset.done $0x0  }
0x4b: {  	[sflag:s18] =	ssyncadd.s32 $0xFFFFE700  }
0x4c: {  	_ =	swait.ge [sflag:s18], $0x1900  }
0x4d: {  	[sflag:s18] =	ssyncset.done $0x0  }
0x4e: {  	[sflag:s18] =	ssyncadd.s32 $0xFFFFE700  }
0x4f: {  	_ =	swait.ge [sflag:s18], $0x1900  }
0x50: {  	[sflag:s18] =	ssyncset.done $0x0  }
0x51: {  	[sflag:s18] =	ssyncadd.s32 $0xFFFFE700  }
0x52: {  	_ =	swait.ge [sflag:s18], $0x1900  }
0x53: {  	[sflag:s18] =	ssyncset.done $0x0  }
0x54: {  	s14 =	rddreg [dreg:$0x7];
	[sflag:s18] =	ssyncadd.s32 $0xFFFFE700  }
0x55: {  	[hbm4b:s14+s3] =	stream.linear.scatter [tilespmem:s24], [sflag:$0x5], $0x6400, $0x38;
	[tilespmem:$0x19C80] =	vst v63  }
0x56: {  	s4 =	simm.s32 $0x960;
	s19 =	rddreg [dreg:$0x8]  }
0x57: {  	[tilespmem:s4], [sflag:$0x9] =	stream.linear.gather [hbm4b:s19+s3], $0x320, $0x38;
	[tilespmem:$0x19C80] =	vst v63  }
0x58: {  	_ =	swait.ge [sflag:s22], $0x320  }
0x59: {  	[sflag:s22] =	ssyncset.done $0x0  }
0x5a: {  	s19 =	simm.s32 $0x13880;
	[sflag:s22] =	ssyncadd.s32 $0xFFFFFCE0  }
0x5b: {  	[tilespmem:s19], [sflag:$0x4] =	stream.indirect.gather [hbm4b:s2+s23], $0x20, s4, s23, $0xb8;
	[tilespmem:$0x19C80] =	vst v63  }
0x5c: {  	s12 =	simm.s32 $0xA28;
	s14 =	simm.s32 $0x15180  }
0x5d: {  	[tilespmem:s14], [sflag:$0x4] =	stream.indirect.gather [hbm4b:s2+s23], $0x20, s12, s23, $0xb8;
	[tilespmem:$0x19C80] =	vst v63  }
0x5e: {  	s12 =	simm.s32 $0xAF0;
	s14 =	simm.s32 $0x16A80  }
0x5f: {  	[tilespmem:s14], [sflag:$0x4] =	stream.indirect.gather [hbm4b:s2+s23], $0x20, s12, s23, $0xb8;
	[tilespmem:$0x19C80] =	vst v63  }
0x60: {  	s12 =	simm.s32 $0xBB8;
	s14 =	simm.s32 $0x18380  }
0x61: {  	[tilespmem:s14], [sflag:$0x4] =	stream.indirect.gather [hbm4b:s2+s23], $0x20, s12, s23, $0xb8;
	[tilespmem:$0x19C80] =	vst v63  }
0x62: {  	_ =	swait.ge [sflag:s30], $0x1900  }
0x63: {  	[sflag:s30] =	ssyncset.done $0x0  }
0x64: {  	[sflag:s30] =	ssyncadd.s32 $0xFFFFE700  }
0x65: {  	_ =	swait.ge [sflag:s30], $0x1900  }
0x66: {  	[sflag:s30] =	ssyncset.done $0x0  }
0x67: {  	[sflag:s30] =	ssyncadd.s32 $0xFFFFE700  }
0x68: {  	_ =	swait.ge [sflag:s30], $0x1900  }
0x69: {  	[sflag:s30] =	ssyncset.done $0x0  }
0x6a: {  	[sflag:s30] =	ssyncadd.s32 $0xFFFFE700  }
0x6b: {  	_ =	swait.ge [sflag:s30], $0x1900  }
0x6c: {  	[sflag:s30] =	ssyncset.done $0x0  }
0x6d: {  	s14 =	rddreg [dreg:$0x9];
	[sflag:s30] =	ssyncadd.s32 $0xFFFFE700  }
0x6e: {  	[hbm4b:s14+s3] =	stream.linear.scatter [tilespmem:s29], [sflag:$0x6], $0x6400, $0x38;
	[tilespmem:$0x19C80] =	vst v63  }
0x6f: {  	_ =	swait.ge [sflag:s0], $0x6400  }
0x70: {  	[sflag:s0] =	ssyncset.done $0x0  }
0x71: {  	s14 =	rddreg [dreg:$0xa];
	[sflag:s0] =	ssyncadd.s32 $0xFFFF9C00  }
0x72: {  	[tilespmem:s3], [sflag:$0x9] =	stream.linear.gather [hbm4b:s14+s3], $0x320, $0x38;
	[tilespmem:$0x19C80] =	vst v63  }
0x73: {  	_ =	swait.ge [sflag:s22], $0x320  }
0x74: {  	[sflag:s22] =	ssyncset.done $0x0  }
0x75: {  	[sflag:s22] =	ssyncadd.s32 $0xFFFFFCE0  }
0x76: {  	[tilespmem:s24], [sflag:$0x1] =	stream.indirect.gather [hbm4b:s2+s23], $0x20, s3, s23, $0xb8;
	[tilespmem:$0x19C80] =	vst v63  }
0x77: {  	_ = 	snop  }
0x78: {  	[tilespmem:s15], [sflag:$0x1] =	stream.indirect.gather [hbm4b:s2+s23], $0x20, s23, s23, $0xb8;
	[tilespmem:$0x19C80] =	vst v63  }
0x79: {  	_ = 	snop  }
0x7a: {  	[tilespmem:s17], [sflag:$0x1] =	stream.indirect.gather [hbm4b:s2+s23], $0x20, s16, s23, $0xb8;
	[tilespmem:$0x19C80] =	vst v63  }
0x7b: {  	_ = 	snop  }
0x7c: {  	[tilespmem:s21], [sflag:$0x1] =	stream.indirect.gather [hbm4b:s2+s23], $0x20, s20, s23, $0xb8;
	[tilespmem:$0x19C80] =	vst v63  }
0x7d: {  	_ =	swait.ge [sflag:s5], $0x1900  }
0x7e: {  	[sflag:s5] =	ssyncset.done $0x0  }
0x7f: {  	[sflag:s5] =	ssyncadd.s32 $0xFFFFE700  }
0x80: {  	_ =	swait.ge [sflag:s5], $0x1900  }
0x81: {  	[sflag:s5] =	ssyncset.done $0x0  }
0x82: {  	[sflag:s5] =	ssyncadd.s32 $0xFFFFE700  }
0x83: {  	_ =	swait.ge [sflag:s5], $0x1900  }
0x84: {  	[sflag:s5] =	ssyncset.done $0x0  }
0x85: {  	[sflag:s5] =	ssyncadd.s32 $0xFFFFE700  }
0x86: {  	_ =	swait.ge [sflag:s5], $0x1900  }
0x87: {  	[sflag:s5] =	ssyncset.done $0x0  }
0x88: {  	s13 =	simm.s32 $0xD480;
	s14 =	rddreg [dreg:$0xb];
	[sflag:s5] =	ssyncadd.s32 $0xFFFFE700  }
0x89: {  	[hbm4b:s14+s3] =	stream.linear.scatter [tilespmem:s13], [sflag:$0x7], $0x6400, $0x38;
	[tilespmem:$0x19C80] =	vst v63  }
0x8a: {  	_ =	swait.ge [sflag:s6], $0x6400  }
0x8b: {  	[sflag:s6] =	ssyncset.done $0x0  }
0x8c: {  	s13 =	rddreg [dreg:$0xc];
	[sflag:s6] =	ssyncadd.s32 $0xFFFF9C00  }
0x8d: {  	[tilespmem:s1], [sflag:$0x9] =	stream.linear.gather [hbm4b:s13+s3], $0x320, $0x38;
	[tilespmem:$0x19C80] =	vst v63  }
0x8e: {  	_ =	swait.ge [sflag:s22], $0x320  }
0x8f: {  	[sflag:s22] =	ssyncset.done $0x0  }
0x90: {  	[sflag:s22] =	ssyncadd.s32 $0xFFFFFCE0  }
0x91: {  	[tilespmem:s29], [sflag:$0x2] =	stream.indirect.gather [hbm4b:s2+s23], $0x20, s1, s23, $0xb8;
	[tilespmem:$0x19C80] =	vst v63  }
0x92: {  	_ = 	snop  }
0x93: {  	[tilespmem:s26], [sflag:$0x2] =	stream.indirect.gather [hbm4b:s2+s23], $0x20, s25, s23, $0xb8;
	[tilespmem:$0x19C80] =	vst v63  }
0x94: {  	_ = 	snop  }
0x95: {  	[tilespmem:s10], [sflag:$0x2] =	stream.indirect.gather [hbm4b:s2+s23], $0x20, s28, s23, $0xb8;
	[tilespmem:$0x19C80] =	vst v63  }
0x96: {  	s13 =	simm.s32 $0xBB80  }
0x97: {  	[tilespmem:s13], [sflag:$0x2] =	stream.indirect.gather [hbm4b:s2+s23], $0x20, s31, s23, $0xb8;
	[tilespmem:$0x19C80] =	vst v63  }
0x98: {  	_ =	swait.ge [sflag:s7], $0x1900  }
0x99: {  	[sflag:s7] =	ssyncset.done $0x0  }
0x9a: {  	[sflag:s7] =	ssyncadd.s32 $0xFFFFE700  }
0x9b: {  	_ =	swait.ge [sflag:s7], $0x1900  }
0x9c: {  	[sflag:s7] =	ssyncset.done $0x0  }
0x9d: {  	[sflag:s7] =	ssyncadd.s32 $0xFFFFE700  }
0x9e: {  	_ =	swait.ge [sflag:s7], $0x1900  }
0x9f: {  	[sflag:s7] =	ssyncset.done $0x0  }
0xa0: {  	[sflag:s7] =	ssyncadd.s32 $0xFFFFE700  }
0xa1: {  	_ =	swait.ge [sflag:s7], $0x1900  }
0xa2: {  	[sflag:s7] =	ssyncset.done $0x0  }
0xa3: {  	s13 =	rddreg [dreg:$0xd];
	[sflag:s7] =	ssyncadd.s32 $0xFFFFE700  }
0xa4: {  	[hbm4b:s13+s3] =	stream.linear.scatter [tilespmem:s19], [sflag:$0x8], $0x6400, $0x38;
	[tilespmem:$0x19C80] =	vst v63  }
0xa5: {  	_ =	swait.ge [sflag:s8], $0x6400  }
0xa6: {  	s13 =	rddreg [dreg:$0x3]  }
0xa7: {  	[sflag:s8] =	ssyncset.done $0x0;
	s12 =	sadd.s32 $0x0, s13  }
0xa8: {  	[sflag:s8] =	ssyncadd.s32 $0xFFFF9C00;
	s13 =	sadd.s32 $0x258, s12  }
0xa9: {  	[tilespmem:s11], [sflag:$0x9] =	stream.linear.gather [hbm4b:s13+s3], $0x320, $0x38;
	[tilespmem:$0x19C80] =	vst v63  }
0xaa: {  	_ =	swait.ge [sflag:s22], $0x320  }
0xab: {  	[sflag:s22] =	ssyncset.done $0x0  }
0xac: {  	s14 =	simm.s32 $0xD480;
	[sflag:s22] =	ssyncadd.s32 $0xFFFFFCE0  }
0xad: {  	[tilespmem:s14], [sflag:$0x3] =	stream.indirect.gather [hbm4b:s2+s23], $0x20, s11, s23, $0xb8;
	[tilespmem:$0x19C80] =	vst v63  }
0xae: {  	s13 =	simm.s32 $0xED80;
	s14 =	simm.s32 $0x708  }
0xaf: {  	[tilespmem:s13], [sflag:$0x3] =	stream.indirect.gather [hbm4b:s2+s23], $0x20, s14, s23, $0xb8;
	[tilespmem:$0x19C80] =	vst v63  }
0xb0: {  	s13 =	simm.s32 $0x10680;
	s14 =	simm.s32 $0x7D0  }
0xb1: {  	[tilespmem:s13], [sflag:$0x3] =	stream.indirect.gather [hbm4b:s2+s23], $0x20, s14, s23, $0xb8;
	[tilespmem:$0x19C80] =	vst v63  }
0xb2: {  	s13 =	simm.s32 $0x898;
	s14 =	simm.s32 $0x11F80  }
0xb3: {  	[tilespmem:s14], [sflag:$0x3] =	stream.indirect.gather [hbm4b:s2+s23], $0x20, s13, s23, $0xb8;
	[tilespmem:$0x19C80] =	vst v63  }
0xb4: {  	_ =	swait.ge [sflag:s18], $0x1900  }
0xb5: {  	[sflag:s18] =	ssyncset.done $0x0  }
0xb6: {  	[sflag:s18] =	ssyncadd.s32 $0xFFFFE700  }
0xb7: {  	_ =	swait.ge [sflag:s18], $0x1900  }
0xb8: {  	[sflag:s18] =	ssyncset.done $0x0  }
0xb9: {  	[sflag:s18] =	ssyncadd.s32 $0xFFFFE700  }
0xba: {  	_ =	swait.ge [sflag:s18], $0x1900  }
0xbb: {  	[sflag:s18] =	ssyncset.done $0x0  }
0xbc: {  	[sflag:s18] =	ssyncadd.s32 $0xFFFFE700  }
0xbd: {  	_ =	swait.ge [sflag:s18], $0x1900  }
0xbe: {  	[sflag:s18] =	ssyncset.done $0x0;
	s14 =	rddreg [dreg:$0x15]  }
0xbf: {  	[sflag:s18] =	ssyncadd.s32 $0xFFFFE700;
	s13 =	sadd.s32 $0xFFFFDA80, s14  }
0xc0: {  	[hbm4b:s13+s3] =	stream.linear.scatter [tilespmem:s24], [sflag:$0x5], $0x6400, $0x38;
	[tilespmem:$0x19C80] =	vst v63  }
0xc1: {  	_ =	swait.ge [sflag:s9], $0x6400  }
0xc2: {  	[sflag:s9] =	ssyncset.done $0x0  }
0xc3: {  	s13 =	sadd.s32 $0x2BC, s12;
	[sflag:s9] =	ssyncadd.s32 $0xFFFF9C00  }
0xc4: {  	[tilespmem:s4], [sflag:$0x9] =	stream.linear.gather [hbm4b:s13+s3], $0x320, $0x38;
	[tilespmem:$0x19C80] =	vst v63  }
0xc5: {  	_ =	swait.ge [sflag:s22], $0x320  }
0xc6: {  	[sflag:s22] =	ssyncset.done $0x0  }
0xc7: {  	[sflag:s22] =	ssyncadd.s32 $0xFFFFFCE0  }
0xc8: {  	[tilespmem:s19], [sflag:$0x4] =	stream.indirect.gather [hbm4b:s2+s23], $0x20, s4, s23, $0xb8;
	[tilespmem:$0x19C80] =	vst v63  }
0xc9: {  	s13 =	simm.s32 $0xA28;
	s19 =	simm.s32 $0x15180  }
0xca: {  	[tilespmem:s19], [sflag:$0x4] =	stream.indirect.gather [hbm4b:s2+s23], $0x20, s13, s23, $0xb8;
	[tilespmem:$0x19C80] =	vst v63  }
0xcb: {  	s13 =	simm.s32 $0xAF0;
	s19 =	simm.s32 $0x16A80  }
0xcc: {  	[tilespmem:s19], [sflag:$0x4] =	stream.indirect.gather [hbm4b:s2+s23], $0x20, s13, s23, $0xb8;
	[tilespmem:$0x19C80] =	vst v63  }
0xcd: {  	s13 =	simm.s32 $0xBB8;
	s19 =	simm.s32 $0x18380  }
0xce: {  	[tilespmem:s19], [sflag:$0x4] =	stream.indirect.gather [hbm4b:s2+s23], $0x20, s13, s23, $0xb8;
	[tilespmem:$0x19C80] =	vst v63  }
0xcf: {  	_ =	swait.ge [sflag:s30], $0x1900  }
0xd0: {  	[sflag:s30] =	ssyncset.done $0x0  }
0xd1: {  	[sflag:s30] =	ssyncadd.s32 $0xFFFFE700  }
0xd2: {  	_ =	swait.ge [sflag:s30], $0x1900  }
0xd3: {  	[sflag:s30] =	ssyncset.done $0x0  }
0xd4: {  	[sflag:s30] =	ssyncadd.s32 $0xFFFFE700  }
0xd5: {  	_ =	swait.ge [sflag:s30], $0x1900  }
0xd6: {  	[sflag:s30] =	ssyncset.done $0x0  }
0xd7: {  	[sflag:s30] =	ssyncadd.s32 $0xFFFFE700  }
0xd8: {  	_ =	swait.ge [sflag:s30], $0x1900  }
0xd9: {  	[sflag:s30] =	ssyncset.done $0x0  }
0xda: {  	s4 =	sadd.s32 $0xFFFFE700, s14;
	[sflag:s30] =	ssyncadd.s32 $0xFFFFE700  }
0xdb: {  	[hbm4b:s4+s3] =	stream.linear.scatter [tilespmem:s29], [sflag:$0x6], $0x6400, $0x38;
	[tilespmem:$0x19C80] =	vst v63  }
0xdc: {  	_ =	swait.ge [sflag:s0], $0x6400  }
0xdd: {  	[sflag:s0] =	ssyncset.done $0x0  }
0xde: {  	s19 =	sadd.s32 $0x320, s12;
	[sflag:s0] =	ssyncadd.s32 $0xFFFF9C00  }
0xdf: {  	[tilespmem:s3], [sflag:$0x9] =	stream.linear.gather [hbm4b:s19+s3], $0x320, $0x38;
	[tilespmem:$0x19C80] =	vst v63  }
0xe0: {  	_ =	swait.ge [sflag:s22], $0x320  }
0xe1: {  	[sflag:s22] =	ssyncset.done $0x0  }
0xe2: {  	[sflag:s22] =	ssyncadd.s32 $0xFFFFFCE0  }
0xe3: {  	[tilespmem:s24], [sflag:$0x1] =	stream.indirect.gather [hbm4b:s2+s23], $0x20, s3, s23, $0xb8;
	[tilespmem:$0x19C80] =	vst v63  }
0xe4: {  	_ = 	snop  }
0xe5: {  	[tilespmem:s15], [sflag:$0x1] =	stream.indirect.gather [hbm4b:s2+s23], $0x20, s23, s23, $0xb8;
	[tilespmem:$0x19C80] =	vst v63  }
0xe6: {  	_ = 	snop  }
0xe7: {  	[tilespmem:s17], [sflag:$0x1] =	stream.indirect.gather [hbm4b:s2+s23], $0x20, s16, s23, $0xb8;
	[tilespmem:$0x19C80] =	vst v63  }
0xe8: {  	_ = 	snop  }
0xe9: {  	[tilespmem:s21], [sflag:$0x1] =	stream.indirect.gather [hbm4b:s2+s23], $0x20, s20, s23, $0xb8;
	[tilespmem:$0x19C80] =	vst v63  }
0xea: {  	_ =	swait.ge [sflag:s5], $0x1900  }
0xeb: {  	[sflag:s5] =	ssyncset.done $0x0  }
0xec: {  	[sflag:s5] =	ssyncadd.s32 $0xFFFFE700  }
0xed: {  	_ =	swait.ge [sflag:s5], $0x1900  }
0xee: {  	[sflag:s5] =	ssyncset.done $0x0  }
0xef: {  	[sflag:s5] =	ssyncadd.s32 $0xFFFFE700  }
0xf0: {  	_ =	swait.ge [sflag:s5], $0x1900  }
0xf1: {  	[sflag:s5] =	ssyncset.done $0x0  }
0xf2: {  	[sflag:s5] =	ssyncadd.s32 $0xFFFFE700  }
0xf3: {  	_ =	swait.ge [sflag:s5], $0x1900  }
0xf4: {  	[sflag:s5] =	ssyncset.done $0x0  }
0xf5: {  	s11 =	simm.s32 $0xD480;
	s24 =	sadd.s32 $0xFFFFF380, s14;
	[sflag:s5] =	ssyncadd.s32 $0xFFFFE700  }
0xf6: {  	[hbm4b:s24+s3] =	stream.linear.scatter [tilespmem:s11], [sflag:$0x7], $0x6400, $0x38;
	[tilespmem:$0x19C80] =	vst v63  }
0xf7: {  	_ =	swait.ge [sflag:s6], $0x6400  }
0xf8: {  	[sflag:s6] =	ssyncset.done $0x0  }
0xf9: {  	s12 =	sadd.s32 $0x384, s12;
	[sflag:s6] =	ssyncadd.s32 $0xFFFF9C00  }
0xfa: {  	[tilespmem:s1], [sflag:$0x9] =	stream.linear.gather [hbm4b:s12+s3], $0x320, $0x38;
	[tilespmem:$0x19C80] =	vst v63  }
0xfb: {  	_ =	swait.ge [sflag:s22], $0x320  }
0xfc: {  	[sflag:s22] =	ssyncset.done $0x0  }
0xfd: {  	[sflag:s22] =	ssyncadd.s32 $0xFFFFFCE0  }
0xfe: {  	[tilespmem:s29], [sflag:$0x2] =	stream.indirect.gather [hbm4b:s2+s23], $0x20, s1, s23, $0xb8;
	[tilespmem:$0x19C80] =	vst v63  }
0xff: {  	_ = 	snop  }
0x100: {  	[tilespmem:s26], [sflag:$0x2] =	stream.indirect.gather [hbm4b:s2+s23], $0x20, s25, s23, $0xb8;
	[tilespmem:$0x19C80] =	vst v63  }
0x101: {  	_ = 	snop  }
0x102: {  	[tilespmem:s10], [sflag:$0x2] =	stream.indirect.gather [hbm4b:s2+s23], $0x20, s28, s23, $0xb8;
	[tilespmem:$0x19C80] =	vst v63  }
0x103: {  	s26 =	simm.s32 $0xBB80  }
0x104: {  	[tilespmem:s26], [sflag:$0x2] =	stream.indirect.gather [hbm4b:s2+s23], $0x20, s31, s23, $0xb8;
	[tilespmem:$0x19C80] =	vst v63  }
0x105: {  	_ =	swait.ge [sflag:s7], $0x1900  }
0x106: {  	[sflag:s7] =	ssyncset.done $0x0  }
0x107: {  	[sflag:s7] =	ssyncadd.s32 $0xFFFFE700  }
0x108: {  	_ =	swait.ge [sflag:s7], $0x1900  }
0x109: {  	[sflag:s7] =	ssyncset.done $0x0  }
0x10a: {  	[sflag:s7] =	ssyncadd.s32 $0xFFFFE700  }
0x10b: {  	s13 =	sadd.s32 $0x3200, s14;
	s19 =	simm.s32 $0xBB80;
	_ =	swait.ge [sflag:s7], $0x1900  }
0x10c: {  	s17 =	simm.s32 $0x2580;
	s21 =	simm.s32 $0x3E80;
	[sflag:s7] =	ssyncset.done $0x0  }
0x10d: {  	s20 =	simm.s32 $0x190;
	s24 =	simm.s32 $0x4B0;
	[sflag:s7] =	ssyncadd.s32 $0xFFFFE700  }
0x10e: {  	s11 =	simm.s32 $0x578;
	s12 =	simm.s32 $0x190;
	_ =	swait.ge [sflag:s7], $0x1900  }
0x10f: {  	s29 =	simm.s32 $0x8980;
	s25 =	simm.s32 $0x258;
	[sflag:s7] =	ssyncset.done $0x0  }
0x110: {  	s28 =	simm.s32 $0x3E8;
	s26 =	simm.s32 $0x5780;
	[sflag:s7] =	ssyncadd.s32 $0xFFFFE700  }
.LBB2_2:
0x111: {  	s31 =	simm.s32 $0x13880  }
0x112: {  	[hbm4b:s14+s3] =	stream.linear.scatter [tilespmem:s31], [sflag:$0x8], $0x6400, $0x38;
	[tilespmem:$0x19C80] =	vst v63  }
0x113: {  	_ =	swait.ge [sflag:s8], $0x6400  }
0x114: {  	s15 =	smov.u32 s12;
	s16 =	rddreg [dreg:$0x3]  }
0x115: {  	[sflag:s8] =	ssyncset.done $0x0;
	s15 =	sadd.s32 s15, s16  }
0x116: {  	s1 =	simm.s32 $0x640;
	[sflag:s8] =	ssyncadd.s32 $0xFFFF9C00;
	s16 =	sadd.s32 $0x258, s15  }
0x117: {  	[tilespmem:s1], [sflag:$0x9] =	stream.linear.gather [hbm4b:s16+s3], $0x320, $0x38;
	[tilespmem:$0x19C80] =	vst v63  }
0x118: {  	_ =	swait.ge [sflag:s22], $0x320  }
0x119: {  	[sflag:s22] =	ssyncset.done $0x0  }
0x11a: {  	s4 =	simm.s32 $0xD480;
	[sflag:s22] =	ssyncadd.s32 $0xFFFFFCE0  }
0x11b: {  	[tilespmem:s4], [sflag:$0x3] =	stream.indirect.gather [hbm4b:s2+s23], $0x20, s1, s23, $0xb8;
	[tilespmem:$0x19C80] =	vst v63  }
0x11c: {  	s10 =	simm.s32 $0xED80;
	s16 =	simm.s32 $0x708  }
0x11d: {  	[tilespmem:s10], [sflag:$0x3] =	stream.indirect.gather [hbm4b:s2+s23], $0x20, s16, s23, $0xb8;
	[tilespmem:$0x19C80] =	vst v63  }
0x11e: {  	s10 =	simm.s32 $0x7D0;
	s16 =	simm.s32 $0x10680  }
0x11f: {  	[tilespmem:s16], [sflag:$0x3] =	stream.indirect.gather [hbm4b:s2+s23], $0x20, s10, s23, $0xb8;
	[tilespmem:$0x19C80] =	vst v63  }
0x120: {  	s10 =	simm.s32 $0x898;
	s16 =	simm.s32 $0x11F80  }
0x121: {  	[tilespmem:s16], [sflag:$0x3] =	stream.indirect.gather [hbm4b:s2+s23], $0x20, s10, s23, $0xb8;
	[tilespmem:$0x19C80] =	vst v63  }
0x122: {  	_ =	swait.ge [sflag:s18], $0x1900  }
0x123: {  	[sflag:s18] =	ssyncset.done $0x0  }
0x124: {  	[sflag:s18] =	ssyncadd.s32 $0xFFFFE700  }
0x125: {  	_ =	swait.ge [sflag:s18], $0x1900  }
0x126: {  	[sflag:s18] =	ssyncset.done $0x0  }
0x127: {  	[sflag:s18] =	ssyncadd.s32 $0xFFFFE700  }
0x128: {  	_ =	swait.ge [sflag:s18], $0x1900  }
0x129: {  	[sflag:s18] =	ssyncset.done $0x0  }
0x12a: {  	[sflag:s18] =	ssyncadd.s32 $0xFFFFE700  }
0x12b: {  	_ =	swait.ge [sflag:s18], $0x1900  }
0x12c: {  	[sflag:s18] =	ssyncset.done $0x0  }
0x12d: {  	s1 =	simm.s32 $0xC80;
	s10 =	sadd.s32 $0xFFFFDA80, s13;
	[sflag:s18] =	ssyncadd.s32 $0xFFFFE700  }
0x12e: {  	[hbm4b:s10+s3] =	stream.linear.scatter [tilespmem:s1], [sflag:$0x5], $0x6400, $0x38;
	[tilespmem:$0x19C80] =	vst v63  }
0x12f: {  	_ =	swait.ge [sflag:s9], $0x6400  }
0x130: {  	[sflag:s9] =	ssyncset.done $0x0  }
0x131: {  	s16 =	sadd.s32 $0x2BC, s15;
	s10 =	simm.s32 $0x960;
	[sflag:s9] =	ssyncadd.s32 $0xFFFF9C00  }
0x132: {  	[tilespmem:s10], [sflag:$0x9] =	stream.linear.gather [hbm4b:s16+s3], $0x320, $0x38;
	[tilespmem:$0x19C80] =	vst v63  }
0x133: {  	_ =	swait.ge [sflag:s22], $0x320  }
0x134: {  	[sflag:s22] =	ssyncset.done $0x0  }
0x135: {  	[sflag:s22] =	ssyncadd.s32 $0xFFFFFCE0  }
0x136: {  	[tilespmem:s31], [sflag:$0x4] =	stream.indirect.gather [hbm4b:s2+s23], $0x20, s10, s23, $0xb8;
	[tilespmem:$0x19C80] =	vst v63  }
0x137: {  	s16 =	simm.s32 $0x15180;
	s10 =	simm.s32 $0xA28  }
0x138: {  	[tilespmem:s16], [sflag:$0x4] =	stream.indirect.gather [hbm4b:s2+s23], $0x20, s10, s23, $0xb8;
	[tilespmem:$0x19C80] =	vst v63  }
0x139: {  	s10 =	simm.s32 $0xAF0;
	s16 =	simm.s32 $0x16A80  }
0x13a: {  	[tilespmem:s16], [sflag:$0x4] =	stream.indirect.gather [hbm4b:s2+s23], $0x20, s10, s23, $0xb8;
	[tilespmem:$0x19C80] =	vst v63  }
0x13b: {  	s10 =	simm.s32 $0xBB8;
	s16 =	simm.s32 $0x18380  }
0x13c: {  	[tilespmem:s16], [sflag:$0x4] =	stream.indirect.gather [hbm4b:s2+s23], $0x20, s10, s23, $0xb8;
	[tilespmem:$0x19C80] =	vst v63  }
0x13d: {  	_ =	swait.ge [sflag:s30], $0x1900  }
0x13e: {  	[sflag:s30] =	ssyncset.done $0x0  }
0x13f: {  	[sflag:s30] =	ssyncadd.s32 $0xFFFFE700  }
0x140: {  	_ =	swait.ge [sflag:s30], $0x1900  }
0x141: {  	[sflag:s30] =	ssyncset.done $0x0  }
0x142: {  	[sflag:s30] =	ssyncadd.s32 $0xFFFFE700  }
0x143: {  	_ =	swait.ge [sflag:s30], $0x1900  }
0x144: {  	[sflag:s30] =	ssyncset.done $0x0  }
0x145: {  	[sflag:s30] =	ssyncadd.s32 $0xFFFFE700  }
0x146: {  	_ =	swait.ge [sflag:s30], $0x1900  }
0x147: {  	[sflag:s30] =	ssyncset.done $0x0  }
0x148: {  	s16 =	sadd.s32 $0xFFFFE700, s13;
	s10 =	simm.s32 $0x7080;
	[sflag:s30] =	ssyncadd.s32 $0xFFFFE700  }
0x149: {  	[hbm4b:s16+s3] =	stream.linear.scatter [tilespmem:s10], [sflag:$0x6], $0x6400, $0x38;
	[tilespmem:$0x19C80] =	vst v63  }
0x14a: {  	_ =	swait.ge [sflag:s0], $0x6400  }
0x14b: {  	[sflag:s0] =	ssyncset.done $0x0  }
0x14c: {  	s16 =	sadd.s32 $0x320, s15;
	[sflag:s0] =	ssyncadd.s32 $0xFFFF9C00  }
0x14d: {  	[tilespmem:s3], [sflag:$0x9] =	stream.linear.gather [hbm4b:s16+s3], $0x320, $0x38;
	[tilespmem:$0x19C80] =	vst v63  }
0x14e: {  	_ =	swait.ge [sflag:s22], $0x320  }
0x14f: {  	[sflag:s22] =	ssyncset.done $0x0  }
0x150: {  	[sflag:s22] =	ssyncadd.s32 $0xFFFFFCE0  }
0x151: {  	[tilespmem:s1], [sflag:$0x1] =	stream.indirect.gather [hbm4b:s2+s23], $0x20, s3, s23, $0xb8;
	[tilespmem:$0x19C80] =	vst v63  }
0x152: {  	_ = 	snop  }
0x153: {  	[tilespmem:s17], [sflag:$0x1] =	stream.indirect.gather [hbm4b:s2+s23], $0x20, s23, s23, $0xb8;
	[tilespmem:$0x19C80] =	vst v63  }
0x154: {  	_ = 	snop  }
0x155: {  	[tilespmem:s21], [sflag:$0x1] =	stream.indirect.gather [hbm4b:s2+s23], $0x20, s20, s23, $0xb8;
	[tilespmem:$0x19C80] =	vst v63  }
0x156: {  	_ = 	snop  }
0x157: {  	[tilespmem:s26], [sflag:$0x1] =	stream.indirect.gather [hbm4b:s2+s23], $0x20, s25, s23, $0xb8;
	[tilespmem:$0x19C80] =	vst v63  }
0x158: {  	_ =	swait.ge [sflag:s5], $0x1900  }
0x159: {  	[sflag:s5] =	ssyncset.done $0x0  }
0x15a: {  	[sflag:s5] =	ssyncadd.s32 $0xFFFFE700  }
0x15b: {  	_ =	swait.ge [sflag:s5], $0x1900  }
0x15c: {  	[sflag:s5] =	ssyncset.done $0x0  }
0x15d: {  	[sflag:s5] =	ssyncadd.s32 $0xFFFFE700  }
0x15e: {  	_ =	swait.ge [sflag:s5], $0x1900  }
0x15f: {  	[sflag:s5] =	ssyncset.done $0x0  }
0x160: {  	[sflag:s5] =	ssyncadd.s32 $0xFFFFE700  }
0x161: {  	_ =	swait.ge [sflag:s5], $0x1900  }
0x162: {  	[sflag:s5] =	ssyncset.done $0x0  }
0x163: {  	s16 =	sadd.s32 $0xFFFFF380, s13;
	[sflag:s5] =	ssyncadd.s32 $0xFFFFE700  }
0x164: {  	[hbm4b:s16+s3] =	stream.linear.scatter [tilespmem:s4], [sflag:$0x7], $0x6400, $0x38;
	[tilespmem:$0x19C80] =	vst v63  }
0x165: {  	_ =	swait.ge [sflag:s6], $0x6400  }
0x166: {  	[sflag:s6] =	ssyncset.done $0x0  }
0x167: {  	s15 =	sadd.s32 $0x384, s15;
	s1 =	simm.s32 $0x320;
	[sflag:s6] =	ssyncadd.s32 $0xFFFF9C00  }
0x168: {  	[tilespmem:s1], [sflag:$0x9] =	stream.linear.gather [hbm4b:s15+s3], $0x320, $0x38;
	[tilespmem:$0x19C80] =	vst v63  }
0x169: {  	_ =	swait.ge [sflag:s22], $0x320  }
0x16a: {  	[sflag:s22] =	ssyncset.done $0x0  }
0x16b: {  	[sflag:s22] =	ssyncadd.s32 $0xFFFFFCE0  }
0x16c: {  	[tilespmem:s10], [sflag:$0x2] =	stream.indirect.gather [hbm4b:s2+s23], $0x20, s1, s23, $0xb8;
	[tilespmem:$0x19C80] =	vst v63  }
0x16d: {  	_ = 	snop  }
0x16e: {  	[tilespmem:s29], [sflag:$0x2] =	stream.indirect.gather [hbm4b:s2+s23], $0x20, s28, s23, $0xb8;
	[tilespmem:$0x19C80] =	vst v63  }
0x16f: {  	s10 =	simm.s32 $0xA280  }
0x170: {  	[tilespmem:s10], [sflag:$0x2] =	stream.indirect.gather [hbm4b:s2+s23], $0x20, s24, s23, $0xb8;
	[tilespmem:$0x19C80] =	vst v63  }
0x171: {  	_ = 	snop  }
0x172: {  	[tilespmem:s19], [sflag:$0x2] =	stream.indirect.gather [hbm4b:s2+s23], $0x20, s11, s23, $0xb8;
	[tilespmem:$0x19C80] =	vst v63  }
0x173: {  	_ =	swait.ge [sflag:s7], $0x1900  }
0x174: {  	[sflag:s7] =	ssyncset.done $0x0  }
0x175: {  	[sflag:s7] =	ssyncadd.s32 $0xFFFFE700  }
0x176: {  	_ =	swait.ge [sflag:s7], $0x1900  }
0x177: {  	[sflag:s7] =	ssyncset.done $0x0  }
0x178: {  	[sflag:s7] =	ssyncadd.s32 $0xFFFFE700  }
0x179: {  	p0 =	sne.s32 s12, $0x2D50;
	_ =	swait.ge [sflag:s7], $0x1900  }
.Ltmp0:
0x17a: {  	[sflag:s7] =	ssyncset.done $0x0;
	(pc) =	sbr.rel @p0 .LBB2_2-.Ltmp0, $4  }
0x17b: {  	[sflag:s7] =	ssyncadd.s32 $0xFFFFE700  }
0x17c: {  	s12 =	sadd.s32 $0x190, s12;
	_ =	swait.ge [sflag:s7], $0x1900  }
0x17d: {  	s14 =	smov.u32 s13;
	s31 =	simm.s32 $0xC80;
	[sflag:s7] =	ssyncset.done $0x0  }
0x17e: {  	s13 =	sadd.s32 $0x3200, s13;
	s15 =	simm.s32 $0x7080;
	[sflag:s7] =	ssyncadd.s32 $0xFFFFE700  }
0x17f: {  	s13 =	simm.s32 $0x13880  }
0x180: {  	[hbm4b:s14+s3] =	stream.linear.scatter [tilespmem:s13], [sflag:$0x8], $0x6400, $0x38;
	[tilespmem:$0x19C80] =	vst v63  }
0x181: {  	_ =	swait.ge [sflag:s8], $0x6400  }
0x182: {  	[sflag:s8] =	ssyncset.done $0x0  }
0x183: {  	s11 =	simm.s32 $0x640;
	s12 =	rddreg [dreg:$0xe];
	[sflag:s8] =	ssyncadd.s32 $0xFFFF9C00  }
0x184: {  	[tilespmem:s11], [sflag:$0x9] =	stream.linear.gather [hbm4b:s12+s3], $0x320, $0x38;
	[tilespmem:$0x19C80] =	vst v63  }
0x185: {  	_ =	swait.ge [sflag:s22], $0x320  }
0x186: {  	[sflag:s22] =	ssyncset.done $0x0  }
0x187: {  	s4 =	simm.s32 $0xD480;
	[sflag:s22] =	ssyncadd.s32 $0xFFFFFCE0  }
0x188: {  	[tilespmem:s4], [sflag:$0x3] =	stream.indirect.gather [hbm4b:s2+s23], $0x20, s11, s23, $0xb8;
	[tilespmem:$0x19C80] =	vst v63  }
0x189: {  	s16 =	simm.s32 $0x708;
	s17 =	simm.s32 $0xED80  }
0x18a: {  	[tilespmem:s17], [sflag:$0x3] =	stream.indirect.gather [hbm4b:s2+s23], $0x20, s16, s23, $0xb8;
	[tilespmem:$0x19C80] =	vst v63  }
0x18b: {  	s19 =	simm.s32 $0x7D0;
	s20 =	simm.s32 $0x10680  }
0x18c: {  	[tilespmem:s20], [sflag:$0x3] =	stream.indirect.gather [hbm4b:s2+s23], $0x20, s19, s23, $0xb8;
	[tilespmem:$0x19C80] =	vst v63  }
0x18d: {  	s21 =	simm.s32 $0x898;
	s24 =	simm.s32 $0x11F80  }
0x18e: {  	[tilespmem:s24], [sflag:$0x3] =	stream.indirect.gather [hbm4b:s2+s23], $0x20, s21, s23, $0xb8;
	[tilespmem:$0x19C80] =	vst v63  }
0x18f: {  	_ =	swait.ge [sflag:s18], $0x1900  }
0x190: {  	[sflag:s18] =	ssyncset.done $0x0  }
0x191: {  	[sflag:s18] =	ssyncadd.s32 $0xFFFFE700  }
0x192: {  	_ =	swait.ge [sflag:s18], $0x1900  }
0x193: {  	[sflag:s18] =	ssyncset.done $0x0  }
0x194: {  	[sflag:s18] =	ssyncadd.s32 $0xFFFFE700  }
0x195: {  	_ =	swait.ge [sflag:s18], $0x1900  }
0x196: {  	[sflag:s18] =	ssyncset.done $0x0  }
0x197: {  	[sflag:s18] =	ssyncadd.s32 $0xFFFFE700  }
0x198: {  	_ =	swait.ge [sflag:s18], $0x1900  }
0x199: {  	[sflag:s18] =	ssyncset.done $0x0  }
0x19a: {  	s25 =	rddreg [dreg:$0xf];
	[sflag:s18] =	ssyncadd.s32 $0xFFFFE700  }
0x19b: {  	[hbm4b:s25+s3] =	stream.linear.scatter [tilespmem:s31], [sflag:$0x5], $0x6400, $0x38;
	[tilespmem:$0x19C80] =	vst v63  }
0x19c: {  	_ =	swait.ge [sflag:s9], $0x6400  }
0x19d: {  	[sflag:s9] =	ssyncset.done $0x0  }
0x19e: {  	s29 =	simm.s32 $0x960;
	s26 =	rddreg [dreg:$0x10];
	[sflag:s9] =	ssyncadd.s32 $0xFFFF9C00  }
0x19f: {  	[tilespmem:s29], [sflag:$0x9] =	stream.linear.gather [hbm4b:s26+s3], $0x320, $0x38;
	[tilespmem:$0x19C80] =	vst v63  }
0x1a0: {  	_ =	swait.ge [sflag:s22], $0x320  }
0x1a1: {  	[sflag:s22] =	ssyncset.done $0x0  }
0x1a2: {  	[sflag:s22] =	ssyncadd.s32 $0xFFFFFCE0  }
0x1a3: {  	[tilespmem:s13], [sflag:$0x4] =	stream.indirect.gather [hbm4b:s2+s23], $0x20, s29, s23, $0xb8;
	[tilespmem:$0x19C80] =	vst v63  }
0x1a4: {  	s14 =	simm.s32 $0x15180;
	s12 =	simm.s32 $0xA28  }
0x1a5: {  	[tilespmem:s14], [sflag:$0x4] =	stream.indirect.gather [hbm4b:s2+s23], $0x20, s12, s23, $0xb8;
	[tilespmem:$0x19C80] =	vst v63  }
0x1a6: {  	s16 =	simm.s32 $0xAF0;
	s17 =	simm.s32 $0x16A80  }
0x1a7: {  	[tilespmem:s17], [sflag:$0x4] =	stream.indirect.gather [hbm4b:s2+s23], $0x20, s16, s23, $0xb8;
	[tilespmem:$0x19C80] =	vst v63  }
0x1a8: {  	s19 =	simm.s32 $0xBB8;
	s20 =	simm.s32 $0x18380  }
0x1a9: {  	[tilespmem:s20], [sflag:$0x4] =	stream.indirect.gather [hbm4b:s2+s23], $0x20, s19, s23, $0xb8;
	[tilespmem:$0x19C80] =	vst v63  }
0x1aa: {  	_ =	swait.ge [sflag:s30], $0x1900  }
0x1ab: {  	[sflag:s30] =	ssyncset.done $0x0  }
0x1ac: {  	[sflag:s30] =	ssyncadd.s32 $0xFFFFE700  }
0x1ad: {  	_ =	swait.ge [sflag:s30], $0x1900  }
0x1ae: {  	[sflag:s30] =	ssyncset.done $0x0  }
0x1af: {  	[sflag:s30] =	ssyncadd.s32 $0xFFFFE700  }
0x1b0: {  	_ =	swait.ge [sflag:s30], $0x1900  }
0x1b1: {  	[sflag:s30] =	ssyncset.done $0x0  }
0x1b2: {  	[sflag:s30] =	ssyncadd.s32 $0xFFFFE700  }
0x1b3: {  	_ =	swait.ge [sflag:s30], $0x1900  }
0x1b4: {  	[sflag:s30] =	ssyncset.done $0x0  }
0x1b5: {  	s21 =	rddreg [dreg:$0x11];
	[sflag:s30] =	ssyncadd.s32 $0xFFFFE700  }
0x1b6: {  	[hbm4b:s21+s3] =	stream.linear.scatter [tilespmem:s15], [sflag:$0x6], $0x6400, $0x38;
	[tilespmem:$0x19C80] =	vst v63  }
0x1b7: {  	_ =	swait.ge [sflag:s5], $0x1900  }
0x1b8: {  	[sflag:s5] =	ssyncset.done $0x0  }
0x1b9: {  	[sflag:s5] =	ssyncadd.s32 $0xFFFFE700  }
0x1ba: {  	_ =	swait.ge [sflag:s5], $0x1900  }
0x1bb: {  	[sflag:s5] =	ssyncset.done $0x0  }
0x1bc: {  	[sflag:s5] =	ssyncadd.s32 $0xFFFFE700  }
0x1bd: {  	_ =	swait.ge [sflag:s5], $0x1900  }
0x1be: {  	[sflag:s5] =	ssyncset.done $0x0  }
0x1bf: {  	[sflag:s5] =	ssyncadd.s32 $0xFFFFE700  }
0x1c0: {  	_ =	swait.ge [sflag:s5], $0x1900  }
0x1c1: {  	[sflag:s5] =	ssyncset.done $0x0  }
0x1c2: {  	s24 =	rddreg [dreg:$0x12];
	[sflag:s5] =	ssyncadd.s32 $0xFFFFE700  }
0x1c3: {  	[hbm4b:s24+s3] =	stream.linear.scatter [tilespmem:s4], [sflag:$0x7], $0x6400, $0x38;
	[tilespmem:$0x19C80] =	vst v63  }
0x1c4: {  	_ =	swait.ge [sflag:s7], $0x1900  }
0x1c5: {  	[sflag:s7] =	ssyncset.done $0x0  }
0x1c6: {  	[sflag:s7] =	ssyncadd.s32 $0xFFFFE700  }
0x1c7: {  	_ =	swait.ge [sflag:s7], $0x1900  }
0x1c8: {  	[sflag:s7] =	ssyncset.done $0x0  }
0x1c9: {  	[sflag:s7] =	ssyncadd.s32 $0xFFFFE700  }
0x1ca: {  	_ =	swait.ge [sflag:s7], $0x1900  }
0x1cb: {  	[sflag:s7] =	ssyncset.done $0x0  }
0x1cc: {  	[sflag:s7] =	ssyncadd.s32 $0xFFFFE700  }
0x1cd: {  	_ =	swait.ge [sflag:s7], $0x1900  }
0x1ce: {  	[sflag:s7] =	ssyncset.done $0x0  }
0x1cf: {  	s25 =	rddreg [dreg:$0x13];
	[sflag:s7] =	ssyncadd.s32 $0xFFFFE700  }
0x1d0: {  	[hbm4b:s25+s3] =	stream.linear.scatter [tilespmem:s13], [sflag:$0x8], $0x6400, $0x38;
	[tilespmem:$0x19C80] =	vst v63  }
0x1d1: {  	_ =	swait.ge [sflag:s0], $0x6400  }
0x1d2: {  	[sflag:s0] =	ssyncset.done $0x0  }
0x1d3: {  	[sflag:s0] =	ssyncadd.s32 $0xFFFF9C00  }
0x1d4: {  	_ =	swait.ge [sflag:s6], $0x6400  }
0x1d5: {  	[sflag:s6] =	ssyncset.done $0x0  }
0x1d6: {  	[sflag:s6] =	ssyncadd.s32 $0xFFFF9C00  }
0x1d7: {  	_ =	swait.ge [sflag:s8], $0x6400  }
0x1d8: {  	[sflag:s8] =	ssyncset.done $0x0  }
0x1d9: {  	[sflag:s8] =	ssyncadd.s32 $0xFFFF9C00  }
0x1da: {  	_ =	swait.ge [sflag:s9], $0x6400  }
0x1db: {  	s26 =	rddreg [dreg:$0x16]  }
0x1dc: {  	s29 =	rddreg [dreg:$0x14];
	s4 =	sadd.s32 $0x1, s26  }
0x1dd: {  	p0 =	sne.s32 s4, s29  }
.Ltmp1:
0x1de: {  	_ = 	snop;
	(pc) =	sbr.rel @p0 .LBB2_1-.Ltmp1, $4  }
0x1df: {  	s28 =	simm.s32 $0x4B0;
	s11 =	simm.s32 $0xBB80;
	s31 =	simm.s32 $0x578  }
0x1e0: {  	s16 =	simm.s32 $0x190;
	s17 =	simm.s32 $0x3E80;
	s20 =	simm.s32 $0x258  }
0x1e1: {  	s15 =	simm.s32 $0x2580;
	s21 =	simm.s32 $0x5780;
	[sflag:s9] =	ssyncset.done $0x0  }
0x1e2: {  	s25 =	simm.s32 $0x3E8;
	[sflag:s9] =	ssyncadd.s32 $0xFFFF9C00;
	s26 =	simm.s32 $0x8980  }
0x1e3: {  	_ =	sfence.sel $0x180000  }
0x1e4: {  	[bflag:$0x0] =	sbarrier.arrive $0xFFFF  }
0x1e5: {  	_ =	strace $0x90000047  }
0x1e6: {  	s0 =	stileid.u32;
	[bflag:$0x2] =	sbarrier.arrive $0xFFFF  }
0x1e7: {  	p0 =	sne.s32 s0, $0x0;
	s0 =	rddreg [dreg:$0x2]  }
0x1e8: {  	s0 =	sadd.s32 @!p0 $0x100000, s0  }
0x1e9: {  	[sflag:s0] =	ssyncadd.tile.s32 @!p0 $0x1;
	_ =	shalt  }
.Lfunc_end2:
_tile_overlayer_lowered:
.L_overlay_start_2:
0x1ea: {  	(tag) =	ssettag $0x2  }
0x1eb: {  	s0 =	rddreg [dreg:$0x0];
	s2 =	stileid.u32  }
0x1ec: {  	s1 =	rddreg [dreg:$0x1];
	p0 =	sne.s32 s2, $0x0  }
0x1ed: {  	s3 =	rddreg [dreg:$0x2];
	[bflag:$0x3] =	sbarrier.arrive $0xFFFF;
	s2 =	simm.s32 @!p0 $0x1C09  }
0x1ee: {  	[timem:s3], [sflag:s2] =	dma.local @!p0 [hbm:s0], s1  }
0x1ef: {  	s0 =	simm.s32 @!p0 $0x9  }
0x1f0: {  	_ =	swait.ge @!p0 [sflag:s0], s1  }
0x1f1: {  	s1 =	ssub.s32 @!p0 $0x0, s1;
	[sflag:s0] =	ssyncset.done @!p0 $0x0  }
0x1f2: {  	[sflag:s0] =	ssyncadd.s32 @!p0 s1  }
0x1f3: {  	[bflag:$0x3] =	sbarrier.arrive $0xFFFF  }
0x1f4: {  	_ =	shalt  }

</sc_bundles>
